<compile_context>
chip_gen: v7x
topology: tpu7x:2x2x1
jax: 0.10.2.dev20260603
libtpu: 0.0.44.dev20260713+nightly
codegen_flags: <defaults>
</compile_context>

<pallas_src>
import dataclasses
import functools

import jax
import jax.numpy as jnp
from jax import lax
from jax.experimental import pallas as pl
from jax.experimental.pallas import tpu as pltpu
from jax.experimental.pallas import tpu_sc as plsc

F32 = jnp.float32
BF16 = jnp.bfloat16



def _fold_img(x):
    B = x.shape[0]
    x = x.reshape(B, 3, 28, 2, 4, 28, 2, 4)
    return lax.reshape(x, (B, 4, 784, 48), dimensions=(0, 3, 6, 2, 5, 1, 4, 7))


def _fold_w1(w):
    cout = w.shape[0]
    w = w.reshape(cout, 3, 2, 4, 2, 4)
    w = w.transpose(2, 4, 1, 3, 5, 0)
    return w.reshape(4, 48, cout)


def _taps_w(w):
    o, i, kh, kw = w.shape
    return jnp.transpose(w, (2, 3, 1, 0)).reshape(kh * kw, i, o)


def _bd4(parts, rows, cols):
    total = 4 * rows
    return jnp.concatenate(
        [jnp.pad(p, ((0, 0), (rows * g, total - rows * (g + 1)), (0, 0)))
         for g, p in enumerate(parts)], axis=2)



def _wprep_body(*refs):
    (t2s0, t2s1, t2s2, t2s3, t2i, t3s0, t3s1, t3s2, t3s3, t3i, m1i) = refs[:11]
    (w2s_ref, w3s_ref, w2i_ref, w3i_ref, w1i_ref) = refs[11:]
    w2s_ref[:] = _bd4([t2s0[:], t2s1[:], t2s2[:], t2s3[:]], 32, 64).astype(BF16)
    w3s_ref[:] = _bd4([t3s0[:], t3s1[:], t3s2[:], t3s3[:]], 64, 64).astype(BF16)
    w2i_ref[:] = _bd4([t2i[:]] * 4, 32, 64)
    w3i_ref[:] = _bd4([t3i[:]] * 4, 64, 64)
    w1i_ref[:] = _bd4([m1i[:]] * 4, 48, 32)


def _wprep_call(t2s, t3s, t2i, t3i, m1i):
    ins = t2s + [t2i] + t3s + [t3i, m1i]
    full = lambda a: pl.BlockSpec(a.shape, lambda: (0,) * a.ndim)
    outs = [jax.ShapeDtypeStruct((16, 128, 256), BF16),
            jax.ShapeDtypeStruct((9, 256, 256), BF16),
            jax.ShapeDtypeStruct((16, 128, 256), F32),
            jax.ShapeDtypeStruct((9, 256, 256), F32),
            jax.ShapeDtypeStruct((4, 192, 128), F32)]
    return pl.pallas_call(
        _wprep_body,
        in_specs=[full(a) for a in ins],
        out_specs=[pl.BlockSpec(o.shape, lambda: (0, 0, 0)) for o in outs],
        out_shape=outs,
    )(*ins)



def _shift(a, off):
    if off == 0:
        return a
    return jnp.pad(a[off:784, :], ((0, off), (0, 0)))


def _conv_stack_body(x_ref, w1_ref, w2_ref, w3_ref, b1_ref, b2_ref, b3_ref,
                     o_ref, *, nimg):
    cdt = w1_ref.dtype
    if nimg == 1:
        xq = [x_ref[0, q].astype(cdt) for q in range(4)]
    else:
        xq = [jnp.concatenate([x_ref[g, q] for g in range(nimg)],
                              axis=1).astype(cdt) for q in range(4)]
    y1 = []
    for ph in range(2):
        for pw in range(2):
            acc = jnp.zeros((784, 128), F32)
            for dh in range(2):
                for dw in range(2):
                    qh, oh = (ph + dh) % 2, (ph + dh) // 2
                    qw, ow = (pw + dw) % 2, (pw + dw) // 2
                    xs = _shift(xq[2 * qh + qw], 28 * oh + ow)
                    acc = acc + lax.dot(xs, w1_ref[2 * dh + dw],
                                        preferred_element_type=F32)
            y1.append(jnp.maximum(acc + b1_ref[:], 0.0).astype(cdt))
    acc = jnp.zeros((784, 256), F32)
    for kh in range(4):
        for kw in range(4):
            q = 2 * (kh % 2) + (kw % 2)
            off = 28 * (kh // 2) + (kw // 2)
            acc = acc + lax.dot(_shift(y1[q], off), w2_ref[4 * kh + kw],
                                preferred_element_type=F32)
    y2 = jnp.maximum(acc + b2_ref[:], 0.0).astype(cdt)
    acc = jnp.zeros((784, 256), F32)
    for di in range(3):
        for dj in range(3):
            acc = acc + lax.dot(_shift(y2, 28 * di + dj), w3_ref[3 * di + dj],
                                preferred_element_type=F32)
    y3 = acc + b3_ref[:]
    rows = lax.broadcasted_iota(jnp.int32, (784, 256), 0)
    valid = ((rows // 28) < 24) & ((rows % 28) < 24)
    y3 = jnp.where(valid, y3, 0.0)
    o_ref[0, 0, :] = jnp.sum(y3, axis=0) / 576.0


def _conv_stack_call(xf, w1, w2, w3, b1, b2, b3, grid, nimg):
    full = lambda a: pl.BlockSpec(a.shape, lambda i: (0,) * a.ndim)
    return pl.pallas_call(
        functools.partial(_conv_stack_body, nimg=nimg),
        grid=(grid,),
        in_specs=[
            pl.BlockSpec((nimg, 4, 784, 48), lambda i: (i, 0, 0, 0)),
            full(w1), full(w2), full(w3), full(b1), full(b2), full(b3),
        ],
        out_specs=pl.BlockSpec((1, 1, 256), lambda i: (i, 0, 0)),
        out_shape=jax.ShapeDtypeStruct((grid, 1, 256), F32),
        compiler_params=pltpu.CompilerParams(
            dimension_semantics=("parallel",)),
    )(xf, w1, w2, w3, b1, b2, b3)[:, 0, :]



def _mlp3(x, w1, b1, w2, b2, w3, b3):
    x = jnp.maximum(lax.dot(x, w1, preferred_element_type=F32) + b1, 0.0)
    x = jnp.maximum(lax.dot(x, w2, preferred_element_type=F32) + b2, 0.0)
    return jnp.maximum(lax.dot(x, w3, preferred_element_type=F32) + b3, 0.0)


def _head1_body(*refs):
    (fimg_ref, h0_ref, l0_ref, pb_ref, pbt_ref) = refs[:5]
    wl = [r[:] for r in refs[5:-3]]
    loss_ref, d_ref, pe_ref = refs[-3], refs[-2], refs[-1]

    it = iter(wl)
    nxt = lambda n: [next(it) for _ in range(n)]

    f_img = _mlp3(fimg_ref[:], *nxt(6))
    h = h0_ref[:]
    w1, b1, w2, b2 = nxt(4)
    h = jnp.maximum(lax.dot(h, w1, preferred_element_type=F32) + b1, 0.0)
    h = jnp.maximum(lax.dot(h, w2, preferred_element_type=F32) + b2, 0.0)
    x = jnp.concatenate([f_img, h], axis=1)
    f_w = _mlp3(x, *nxt(6))
    w1, b1, w2, b2, w3, b3 = nxt(6)
    w = jnp.maximum(lax.dot(f_w, w1, preferred_element_type=F32) + b1, 0.0)
    w = jnp.maximum(lax.dot(w, w2, preferred_element_type=F32) + b2, 0.0)
    w_0 = jax.nn.sigmoid(lax.dot(w, w3, preferred_element_type=F32) + b3)

    pe = jax.nn.sigmoid(pb_ref[:])
    pet = jax.nn.sigmoid(pbt_ref[:])
    d = (jnp.sum(w_0 * w_0, axis=1, keepdims=True)
         + jnp.sum(pet * pet, axis=0, keepdims=True)
         - 2.0 * lax.dot(w_0, pet, preferred_element_type=F32))
    nd = -d
    m = jnp.max(nd, axis=1, keepdims=True)
    lse = jnp.log(jnp.sum(jnp.exp(nd - m), axis=1, keepdims=True)) + m
    p_pred = nd - lse
    xs = -l0_ref[:] / 1e-05
    m2 = jnp.max(xs, axis=1, keepdims=True)
    e = jnp.exp(xs - m2)
    p_true = e / jnp.sum(e, axis=1, keepdims=True)
    loss = -jnp.sum(p_true * p_pred) / 32.0
    loss_ref[:] = jnp.broadcast_to(loss, (8, 128))
    d_ref[:] = d
    pe_ref[:] = jnp.pad(pe, ((0, 0), (0, 12)))


def _vq_sc_call(d, pe16):
    mesh = plsc.VectorSubcoreMesh(core_axis_name="c", subcore_axis_name="s")

    def body(d_hbm, pe_hbm, wq_hbm, drow, sem):
        r = lax.axis_index("c") * 16 + lax.axis_index("s")
        pltpu.async_copy(d_hbm.at[r], drow, sem).wait()
        iota = lax.iota(jnp.int32, 16)
        bestv = drow[pl.ds(0, 16)]
        bestn = iota
        for ch in range(1, 32):
            v = drow[pl.ds(16 * ch, 16)]
            upd = v < bestv
            bestv = jnp.where(upd, v, bestv)
            bestn = jnp.where(upd, iota + 16 * ch, bestn)
        gmin = jnp.min(bestv)
        cand = jnp.where(bestv == gmin, bestn, jnp.int32(1 << 30))
        idx = jnp.min(cand)
        pltpu.async_copy(pe_hbm.at[idx], wq_hbm.at[r], sem).wait()

    cp = pltpu.CompilerParams()
    if "needs_layout_passes" in pltpu.CompilerParams.__dataclass_fields__:
        cp = dataclasses.replace(cp, needs_layout_passes=False)
    return pl.kernel(
        body,
        out_type=jax.ShapeDtypeStruct((32, 16), F32),
        mesh=mesh,
        scratch_types=[pltpu.VMEM((512,), F32), pltpu.SemaphoreType.DMA],
        compiler_params=cp,
    )(d, pe16)


def _head2_body(*refs):
    (fsub_ref, wq_ref, at_ref) = refs[:3]
    wl = [r[:] for r in refs[3:-1]]
    amse_ref = refs[-1]

    it = iter(wl)
    nxt = lambda n: [next(it) for _ in range(n)]

    w_q = wq_ref[:][:, 0:4]
    fsub = fsub_ref[:]
    at = at_ref[:]
    num = jnp.zeros((32, 7), F32)
    den = jnp.zeros((32, 7), F32)
    for i in range(4):
        feat = _mlp3(fsub[:, 64 * i:64 * i + 64], *nxt(6))
        s1w, s1b, s2w, s2b, s3w, s3b = nxt(6)
        s = jnp.maximum(lax.dot(feat, s1w, preferred_element_type=F32) + s1b, 0.0)
        s = jnp.maximum(lax.dot(s, s2w, preferred_element_type=F32) + s2b, 0.0)
        s = lax.dot(s, s3w, preferred_element_type=F32) + s3b
        mu = s[:, :7]
        pre = s[:, 7:14]
        sd = jnp.maximum(pre, 0.0) + jnp.log1p(jnp.exp(-jnp.abs(pre))) + 0.001
        lv = jnp.log(sd)
        inv = w_q[:, i:i + 1] / (jnp.exp(lv) + 1e-06)
        num = num + inv * mu
        den = den + inv
    mean = num / (den + 1e-06)
    amse = jnp.mean((at[:, :7] - mean) ** 2, axis=1, keepdims=True)
    amse_ref[:] = jnp.broadcast_to(amse, (32, 128))



def kernel(x_0, x_t, h_0, l_0, a_t, params):
    p = params
    img = p['img']
    subs = p['sub']

    w1s = jnp.concatenate([_fold_w1(s['c1w']) for s in subs], axis=-1).astype(BF16)
    w2s, w3s, w2i, w3i, w1i = _wprep_call(
        [_taps_w(s['c2w']) for s in subs], [_taps_w(s['c3w']) for s in subs],
        _taps_w(img['c2w']), _taps_w(img['c3w']), _fold_w1(img['c1w']))
    b1s = jnp.concatenate([s['c1b'] for s in subs])[None, :]
    b2s = jnp.concatenate([s['c2b'] for s in subs])[None, :]
    b3s = jnp.concatenate([s['c3b'] for s in subs])[None, :]
    b1i = jnp.tile(img['c1b'], 4)[None, :]
    b2i = jnp.tile(img['c2b'], 4)[None, :]
    b3i = jnp.tile(img['c3b'], 4)[None, :]

    xtf = _fold_img(x_t)
    x0f = _fold_img(x_0)

    fsub = _conv_stack_call(xtf, w1s, w2s, w3s, b1s, b2s, b3s,
                            grid=32, nimg=1)
    fimg4 = _conv_stack_call(x0f, w1i, w2i, w3i, b1i, b2i, b3i,
                             grid=8, nimg=4)
    fimg = fimg4.reshape(8, 4, 64).reshape(32, 64)

    vec = lambda b: b[None, :]
    full = lambda a: pl.BlockSpec(a.shape, lambda: (0,) * a.ndim)

    w_h1 = []
    w_h1 += [img['f1w'], vec(img['f1b']), img['f2w'], vec(img['f2b']),
             img['f3w'], vec(img['f3b'])]
    w_h1 += [p['fs1w'], vec(p['fs1b']), p['fs2w'], vec(p['fs2b'])]
    w_h1 += [p['fa1w'], vec(p['fa1b']), p['fa2w'], vec(p['fa2b']),
             p['fa3w'], vec(p['fa3b'])]
    w_h1 += [p['fw1w'], vec(p['fw1b']), p['fw2w'], vec(p['fw2b']),
             p['fw3w'], vec(p['fw3b'])]
    ins1 = [fimg, h_0, l_0, p['playbook'], p['playbook'].T] + w_h1
    loss2d, d_mat, pe16 = pl.pallas_call(
        _head1_body,
        in_specs=[full(a) for a in ins1],
        out_specs=[pl.BlockSpec((8, 128), lambda: (0, 0)),
                   pl.BlockSpec((32, 512), lambda: (0, 0)),
                   pl.BlockSpec((512, 16), lambda: (0, 0))],
        out_shape=[jax.ShapeDtypeStruct((8, 128), F32),
                   jax.ShapeDtypeStruct((32, 512), F32),
                   jax.ShapeDtypeStruct((512, 16), F32)],
    )(*ins1)

    wq16 = _vq_sc_call(d_mat, pe16)

    w_h2 = []
    for s in subs:
        w_h2 += [s['f1w'], vec(s['f1b']), s['f2w'], vec(s['f2b']),
                 s['f3w'], vec(s['f3b'])]
        w_h2 += [s['st1w'], vec(s['st1b']), s['st2w'], vec(s['st2b']),
                 s['st3w'], vec(s['st3b'])]
    ins2 = [fsub, wq16, a_t] + w_h2
    amse2d = pl.pallas_call(
        _head2_body,
        in_specs=[full(a) for a in ins2],
        out_specs=pl.BlockSpec((32, 128), lambda: (0, 0)),
        out_shape=jax.ShapeDtypeStruct((32, 128), F32),
    )(*ins2)

    distill_loss = loss2d[0, 0]
    a_mse_loss = amse2d[:, 0]
    g_mse_loss = jnp.zeros((1,), F32)
    return distill_loss, a_mse_loss, g_mse_loss

# --- scband reference (transcript-rebuilt; emitter-appended) ---
"""Pipeline reference for scband-distillation-3977139716729 (READ-ONLY COPY).

The authoritative reference and input builder live on the scoring server;
editing this copy changes nothing except your own understanding.
"""

import jax, jax.numpy as jnp
import numpy as np
from jax import lax

C = 3
B = 32
HW = 224
C_DIM = 64
H_DIM = 64
N_SUBPOLS = 4
N_WEIGHTS = 512
Z_A_DIM = 64
ACTION_DIM = 8
PLAY_ACTION_DIM = 7
TEMPERATURE = 1.0


def _conv(x, w, b, s):
    y = lax.conv_general_dilated(x, w, (s, s), 'VALID', dimension_numbers=('NCHW', 'OIHW', 'NCHW'))
    return y + b[None, :, None, None]


def _img_params(key):
    ks = jax.random.split(key, 6)
    return {
        'c1w': jax.random.normal(ks[0], (C_DIM // 2, C, 8, 8), dtype=jnp.float32) * 0.05, 'c1b': jnp.zeros((C_DIM // 2,), dtype=jnp.float32),
        'c2w': jax.random.normal(ks[1], (C_DIM, C_DIM // 2, 4, 4), dtype=jnp.float32) * 0.05, 'c2b': jnp.zeros((C_DIM,), dtype=jnp.float32),
        'c3w': jax.random.normal(ks[2], (C_DIM, C_DIM, 3, 3), dtype=jnp.float32) * 0.05, 'c3b': jnp.zeros((C_DIM,), dtype=jnp.float32),
        'f1w': jax.random.normal(ks[3], (C_DIM, 400), dtype=jnp.float32) * 0.05, 'f1b': jnp.zeros((400,), dtype=jnp.float32),
        'f2w': jax.random.normal(ks[4], (400, 300), dtype=jnp.float32) * 0.05, 'f2b': jnp.zeros((300,), dtype=jnp.float32),
        'f3w': jax.random.normal(ks[5], (300, H_DIM), dtype=jnp.float32) * 0.05, 'f3b': jnp.zeros((H_DIM,), dtype=jnp.float32),
    }


def _sub_params(key):
    ks = jax.random.split(key, 4)
    p = _img_params(ks[0])
    p['st1w'] = jax.random.normal(ks[1], (H_DIM, 64), dtype=jnp.float32) * 0.05
    p['st1b'] = jnp.zeros((64,), dtype=jnp.float32)
    p['st2w'] = jax.random.normal(ks[2], (64, 64), dtype=jnp.float32) * 0.05
    p['st2b'] = jnp.zeros((64,), dtype=jnp.float32)
    p['st3w'] = jax.random.normal(ks[3], (64, PLAY_ACTION_DIM * 2), dtype=jnp.float32) * 0.05
    p['st3b'] = jnp.zeros((PLAY_ACTION_DIM * 2,), dtype=jnp.float32)
    return p


def _image2feature(x, p):
    x = jax.nn.relu(_conv(x, p['c1w'], p['c1b'], 4))
    x = jax.nn.relu(_conv(x, p['c2w'], p['c2b'], 2))
    x = _conv(x, p['c3w'], p['c3b'], 1)
    x = jnp.mean(x, axis=(2, 3))
    x = jax.nn.relu(x @ p['f1w'] + p['f1b'])
    x = jax.nn.relu(x @ p['f2w'] + p['f2b'])
    x = jax.nn.relu(x @ p['f3w'] + p['f3b'])
    return x


def setup_inputs(seed: int = 0):
    key = jax.random.key(seed)
    ks = jax.random.split(key, 20)
    params = {
        'img': _img_params(ks[0]),
        'fs1w': jax.random.normal(ks[1], (Z_A_DIM, 256), dtype=jnp.float32) * 0.05, 'fs1b': jnp.zeros((256,), dtype=jnp.float32),
        'fs2w': jax.random.normal(ks[2], (256, H_DIM), dtype=jnp.float32) * 0.05, 'fs2b': jnp.zeros((H_DIM,), dtype=jnp.float32),
        'fa1w': jax.random.normal(ks[3], (H_DIM * 2, 256), dtype=jnp.float32) * 0.05, 'fa1b': jnp.zeros((256,), dtype=jnp.float32),
        'fa2w': jax.random.normal(ks[4], (256, 256), dtype=jnp.float32) * 0.05, 'fa2b': jnp.zeros((256,), dtype=jnp.float32),
        'fa3w': jax.random.normal(ks[5], (256, H_DIM), dtype=jnp.float32) * 0.05, 'fa3b': jnp.zeros((H_DIM,), dtype=jnp.float32),
        'fw1w': jax.random.normal(ks[6], (H_DIM, 400), dtype=jnp.float32) * 0.05, 'fw1b': jnp.zeros((400,), dtype=jnp.float32),
        'fw2w': jax.random.normal(ks[7], (400, 300), dtype=jnp.float32) * 0.05, 'fw2b': jnp.zeros((300,), dtype=jnp.float32),
        'fw3w': jax.random.normal(ks[8], (300, N_SUBPOLS), dtype=jnp.float32) * 0.05, 'fw3b': jnp.zeros((N_SUBPOLS,), dtype=jnp.float32),
        'playbook': jax.random.normal(ks[9], (N_WEIGHTS, N_SUBPOLS), dtype=jnp.float32) * 0.5,
        'sub': [_sub_params(jax.random.fold_in(ks[10], i)) for i in range(N_SUBPOLS)],
    }
    return {
        'x_0': jax.random.normal(ks[11], (B, C, HW, HW), dtype=jnp.float32),
        'x_t': jax.random.normal(ks[12], (B, C, HW, HW), dtype=jnp.float32),
        'h_0': jax.random.normal(ks[13], (B, Z_A_DIM), dtype=jnp.float32),
        'l_0': jax.random.uniform(ks[14], (B, N_WEIGHTS), dtype=jnp.float32),
        'a_t': jax.random.normal(ks[15], (B, ACTION_DIM), dtype=jnp.float32),
        'params': params,
    }


def reference(x_0, x_t, h_0, l_0, a_t, params):
    # fn_distill = Sel_I2F
    f_img = _image2feature(x_0, params['img'])
    h = jax.nn.relu(h_0 @ params['fs1w'] + params['fs1b'])
    h = jax.nn.relu(h @ params['fs2w'] + params['fs2b'])
    x = jnp.concatenate([f_img, h], axis=1)
    x = jax.nn.relu(x @ params['fa1w'] + params['fa1b'])
    x = jax.nn.relu(x @ params['fa2w'] + params['fa2b'])
    f_w = jax.nn.relu(x @ params['fa3w'] + params['fa3b'])
    # wn_distill = Sel_F2W with sigmoid activation
    w = jax.nn.relu(f_w @ params['fw1w'] + params['fw1b'])
    w = jax.nn.relu(w @ params['fw2w'] + params['fw2b'])
    w_0 = jax.nn.sigmoid(w @ params['fw3w'] + params['fw3b'])
    # VQ over playbook codebook
    playbook_ext = jax.nn.sigmoid(params['playbook'])
    d = jnp.sum(w_0 ** 2, axis=1, keepdims=True) + jnp.sum(playbook_ext ** 2, axis=1) - 2.0 * (w_0 @ playbook_ext.T)
    p_play_pred = jax.nn.log_softmax(-d / TEMPERATURE, axis=1)
    p_play_true = jax.nn.softmax(-l_0 / 1e-05, axis=1)
    distill_loss = -jnp.mean(jnp.sum(p_play_true * p_play_pred, axis=1))
    min_idx = jnp.argmin(d, axis=1)
    min_encodings = jax.nn.one_hot(min_idx, N_WEIGHTS, dtype=playbook_ext.dtype)
    w_q = min_encodings @ playbook_ext
    w_t = w_q[:, :, None]
    # subpolicies
    mus, lvs = [], []
    for i in range(N_SUBPOLS):
        p = params['sub'][i]
        feat = _image2feature(x_t, p)
        s = jax.nn.relu(feat @ p['st1w'] + p['st1b'])
        s = jax.nn.relu(s @ p['st2w'] + p['st2b'])
        s = s @ p['st3w'] + p['st3b']
        mean_i = s[:, :PLAY_ACTION_DIM]
        pre_stddev = s[:, PLAY_ACTION_DIM:]
        stddev = jax.nn.softplus(pre_stddev) + 0.001
        mus.append(mean_i)
        lvs.append(jnp.log(stddev))
    mu_total = jnp.stack(mus, axis=1)
    lv_total = jnp.stack(lvs, axis=1)
    inv = w_t / (jnp.exp(lv_total) + 1e-06)
    mean = jnp.sum(inv * mu_total, axis=1) / (jnp.sum(inv, axis=1) + 1e-06)
    a_mse_loss = jnp.mean((a_t[:, :PLAY_ACTION_DIM] - mean) ** 2, axis=1)
    g_mse_loss = jnp.array([0.0], dtype=a_mse_loss.dtype)
    return distill_loss, a_mse_loss, g_mse_loss

if __name__ == "__main__":
    import jax
    _d = setup_inputs()
    print(jax.jit(kernel)(*tuple(_d.values())))

</pallas_src>

<mosaic_0001>
#map = affine_map<(d0, d1) -> (0, 0)>
module attributes {stable_mosaic.version = 14 : i64} {
  func.func @body(%arg0: i32, %arg1: i32, %arg2: memref<32x512xf32, #tpu.memory_space<hbm>>, %arg3: memref<512x16xf32, #tpu.memory_space<hbm>>, %arg4: memref<32x16xf32, #tpu.memory_space<hbm>>, %arg5: memref<512xf32, #tpu.memory_space<vmem>>, %arg6: memref<!tpu.dma_semaphore, #tpu.memory_space<semaphore_mem>>) attributes {dimension_semantics = [#tpu.dimension_semantics<core_parallel>, #tpu.dimension_semantics<subcore_parallel>], iteration_bounds = array<i64: 2, 16>, scalar_prefetch = 0 : i64, scratch_operands = 2 : i64, tpu.core_type = #tpu.core_type<sc_vector_subcore>, window_params = [{transform_indices = #map}, {transform_indices = #map}, {transform_indices = #map}]} {
    %mul3A = arith.constant 16 : i32
    %mul3A_0 = arith.muli %arg0, %mul3A : i32
    %add3A = arith.addi %mul3A_0, %arg1 : i32
    %dma_start3A = arith.constant 0 : i32
    %dma_start3A_1 = tpu.memref_slice %arg2[%add3A, %dma_start3A] : memref<32x512xf32, #tpu.memory_space<hbm>> -> memref<1x512xf32, #tpu.memory_space<hbm>>
    %dma_start3A_2 = tpu.memref_squeeze %dma_start3A_1 : memref<1x512xf32, #tpu.memory_space<hbm>> -> memref<512xf32, #tpu.memory_space<hbm>>
    %dma_start3A_3 = arith.constant 0 : i32
    %dma_start3A_4 = tpu.memref_slice %arg2[%add3A, %dma_start3A_3] : memref<32x512xf32, #tpu.memory_space<hbm>> -> memref<1x512xf32, #tpu.memory_space<hbm>>
    %dma_start3A_5 = tpu.memref_squeeze %dma_start3A_4 : memref<1x512xf32, #tpu.memory_space<hbm>> -> memref<512xf32, #tpu.memory_space<hbm>>
    tpu.enqueue_dma source(%dma_start3A_5 : memref<512xf32, #tpu.memory_space<hbm>>) target(%arg5 : memref<512xf32, #tpu.memory_space<vmem>>) target_semaphore(%arg6 : memref<!tpu.dma_semaphore, #tpu.memory_space<semaphore_mem>>)
    %dma_wait3A = arith.constant 0 : i32
    %dma_wait3A_6 = tpu.memref_slice %arg2[%add3A, %dma_wait3A] : memref<32x512xf32, #tpu.memory_space<hbm>> -> memref<1x512xf32, #tpu.memory_space<hbm>>
    %dma_wait3A_7 = tpu.memref_squeeze %dma_wait3A_6 : memref<1x512xf32, #tpu.memory_space<hbm>> -> memref<512xf32, #tpu.memory_space<hbm>>
    %dma_wait3A_8 = arith.constant 0 : i32
    %dma_wait3A_9 = tpu.memref_slice %arg2[%add3A, %dma_wait3A_8] : memref<32x512xf32, #tpu.memory_space<hbm>> -> memref<1x512xf32, #tpu.memory_space<hbm>>
    %dma_wait3A_10 = tpu.memref_squeeze %dma_wait3A_9 : memref<1x512xf32, #tpu.memory_space<hbm>> -> memref<512xf32, #tpu.memory_space<hbm>>
    tpu.wait_dma2 semaphore(%arg6 : memref<!tpu.dma_semaphore, #tpu.memory_space<semaphore_mem>>) src(%dma_wait3A_10 : memref<512xf32, #tpu.memory_space<hbm>>) dst(%arg5 : memref<512xf32, #tpu.memory_space<vmem>>)
    %iota3A = tpu.iota {dimensions = array<i32: 0>} : vector<16xi32>
    %get3A = arith.constant 0 : index
    %get3A_11 = tpu.vector_load %arg5[%get3A] {strides = array<i32>} : memref<512xf32, #tpu.memory_space<vmem>>, vector<16xf32>,
    %get3A_12 = arith.constant 16 : index
    %get3A_13 = tpu.vector_load %arg5[%get3A_12] {strides = array<i32>} : memref<512xf32, #tpu.memory_space<vmem>>, vector<16xf32>,
    %lt3A = arith.cmpf olt, %get3A_13, %get3A_11 : vector<16xf32>
    %select_n3A = arith.select %lt3A, %get3A_13, %get3A_11 : vector<16xi1>, vector<16xf32>
    %add3A_14 = arith.constant 16 : i32
    %add3A_15 = vector.broadcast %add3A_14 : i32 to vector<16xi32>
    %add3A_16 = arith.addi %iota3A, %add3A_15 : vector<16xi32>
    %select_n3A_17 = arith.select %lt3A, %add3A_16, %iota3A : vector<16xi1>, vector<16xi32>
    %get3A_18 = arith.constant 32 : index
    %get3A_19 = tpu.vector_load %arg5[%get3A_18] {strides = array<i32>} : memref<512xf32, #tpu.memory_space<vmem>>, vector<16xf32>,
    %lt3A_20 = arith.cmpf olt, %get3A_19, %select_n3A : vector<16xf32>
    %select_n3A_21 = arith.select %lt3A_20, %get3A_19, %select_n3A : vector<16xi1>, vector<16xf32>
    %add3A_22 = arith.constant 32 : i32
    %add3A_23 = vector.broadcast %add3A_22 : i32 to vector<16xi32>
    %add3A_24 = arith.addi %iota3A, %add3A_23 : vector<16xi32>
    %select_n3A_25 = arith.select %lt3A_20, %add3A_24, %select_n3A_17 : vector<16xi1>, vector<16xi32>
    %get3A_26 = arith.constant 48 : index
    %get3A_27 = tpu.vector_load %arg5[%get3A_26] {strides = array<i32>} : memref<512xf32, #tpu.memory_space<vmem>>, vector<16xf32>,
    %lt3A_28 = arith.cmpf olt, %get3A_27, %select_n3A_21 : vector<16xf32>
    %select_n3A_29 = arith.select %lt3A_28, %get3A_27, %select_n3A_21 : vector<16xi1>, vector<16xf32>
    %add3A_30 = arith.constant 48 : i32
    %add3A_31 = vector.broadcast %add3A_30 : i32 to vector<16xi32>
    %add3A_32 = arith.addi %iota3A, %add3A_31 : vector<16xi32>
    %select_n3A_33 = arith.select %lt3A_28, %add3A_32, %select_n3A_25 : vector<16xi1>, vector<16xi32>
    %get3A_34 = arith.constant 64 : index
    %get3A_35 = tpu.vector_load %arg5[%get3A_34] {strides = array<i32>} : memref<512xf32, #tpu.memory_space<vmem>>, vector<16xf32>,
    %lt3A_36 = arith.cmpf olt, %get3A_35, %select_n3A_29 : vector<16xf32>
    %select_n3A_37 = arith.select %lt3A_36, %get3A_35, %select_n3A_29 : vector<16xi1>, vector<16xf32>
    %add3A_38 = arith.constant 64 : i32
    %add3A_39 = vector.broadcast %add3A_38 : i32 to vector<16xi32>
    %add3A_40 = arith.addi %iota3A, %add3A_39 : vector<16xi32>
    %select_n3A_41 = arith.select %lt3A_36, %add3A_40, %select_n3A_33 : vector<16xi1>, vector<16xi32>
    %get3A_42 = arith.constant 80 : index
    %get3A_43 = tpu.vector_load %arg5[%get3A_42] {strides = array<i32>} : memref<512xf32, #tpu.memory_space<vmem>>, vector<16xf32>,
    %lt3A_44 = arith.cmpf olt, %get3A_43, %select_n3A_37 : vector<16xf32>
    %select_n3A_45 = arith.select %lt3A_44, %get3A_43, %select_n3A_37 : vector<16xi1>, vector<16xf32>
    %add3A_46 = arith.constant 80 : i32
    %add3A_47 = vector.broadcast %add3A_46 : i32 to vector<16xi32>
    %add3A_48 = arith.addi %iota3A, %add3A_47 : vector<16xi32>
    %select_n3A_49 = arith.select %lt3A_44, %add3A_48, %select_n3A_41 : vector<16xi1>, vector<16xi32>
    %get3A_50 = arith.constant 96 : index
    %get3A_51 = tpu.vector_load %arg5[%get3A_50] {strides = array<i32>} : memref<512xf32, #tpu.memory_space<vmem>>, vector<16xf32>,
    %lt3A_52 = arith.cmpf olt, %get3A_51, %select_n3A_45 : vector<16xf32>
    %select_n3A_53 = arith.select %lt3A_52, %get3A_51, %select_n3A_45 : vector<16xi1>, vector<16xf32>
    %add3A_54 = arith.constant 96 : i32
    %add3A_55 = vector.broadcast %add3A_54 : i32 to vector<16xi32>
    %add3A_56 = arith.addi %iota3A, %add3A_55 : vector<16xi32>
    %select_n3A_57 = arith.select %lt3A_52, %add3A_56, %select_n3A_49 : vector<16xi1>, vector<16xi32>
    %get3A_58 = arith.constant 112 : index
    %get3A_59 = tpu.vector_load %arg5[%get3A_58] {strides = array<i32>} : memref<512xf32, #tpu.memory_space<vmem>>, vector<16xf32>,
    %lt3A_60 = arith.cmpf olt, %get3A_59, %select_n3A_53 : vector<16xf32>
    %select_n3A_61 = arith.select %lt3A_60, %get3A_59, %select_n3A_53 : vector<16xi1>, vector<16xf32>
    %add3A_62 = arith.constant 112 : i32
    %add3A_63 = vector.broadcast %add3A_62 : i32 to vector<16xi32>
    %add3A_64 = arith.addi %iota3A, %add3A_63 : vector<16xi32>
    %select_n3A_65 = arith.select %lt3A_60, %add3A_64, %select_n3A_57 : vector<16xi1>, vector<16xi32>
    %get3A_66 = arith.constant 128 : index
    %get3A_67 = tpu.vector_load %arg5[%get3A_66] {strides = array<i32>} : memref<512xf32, #tpu.memory_space<vmem>>, vector<16xf32>,
    %lt3A_68 = arith.cmpf olt, %get3A_67, %select_n3A_61 : vector<16xf32>
    %select_n3A_69 = arith.select %lt3A_68, %get3A_67, %select_n3A_61 : vector<16xi1>, vector<16xf32>
    %add3A_70 = arith.constant 128 : i32
    %add3A_71 = vector.broadcast %add3A_70 : i32 to vector<16xi32>
    %add3A_72 = arith.addi %iota3A, %add3A_71 : vector<16xi32>
    %select_n3A_73 = arith.select %lt3A_68, %add3A_72, %select_n3A_65 : vector<16xi1>, vector<16xi32>
    %get3A_74 = arith.constant 144 : index
    %get3A_75 = tpu.vector_load %arg5[%get3A_74] {strides = array<i32>} : memref<512xf32, #tpu.memory_space<vmem>>, vector<16xf32>,
    %lt3A_76 = arith.cmpf olt, %get3A_75, %select_n3A_69 : vector<16xf32>
    %select_n3A_77 = arith.select %lt3A_76, %get3A_75, %select_n3A_69 : vector<16xi1>, vector<16xf32>
    %add3A_78 = arith.constant 144 : i32
    %add3A_79 = vector.broadcast %add3A_78 : i32 to vector<16xi32>
    %add3A_80 = arith.addi %iota3A, %add3A_79 : vector<16xi32>
    %select_n3A_81 = arith.select %lt3A_76, %add3A_80, %select_n3A_73 : vector<16xi1>, vector<16xi32>
    %get3A_82 = arith.constant 160 : index
    %get3A_83 = tpu.vector_load %arg5[%get3A_82] {strides = array<i32>} : memref<512xf32, #tpu.memory_space<vmem>>, vector<16xf32>,
    %lt3A_84 = arith.cmpf olt, %get3A_83, %select_n3A_77 : vector<16xf32>
    %select_n3A_85 = arith.select %lt3A_84, %get3A_83, %select_n3A_77 : vector<16xi1>, vector<16xf32>
    %add3A_86 = arith.constant 160 : i32
    %add3A_87 = vector.broadcast %add3A_86 : i32 to vector<16xi32>
    %add3A_88 = arith.addi %iota3A, %add3A_87 : vector<16xi32>
    %select_n3A_89 = arith.select %lt3A_84, %add3A_88, %select_n3A_81 : vector<16xi1>, vector<16xi32>
    %get3A_90 = arith.constant 176 : index
    %get3A_91 = tpu.vector_load %arg5[%get3A_90] {strides = array<i32>} : memref<512xf32, #tpu.memory_space<vmem>>, vector<16xf32>,
    %lt3A_92 = arith.cmpf olt, %get3A_91, %select_n3A_85 : vector<16xf32>
    %select_n3A_93 = arith.select %lt3A_92, %get3A_91, %select_n3A_85 : vector<16xi1>, vector<16xf32>
    %add3A_94 = arith.constant 176 : i32
    %add3A_95 = vector.broadcast %add3A_94 : i32 to vector<16xi32>
    %add3A_96 = arith.addi %iota3A, %add3A_95 : vector<16xi32>
    %select_n3A_97 = arith.select %lt3A_92, %add3A_96, %select_n3A_89 : vector<16xi1>, vector<16xi32>
    %get3A_98 = arith.constant 192 : index
    %get3A_99 = tpu.vector_load %arg5[%get3A_98] {strides = array<i32>} : memref<512xf32, #tpu.memory_space<vmem>>, vector<16xf32>,
    %lt3A_100 = arith.cmpf olt, %get3A_99, %select_n3A_93 : vector<16xf32>
    %select_n3A_101 = arith.select %lt3A_100, %get3A_99, %select_n3A_93 : vector<16xi1>, vector<16xf32>
    %add3A_102 = arith.constant 192 : i32
    %add3A_103 = vector.broadcast %add3A_102 : i32 to vector<16xi32>
    %add3A_104 = arith.addi %iota3A, %add3A_103 : vector<16xi32>
    %select_n3A_105 = arith.select %lt3A_100, %add3A_104, %select_n3A_97 : vector<16xi1>, vector<16xi32>
    %get3A_106 = arith.constant 208 : index
    %get3A_107 = tpu.vector_load %arg5[%get3A_106] {strides = array<i32>} : memref<512xf32, #tpu.memory_space<vmem>>, vector<16xf32>,
    %lt3A_108 = arith.cmpf olt, %get3A_107, %select_n3A_101 : vector<16xf32>
    %select_n3A_109 = arith.select %lt3A_108, %get3A_107, %select_n3A_101 : vector<16xi1>, vector<16xf32>
    %add3A_110 = arith.constant 208 : i32
    %add3A_111 = vector.broadcast %add3A_110 : i32 to vector<16xi32>
    %add3A_112 = arith.addi %iota3A, %add3A_111 : vector<16xi32>
    %select_n3A_113 = arith.select %lt3A_108, %add3A_112, %select_n3A_105 : vector<16xi1>, vector<16xi32>
    %get3A_114 = arith.constant 224 : index
    %get3A_115 = tpu.vector_load %arg5[%get3A_114] {strides = array<i32>} : memref<512xf32, #tpu.memory_space<vmem>>, vector<16xf32>,
    %lt3A_116 = arith.cmpf olt, %get3A_115, %select_n3A_109 : vector<16xf32>
    %select_n3A_117 = arith.select %lt3A_116, %get3A_115, %select_n3A_109 : vector<16xi1>, vector<16xf32>
    %add3A_118 = arith.constant 224 : i32
    %add3A_119 = vector.broadcast %add3A_118 : i32 to vector<16xi32>
    %add3A_120 = arith.addi %iota3A, %add3A_119 : vector<16xi32>
    %select_n3A_121 = arith.select %lt3A_116, %add3A_120, %select_n3A_113 : vector<16xi1>, vector<16xi32>
    %get3A_122 = arith.constant 240 : index
    %get3A_123 = tpu.vector_load %arg5[%get3A_122] {strides = array<i32>} : memref<512xf32, #tpu.memory_space<vmem>>, vector<16xf32>,
    %lt3A_124 = arith.cmpf olt, %get3A_123, %select_n3A_117 : vector<16xf32>
    %select_n3A_125 = arith.select %lt3A_124, %get3A_123, %select_n3A_117 : vector<16xi1>, vector<16xf32>
    %add3A_126 = arith.constant 240 : i32
    %add3A_127 = vector.broadcast %add3A_126 : i32 to vector<16xi32>
    %add3A_128 = arith.addi %iota3A, %add3A_127 : vector<16xi32>
    %select_n3A_129 = arith.select %lt3A_124, %add3A_128, %select_n3A_121 : vector<16xi1>, vector<16xi32>
    %get3A_130 = arith.constant 256 : index
    %get3A_131 = tpu.vector_load %arg5[%get3A_130] {strides = array<i32>} : memref<512xf32, #tpu.memory_space<vmem>>, vector<16xf32>,
    %lt3A_132 = arith.cmpf olt, %get3A_131, %select_n3A_125 : vector<16xf32>
    %select_n3A_133 = arith.select %lt3A_132, %get3A_131, %select_n3A_125 : vector<16xi1>, vector<16xf32>
    %add3A_134 = arith.constant 256 : i32
    %add3A_135 = vector.broadcast %add3A_134 : i32 to vector<16xi32>
    %add3A_136 = arith.addi %iota3A, %add3A_135 : vector<16xi32>
    %select_n3A_137 = arith.select %lt3A_132, %add3A_136, %select_n3A_129 : vector<16xi1>, vector<16xi32>
    %get3A_138 = arith.constant 272 : index
    %get3A_139 = tpu.vector_load %arg5[%get3A_138] {strides = array<i32>} : memref<512xf32, #tpu.memory_space<vmem>>, vector<16xf32>,
    %lt3A_140 = arith.cmpf olt, %get3A_139, %select_n3A_133 : vector<16xf32>
    %select_n3A_141 = arith.select %lt3A_140, %get3A_139, %select_n3A_133 : vector<16xi1>, vector<16xf32>
    %add3A_142 = arith.constant 272 : i32
    %add3A_143 = vector.broadcast %add3A_142 : i32 to vector<16xi32>
    %add3A_144 = arith.addi %iota3A, %add3A_143 : vector<16xi32>
    %select_n3A_145 = arith.select %lt3A_140, %add3A_144, %select_n3A_137 : vector<16xi1>, vector<16xi32>
    %get3A_146 = arith.constant 288 : index
    %get3A_147 = tpu.vector_load %arg5[%get3A_146] {strides = array<i32>} : memref<512xf32, #tpu.memory_space<vmem>>, vector<16xf32>,
    %lt3A_148 = arith.cmpf olt, %get3A_147, %select_n3A_141 : vector<16xf32>
    %select_n3A_149 = arith.select %lt3A_148, %get3A_147, %select_n3A_141 : vector<16xi1>, vector<16xf32>
    %add3A_150 = arith.constant 288 : i32
    %add3A_151 = vector.broadcast %add3A_150 : i32 to vector<16xi32>
    %add3A_152 = arith.addi %iota3A, %add3A_151 : vector<16xi32>
    %select_n3A_153 = arith.select %lt3A_148, %add3A_152, %select_n3A_145 : vector<16xi1>, vector<16xi32>
    %get3A_154 = arith.constant 304 : index
    %get3A_155 = tpu.vector_load %arg5[%get3A_154] {strides = array<i32>} : memref<512xf32, #tpu.memory_space<vmem>>, vector<16xf32>,
    %lt3A_156 = arith.cmpf olt, %get3A_155, %select_n3A_149 : vector<16xf32>
    %select_n3A_157 = arith.select %lt3A_156, %get3A_155, %select_n3A_149 : vector<16xi1>, vector<16xf32>
    %add3A_158 = arith.constant 304 : i32
    %add3A_159 = vector.broadcast %add3A_158 : i32 to vector<16xi32>
    %add3A_160 = arith.addi %iota3A, %add3A_159 : vector<16xi32>
    %select_n3A_161 = arith.select %lt3A_156, %add3A_160, %select_n3A_153 : vector<16xi1>, vector<16xi32>
    %get3A_162 = arith.constant 320 : index
    %get3A_163 = tpu.vector_load %arg5[%get3A_162] {strides = array<i32>} : memref<512xf32, #tpu.memory_space<vmem>>, vector<16xf32>,
    %lt3A_164 = arith.cmpf olt, %get3A_163, %select_n3A_157 : vector<16xf32>
    %select_n3A_165 = arith.select %lt3A_164, %get3A_163, %select_n3A_157 : vector<16xi1>, vector<16xf32>
    %add3A_166 = arith.constant 320 : i32
    %add3A_167 = vector.broadcast %add3A_166 : i32 to vector<16xi32>
    %add3A_168 = arith.addi %iota3A, %add3A_167 : vector<16xi32>
    %select_n3A_169 = arith.select %lt3A_164, %add3A_168, %select_n3A_161 : vector<16xi1>, vector<16xi32>
    %get3A_170 = arith.constant 336 : index
    %get3A_171 = tpu.vector_load %arg5[%get3A_170] {strides = array<i32>} : memref<512xf32, #tpu.memory_space<vmem>>, vector<16xf32>,
    %lt3A_172 = arith.cmpf olt, %get3A_171, %select_n3A_165 : vector<16xf32>
    %select_n3A_173 = arith.select %lt3A_172, %get3A_171, %select_n3A_165 : vector<16xi1>, vector<16xf32>
    %add3A_174 = arith.constant 336 : i32
    %add3A_175 = vector.broadcast %add3A_174 : i32 to vector<16xi32>
    %add3A_176 = arith.addi %iota3A, %add3A_175 : vector<16xi32>
    %select_n3A_177 = arith.select %lt3A_172, %add3A_176, %select_n3A_169 : vector<16xi1>, vector<16xi32>
    %get3A_178 = arith.constant 352 : index
    %get3A_179 = tpu.vector_load %arg5[%get3A_178] {strides = array<i32>} : memref<512xf32, #tpu.memory_space<vmem>>, vector<16xf32>,
    %lt3A_180 = arith.cmpf olt, %get3A_179, %select_n3A_173 : vector<16xf32>
    %select_n3A_181 = arith.select %lt3A_180, %get3A_179, %select_n3A_173 : vector<16xi1>, vector<16xf32>
    %add3A_182 = arith.constant 352 : i32
    %add3A_183 = vector.broadcast %add3A_182 : i32 to vector<16xi32>
    %add3A_184 = arith.addi %iota3A, %add3A_183 : vector<16xi32>
    %select_n3A_185 = arith.select %lt3A_180, %add3A_184, %select_n3A_177 : vector<16xi1>, vector<16xi32>
    %get3A_186 = arith.constant 368 : index
    %get3A_187 = tpu.vector_load %arg5[%get3A_186] {strides = array<i32>} : memref<512xf32, #tpu.memory_space<vmem>>, vector<16xf32>,
    %lt3A_188 = arith.cmpf olt, %get3A_187, %select_n3A_181 : vector<16xf32>
    %select_n3A_189 = arith.select %lt3A_188, %get3A_187, %select_n3A_181 : vector<16xi1>, vector<16xf32>
    %add3A_190 = arith.constant 368 : i32
    %add3A_191 = vector.broadcast %add3A_190 : i32 to vector<16xi32>
    %add3A_192 = arith.addi %iota3A, %add3A_191 : vector<16xi32>
    %select_n3A_193 = arith.select %lt3A_188, %add3A_192, %select_n3A_185 : vector<16xi1>, vector<16xi32>
    %get3A_194 = arith.constant 384 : index
    %get3A_195 = tpu.vector_load %arg5[%get3A_194] {strides = array<i32>} : memref<512xf32, #tpu.memory_space<vmem>>, vector<16xf32>,
    %lt3A_196 = arith.cmpf olt, %get3A_195, %select_n3A_189 : vector<16xf32>
    %select_n3A_197 = arith.select %lt3A_196, %get3A_195, %select_n3A_189 : vector<16xi1>, vector<16xf32>
    %add3A_198 = arith.constant 384 : i32
    %add3A_199 = vector.broadcast %add3A_198 : i32 to vector<16xi32>
    %add3A_200 = arith.addi %iota3A, %add3A_199 : vector<16xi32>
    %select_n3A_201 = arith.select %lt3A_196, %add3A_200, %select_n3A_193 : vector<16xi1>, vector<16xi32>
    %get3A_202 = arith.constant 400 : index
    %get3A_203 = tpu.vector_load %arg5[%get3A_202] {strides = array<i32>} : memref<512xf32, #tpu.memory_space<vmem>>, vector<16xf32>,
    %lt3A_204 = arith.cmpf olt, %get3A_203, %select_n3A_197 : vector<16xf32>
    %select_n3A_205 = arith.select %lt3A_204, %get3A_203, %select_n3A_197 : vector<16xi1>, vector<16xf32>
    %add3A_206 = arith.constant 400 : i32
    %add3A_207 = vector.broadcast %add3A_206 : i32 to vector<16xi32>
    %add3A_208 = arith.addi %iota3A, %add3A_207 : vector<16xi32>
    %select_n3A_209 = arith.select %lt3A_204, %add3A_208, %select_n3A_201 : vector<16xi1>, vector<16xi32>
    %get3A_210 = arith.constant 416 : index
    %get3A_211 = tpu.vector_load %arg5[%get3A_210] {strides = array<i32>} : memref<512xf32, #tpu.memory_space<vmem>>, vector<16xf32>,
    %lt3A_212 = arith.cmpf olt, %get3A_211, %select_n3A_205 : vector<16xf32>
    %select_n3A_213 = arith.select %lt3A_212, %get3A_211, %select_n3A_205 : vector<16xi1>, vector<16xf32>
    %add3A_214 = arith.constant 416 : i32
    %add3A_215 = vector.broadcast %add3A_214 : i32 to vector<16xi32>
    %add3A_216 = arith.addi %iota3A, %add3A_215 : vector<16xi32>
    %select_n3A_217 = arith.select %lt3A_212, %add3A_216, %select_n3A_209 : vector<16xi1>, vector<16xi32>
    %get3A_218 = arith.constant 432 : index
    %get3A_219 = tpu.vector_load %arg5[%get3A_218] {strides = array<i32>} : memref<512xf32, #tpu.memory_space<vmem>>, vector<16xf32>,
    %lt3A_220 = arith.cmpf olt, %get3A_219, %select_n3A_213 : vector<16xf32>
    %select_n3A_221 = arith.select %lt3A_220, %get3A_219, %select_n3A_213 : vector<16xi1>, vector<16xf32>
    %add3A_222 = arith.constant 432 : i32
    %add3A_223 = vector.broadcast %add3A_222 : i32 to vector<16xi32>
    %add3A_224 = arith.addi %iota3A, %add3A_223 : vector<16xi32>
    %select_n3A_225 = arith.select %lt3A_220, %add3A_224, %select_n3A_217 : vector<16xi1>, vector<16xi32>
    %get3A_226 = arith.constant 448 : index
    %get3A_227 = tpu.vector_load %arg5[%get3A_226] {strides = array<i32>} : memref<512xf32, #tpu.memory_space<vmem>>, vector<16xf32>,
    %lt3A_228 = arith.cmpf olt, %get3A_227, %select_n3A_221 : vector<16xf32>
    %select_n3A_229 = arith.select %lt3A_228, %get3A_227, %select_n3A_221 : vector<16xi1>, vector<16xf32>
    %add3A_230 = arith.constant 448 : i32
    %add3A_231 = vector.broadcast %add3A_230 : i32 to vector<16xi32>
    %add3A_232 = arith.addi %iota3A, %add3A_231 : vector<16xi32>
    %select_n3A_233 = arith.select %lt3A_228, %add3A_232, %select_n3A_225 : vector<16xi1>, vector<16xi32>
    %get3A_234 = arith.constant 464 : index
    %get3A_235 = tpu.vector_load %arg5[%get3A_234] {strides = array<i32>} : memref<512xf32, #tpu.memory_space<vmem>>, vector<16xf32>,
    %lt3A_236 = arith.cmpf olt, %get3A_235, %select_n3A_229 : vector<16xf32>
    %select_n3A_237 = arith.select %lt3A_236, %get3A_235, %select_n3A_229 : vector<16xi1>, vector<16xf32>
    %add3A_238 = arith.constant 464 : i32
    %add3A_239 = vector.broadcast %add3A_238 : i32 to vector<16xi32>
    %add3A_240 = arith.addi %iota3A, %add3A_239 : vector<16xi32>
    %select_n3A_241 = arith.select %lt3A_236, %add3A_240, %select_n3A_233 : vector<16xi1>, vector<16xi32>
    %get3A_242 = arith.constant 480 : index
    %get3A_243 = tpu.vector_load %arg5[%get3A_242] {strides = array<i32>} : memref<512xf32, #tpu.memory_space<vmem>>, vector<16xf32>,
    %lt3A_244 = arith.cmpf olt, %get3A_243, %select_n3A_237 : vector<16xf32>
    %select_n3A_245 = arith.select %lt3A_244, %get3A_243, %select_n3A_237 : vector<16xi1>, vector<16xf32>
    %add3A_246 = arith.constant 480 : i32
    %add3A_247 = vector.broadcast %add3A_246 : i32 to vector<16xi32>
    %add3A_248 = arith.addi %iota3A, %add3A_247 : vector<16xi32>
    %select_n3A_249 = arith.select %lt3A_244, %add3A_248, %select_n3A_241 : vector<16xi1>, vector<16xi32>
    %get3A_250 = arith.constant 496 : index
    %get3A_251 = tpu.vector_load %arg5[%get3A_250] {strides = array<i32>} : memref<512xf32, #tpu.memory_space<vmem>>, vector<16xf32>,
    %lt3A_252 = arith.cmpf olt, %get3A_251, %select_n3A_245 : vector<16xf32>
    %select_n3A_253 = arith.select %lt3A_252, %get3A_251, %select_n3A_245 : vector<16xi1>, vector<16xf32>
    %add3A_254 = arith.constant 496 : i32
    %add3A_255 = vector.broadcast %add3A_254 : i32 to vector<16xi32>
    %add3A_256 = arith.addi %iota3A, %add3A_255 : vector<16xi32>
    %select_n3A_257 = arith.select %lt3A_252, %add3A_256, %select_n3A_249 : vector<16xi1>, vector<16xi32>
    %reduce_min3A = arith.constant true
    %reduce_min3A_258 = vector.broadcast %reduce_min3A : i1 to vector<16xi1>
    %reduce_min3A_259 = tpu.scan <min>, %select_n3A_253 masked %reduce_min3A_258 : vector<16xf32>, vector<16xi1> -> vector<16xf32>
    %reduce_min3A_260 = vector.extract %reduce_min3A_259[15] : f32 from vector<16xf32>
    %eq3A = vector.broadcast %reduce_min3A_260 : f32 to vector<16xf32>
    %eq3A_261 = arith.cmpf oeq, %select_n3A_253, %eq3A : vector<16xf32>
    %jit3A = arith.constant 1073741824 : i32
    %broadcast_in_dim3A = vector.broadcast %jit3A : i32 to vector<16xi32>
    %select_n3A_262 = arith.select %eq3A_261, %select_n3A_257, %broadcast_in_dim3A : vector<16xi1>, vector<16xi32>
    %reduce_min3A_263 = arith.constant true
    %reduce_min3A_264 = vector.broadcast %reduce_min3A_263 : i1 to vector<16xi1>
    %reduce_min3A_265 = arith.constant -2147483648 : i32
    %reduce_min3A_266 = vector.broadcast %reduce_min3A_265 : i32 to vector<16xi32>
    %reduce_min3A_267 = arith.xori %select_n3A_262, %reduce_min3A_266 : vector<16xi32>
    %reduce_min3A_268 = tpu.scan <min>, %reduce_min3A_267 masked %reduce_min3A_264 : vector<16xi32>, vector<16xi1> -> vector<16xi32>
    %reduce_min3A_269 = arith.xori %reduce_min3A_268, %reduce_min3A_266 : vector<16xi32>
    %reduce_min3A_270 = vector.extract %reduce_min3A_269[15] : i32 from vector<16xi32>
    %dma_start3A_271 = arith.constant 0 : i32
    %dma_start3A_272 = tpu.memref_slice %arg4[%add3A, %dma_start3A_271] : memref<32x16xf32, #tpu.memory_space<hbm>> -> memref<1x16xf32, #tpu.memory_space<hbm>>
    %dma_start3A_273 = tpu.memref_squeeze %dma_start3A_272 : memref<1x16xf32, #tpu.memory_space<hbm>> -> memref<16xf32, #tpu.memory_space<hbm>>
    %dma_start3A_274 = arith.constant 0 : i32
    %dma_start3A_275 = tpu.memref_slice %arg3[%reduce_min3A_270, %dma_start3A_274] : memref<512x16xf32, #tpu.memory_space<hbm>> -> memref<1x16xf32, #tpu.memory_space<hbm>>
    %dma_start3A_276 = tpu.memref_squeeze %dma_start3A_275 : memref<1x16xf32, #tpu.memory_space<hbm>> -> memref<16xf32, #tpu.memory_space<hbm>>
    tpu.enqueue_dma source(%dma_start3A_276 : memref<16xf32, #tpu.memory_space<hbm>>) target(%dma_start3A_273 : memref<16xf32, #tpu.memory_space<hbm>>) target_semaphore(%arg6 : memref<!tpu.dma_semaphore, #tpu.memory_space<semaphore_mem>>)
    %dma_wait3A_277 = arith.constant 0 : i32
    %dma_wait3A_278 = tpu.memref_slice %arg4[%add3A, %dma_wait3A_277] : memref<32x16xf32, #tpu.memory_space<hbm>> -> memref<1x16xf32, #tpu.memory_space<hbm>>
    %dma_wait3A_279 = tpu.memref_squeeze %dma_wait3A_278 : memref<1x16xf32, #tpu.memory_space<hbm>> -> memref<16xf32, #tpu.memory_space<hbm>>
    %dma_wait3A_280 = arith.constant 0 : i32
    %dma_wait3A_281 = tpu.memref_slice %arg3[%reduce_min3A_270, %dma_wait3A_280] : memref<512x16xf32, #tpu.memory_space<hbm>> -> memref<1x16xf32, #tpu.memory_space<hbm>>
    %dma_wait3A_282 = tpu.memref_squeeze %dma_wait3A_281 : memref<1x16xf32, #tpu.memory_space<hbm>> -> memref<16xf32, #tpu.memory_space<hbm>>
    tpu.wait_dma2 semaphore(%arg6 : memref<!tpu.dma_semaphore, #tpu.memory_space<semaphore_mem>>) src(%dma_wait3A_282 : memref<16xf32, #tpu.memory_space<hbm>>) dst(%dma_wait3A_279 : memref<16xf32, #tpu.memory_space<hbm>>)
    return
  }
}

module attributes {stable_mosaic.version = 14 : i64} {
  func.func @_wprep_body(%arg0: memref<16x32x64xf32, #tpu.memory_space<vmem>>, %arg1: memref<16x32x64xf32, #tpu.memory_space<vmem>>, %arg2: memref<16x32x64xf32, #tpu.memory_space<vmem>>, %arg3: memref<16x32x64xf32, #tpu.memory_space<vmem>>, %arg4: memref<16x32x64xf32, #tpu.memory_space<vmem>>, %arg5: memref<9x64x64xf32, #tpu.memory_space<vmem>>, %arg6: memref<9x64x64xf32, #tpu.memory_space<vmem>>, %arg7: memref<9x64x64xf32, #tpu.memory_space<vmem>>, %arg8: memref<9x64x64xf32, #tpu.memory_space<vmem>>, %arg9: memref<9x64x64xf32, #tpu.memory_space<vmem>>, %arg10: memref<4x48x32xf32, #tpu.memory_space<vmem>>, %arg11: memref<16x128x256xbf16, #tpu.memory_space<vmem>>, %arg12: memref<9x256x256xbf16, #tpu.memory_space<vmem>>, %arg13: memref<16x128x256xf32, #tpu.memory_space<vmem>>, %arg14: memref<9x256x256xf32, #tpu.memory_space<vmem>>, %arg15: memref<4x192x128xf32, #tpu.memory_space<vmem>>) attributes {dimension_semantics = [], scalar_prefetch = 0 : i64, scratch_operands = 0 : i64, tpu.core_type = #tpu.core_type<tc>} {
    %get3A = arith.constant 0 : index
    %get3A_0 = arith.constant 0 : index
    %get3A_1 = arith.constant 0 : index
    %get3A_2 = vector.load %arg0[%get3A, %get3A_0, %get3A_1] : memref<16x32x64xf32, #tpu.memory_space<vmem>>, vector<16x32x64xf32>
    %get3A_3 = arith.constant 0 : index
    %get3A_4 = arith.constant 0 : index
    %get3A_5 = arith.constant 0 : index
    %get3A_6 = vector.load %arg1[%get3A_3, %get3A_4, %get3A_5] : memref<16x32x64xf32, #tpu.memory_space<vmem>>, vector<16x32x64xf32>
    %get3A_7 = arith.constant 0 : index
    %get3A_8 = arith.constant 0 : index
    %get3A_9 = arith.constant 0 : index
    %get3A_10 = vector.load %arg2[%get3A_7, %get3A_8, %get3A_9] : memref<16x32x64xf32, #tpu.memory_space<vmem>>, vector<16x32x64xf32>
    %get3A_11 = arith.constant 0 : index
    %get3A_12 = arith.constant 0 : index
    %get3A_13 = arith.constant 0 : index
    %get3A_14 = vector.load %arg3[%get3A_11, %get3A_12, %get3A_13] : memref<16x32x64xf32, #tpu.memory_space<vmem>>, vector<16x32x64xf32>
    %jit3A = arith.constant 0 : i32
    %convert_element_type3A = arith.sitofp %jit3A : i32 to f32
    %pad3A = vector.broadcast %convert_element_type3A : f32 to vector<16x96x64xf32>
    %pad3A_15 = tpu.concatenate %get3A_2, %pad3A in 1 : vector<16x32x64xf32>, vector<16x96x64xf32> -> vector<16x128x64xf32>
    %jit3A_16 = arith.constant 0 : i32
    %convert_element_type3A_17 = arith.sitofp %jit3A_16 : i32 to f32
    %pad3A_18 = vector.broadcast %convert_element_type3A_17 : f32 to vector<16x32x64xf32>
    %pad3A_19 = tpu.concatenate %pad3A_18, %get3A_6 in 1 : vector<16x32x64xf32>, vector<16x32x64xf32> -> vector<16x64x64xf32>
    %pad3A_20 = vector.broadcast %convert_element_type3A_17 : f32 to vector<16x64x64xf32>
    %pad3A_21 = tpu.concatenate %pad3A_19, %pad3A_20 in 1 : vector<16x64x64xf32>, vector<16x64x64xf32> -> vector<16x128x64xf32>
    %jit3A_22 = arith.constant 0 : i32
    %convert_element_type3A_23 = arith.sitofp %jit3A_22 : i32 to f32
    %pad3A_24 = vector.broadcast %convert_element_type3A_23 : f32 to vector<16x64x64xf32>
    %pad3A_25 = tpu.concatenate %pad3A_24, %get3A_10 in 1 : vector<16x64x64xf32>, vector<16x32x64xf32> -> vector<16x96x64xf32>
    %pad3A_26 = vector.broadcast %convert_element_type3A_23 : f32 to vector<16x32x64xf32>
    %pad3A_27 = tpu.concatenate %pad3A_25, %pad3A_26 in 1 : vector<16x96x64xf32>, vector<16x32x64xf32> -> vector<16x128x64xf32>
    %jit3A_28 = arith.constant 0 : i32
    %convert_element_type3A_29 = arith.sitofp %jit3A_28 : i32 to f32
    %pad3A_30 = vector.broadcast %convert_element_type3A_29 : f32 to vector<16x96x64xf32>
    %pad3A_31 = tpu.concatenate %pad3A_30, %get3A_14 in 1 : vector<16x96x64xf32>, vector<16x32x64xf32> -> vector<16x128x64xf32>
    %concatenate3A = tpu.concatenate %pad3A_15, %pad3A_21, %pad3A_27, %pad3A_31 in 2 : vector<16x128x64xf32>, vector<16x128x64xf32>, vector<16x128x64xf32>, vector<16x128x64xf32> -> vector<16x128x256xf32>
    %convert_element_type3A_32 = arith.truncf %concatenate3A : vector<16x128x256xf32> to vector<16x128x256xbf16>
    %swap3A = arith.constant 0 : index
    %swap3A_33 = arith.constant 0 : index
    %swap3A_34 = arith.constant 0 : index
    %swap3A_35 = vector.load %arg11[%swap3A, %swap3A_33, %swap3A_34] : memref<16x128x256xbf16, #tpu.memory_space<vmem>>, vector<16x128x256xbf16>
    tpu.vector_store %arg11[%swap3A, %swap3A_33, %swap3A_34], %convert_element_type3A_32 {strides = array<i32>} : memref<16x128x256xbf16, #tpu.memory_space<vmem>>, vector<16x128x256xbf16>,
    %get3A_36 = arith.constant 0 : index
    %get3A_37 = arith.constant 0 : index
    %get3A_38 = arith.constant 0 : index
    %get3A_39 = vector.load %arg5[%get3A_36, %get3A_37, %get3A_38] : memref<9x64x64xf32, #tpu.memory_space<vmem>>, vector<9x64x64xf32>
    %get3A_40 = arith.constant 0 : index
    %get3A_41 = arith.constant 0 : index
    %get3A_42 = arith.constant 0 : index
    %get3A_43 = vector.load %arg6[%get3A_40, %get3A_41, %get3A_42] : memref<9x64x64xf32, #tpu.memory_space<vmem>>, vector<9x64x64xf32>
    %get3A_44 = arith.constant 0 : index
    %get3A_45 = arith.constant 0 : index
    %get3A_46 = arith.constant 0 : index
    %get3A_47 = vector.load %arg7[%get3A_44, %get3A_45, %get3A_46] : memref<9x64x64xf32, #tpu.memory_space<vmem>>, vector<9x64x64xf32>
    %get3A_48 = arith.constant 0 : index
    %get3A_49 = arith.constant 0 : index
    %get3A_50 = arith.constant 0 : index
    %get3A_51 = vector.load %arg8[%get3A_48, %get3A_49, %get3A_50] : memref<9x64x64xf32, #tpu.memory_space<vmem>>, vector<9x64x64xf32>
    %jit3A_52 = arith.constant 0 : i32
    %convert_element_type3A_53 = arith.sitofp %jit3A_52 : i32 to f32
    %pad3A_54 = vector.broadcast %convert_element_type3A_53 : f32 to vector<9x192x64xf32>
    %pad3A_55 = tpu.concatenate %get3A_39, %pad3A_54 in 1 : vector<9x64x64xf32>, vector<9x192x64xf32> -> vector<9x256x64xf32>
    %jit3A_56 = arith.constant 0 : i32
    %convert_element_type3A_57 = arith.sitofp %jit3A_56 : i32 to f32
    %pad3A_58 = vector.broadcast %convert_element_type3A_57 : f32 to vector<9x64x64xf32>
    %pad3A_59 = tpu.concatenate %pad3A_58, %get3A_43 in 1 : vector<9x64x64xf32>, vector<9x64x64xf32> -> vector<9x128x64xf32>
    %pad3A_60 = vector.broadcast %convert_element_type3A_57 : f32 to vector<9x128x64xf32>
    %pad3A_61 = tpu.concatenate %pad3A_59, %pad3A_60 in 1 : vector<9x128x64xf32>, vector<9x128x64xf32> -> vector<9x256x64xf32>
    %jit3A_62 = arith.constant 0 : i32
    %convert_element_type3A_63 = arith.sitofp %jit3A_62 : i32 to f32
    %pad3A_64 = vector.broadcast %convert_element_type3A_63 : f32 to vector<9x128x64xf32>
    %pad3A_65 = tpu.concatenate %pad3A_64, %get3A_47 in 1 : vector<9x128x64xf32>, vector<9x64x64xf32> -> vector<9x192x64xf32>
    %pad3A_66 = vector.broadcast %convert_element_type3A_63 : f32 to vector<9x64x64xf32>
    %pad3A_67 = tpu.concatenate %pad3A_65, %pad3A_66 in 1 : vector<9x192x64xf32>, vector<9x64x64xf32> -> vector<9x256x64xf32>
    %jit3A_68 = arith.constant 0 : i32
    %convert_element_type3A_69 = arith.sitofp %jit3A_68 : i32 to f32
    %pad3A_70 = vector.broadcast %convert_element_type3A_69 : f32 to vector<9x192x64xf32>
    %pad3A_71 = tpu.concatenate %pad3A_70, %get3A_51 in 1 : vector<9x192x64xf32>, vector<9x64x64xf32> -> vector<9x256x64xf32>
    %concatenate3A_72 = tpu.concatenate %pad3A_55, %pad3A_61, %pad3A_67, %pad3A_71 in 2 : vector<9x256x64xf32>, vector<9x256x64xf32>, vector<9x256x64xf32>, vector<9x256x64xf32> -> vector<9x256x256xf32>
    %convert_element_type3A_73 = arith.truncf %concatenate3A_72 : vector<9x256x256xf32> to vector<9x256x256xbf16>
    %swap3A_74 = arith.constant 0 : index
    %swap3A_75 = arith.constant 0 : index
    %swap3A_76 = arith.constant 0 : index
    %swap3A_77 = vector.load %arg12[%swap3A_74, %swap3A_75, %swap3A_76] : memref<9x256x256xbf16, #tpu.memory_space<vmem>>, vector<9x256x256xbf16>
    tpu.vector_store %arg12[%swap3A_74, %swap3A_75, %swap3A_76], %convert_element_type3A_73 {strides = array<i32>} : memref<9x256x256xbf16, #tpu.memory_space<vmem>>, vector<9x256x256xbf16>,
    %get3A_78 = arith.constant 0 : index
    %get3A_79 = arith.constant 0 : index
    %get3A_80 = arith.constant 0 : index
    %get3A_81 = vector.load %arg4[%get3A_78, %get3A_79, %get3A_80] : memref<16x32x64xf32, #tpu.memory_space<vmem>>, vector<16x32x64xf32>
    %jit3A_82 = arith.constant 0 : i32
    %convert_element_type3A_83 = arith.sitofp %jit3A_82 : i32 to f32
    %pad3A_84 = vector.broadcast %convert_element_type3A_83 : f32 to vector<16x96x64xf32>
    %pad3A_85 = tpu.concatenate %get3A_81, %pad3A_84 in 1 : vector<16x32x64xf32>, vector<16x96x64xf32> -> vector<16x128x64xf32>
    %jit3A_86 = arith.constant 0 : i32
    %convert_element_type3A_87 = arith.sitofp %jit3A_86 : i32 to f32
    %pad3A_88 = vector.broadcast %convert_element_type3A_87 : f32 to vector<16x32x64xf32>
    %pad3A_89 = tpu.concatenate %pad3A_88, %get3A_81 in 1 : vector<16x32x64xf32>, vector<16x32x64xf32> -> vector<16x64x64xf32>
    %pad3A_90 = vector.broadcast %convert_element_type3A_87 : f32 to vector<16x64x64xf32>
    %pad3A_91 = tpu.concatenate %pad3A_89, %pad3A_90 in 1 : vector<16x64x64xf32>, vector<16x64x64xf32> -> vector<16x128x64xf32>
    %jit3A_92 = arith.constant 0 : i32
    %convert_element_type3A_93 = arith.sitofp %jit3A_92 : i32 to f32
    %pad3A_94 = vector.broadcast %convert_element_type3A_93 : f32 to vector<16x64x64xf32>
    %pad3A_95 = tpu.concatenate %pad3A_94, %get3A_81 in 1 : vector<16x64x64xf32>, vector<16x32x64xf32> -> vector<16x96x64xf32>
    %pad3A_96 = vector.broadcast %convert_element_type3A_93 : f32 to vector<16x32x64xf32>
    %pad3A_97 = tpu.concatenate %pad3A_95, %pad3A_96 in 1 : vector<16x96x64xf32>, vector<16x32x64xf32> -> vector<16x128x64xf32>
    %jit3A_98 = arith.constant 0 : i32
    %convert_element_type3A_99 = arith.sitofp %jit3A_98 : i32 to f32
    %pad3A_100 = vector.broadcast %convert_element_type3A_99 : f32 to vector<16x96x64xf32>
    %pad3A_101 = tpu.concatenate %pad3A_100, %get3A_81 in 1 : vector<16x96x64xf32>, vector<16x32x64xf32> -> vector<16x128x64xf32>
    %concatenate3A_102 = tpu.concatenate %pad3A_85, %pad3A_91, %pad3A_97, %pad3A_101 in 2 : vector<16x128x64xf32>, vector<16x128x64xf32>, vector<16x128x64xf32>, vector<16x128x64xf32> -> vector<16x128x256xf32>
    %swap3A_103 = arith.constant 0 : index
    %swap3A_104 = arith.constant 0 : index
    %swap3A_105 = arith.constant 0 : index
    %swap3A_106 = vector.load %arg13[%swap3A_103, %swap3A_104, %swap3A_105] : memref<16x128x256xf32, #tpu.memory_space<vmem>>, vector<16x128x256xf32>
    tpu.vector_store %arg13[%swap3A_103, %swap3A_104, %swap3A_105], %concatenate3A_102 {strides = array<i32>} : memref<16x128x256xf32, #tpu.memory_space<vmem>>, vector<16x128x256xf32>,
    %get3A_107 = arith.constant 0 : index
    %get3A_108 = arith.constant 0 : index
    %get3A_109 = arith.constant 0 : index
    %get3A_110 = vector.load %arg9[%get3A_107, %get3A_108, %get3A_109] : memref<9x64x64xf32, #tpu.memory_space<vmem>>, vector<9x64x64xf32>
    %jit3A_111 = arith.constant 0 : i32
    %convert_element_type3A_112 = arith.sitofp %jit3A_111 : i32 to f32
    %pad3A_113 = vector.broadcast %convert_element_type3A_112 : f32 to vector<9x192x64xf32>
    %pad3A_114 = tpu.concatenate %get3A_110, %pad3A_113 in 1 : vector<9x64x64xf32>, vector<9x192x64xf32> -> vector<9x256x64xf32>
    %jit3A_115 = arith.constant 0 : i32
    %convert_element_type3A_116 = arith.sitofp %jit3A_115 : i32 to f32
    %pad3A_117 = vector.broadcast %convert_element_type3A_116 : f32 to vector<9x64x64xf32>
    %pad3A_118 = tpu.concatenate %pad3A_117, %get3A_110 in 1 : vector<9x64x64xf32>, vector<9x64x64xf32> -> vector<9x128x64xf32>
    %pad3A_119 = vector.broadcast %convert_element_type3A_116 : f32 to vector<9x128x64xf32>
    %pad3A_120 = tpu.concatenate %pad3A_118, %pad3A_119 in 1 : vector<9x128x64xf32>, vector<9x128x64xf32> -> vector<9x256x64xf32>
    %jit3A_121 = arith.constant 0 : i32
    %convert_element_type3A_122 = arith.sitofp %jit3A_121 : i32 to f32
    %pad3A_123 = vector.broadcast %convert_element_type3A_122 : f32 to vector<9x128x64xf32>
    %pad3A_124 = tpu.concatenate %pad3A_123, %get3A_110 in 1 : vector<9x128x64xf32>, vector<9x64x64xf32> -> vector<9x192x64xf32>
    %pad3A_125 = vector.broadcast %convert_element_type3A_122 : f32 to vector<9x64x64xf32>
    %pad3A_126 = tpu.concatenate %pad3A_124, %pad3A_125 in 1 : vector<9x192x64xf32>, vector<9x64x64xf32> -> vector<9x256x64xf32>
    %jit3A_127 = arith.constant 0 : i32
    %convert_element_type3A_128 = arith.sitofp %jit3A_127 : i32 to f32
    %pad3A_129 = vector.broadcast %convert_element_type3A_128 : f32 to vector<9x192x64xf32>
    %pad3A_130 = tpu.concatenate %pad3A_129, %get3A_110 in 1 : vector<9x192x64xf32>, vector<9x64x64xf32> -> vector<9x256x64xf32>
    %concatenate3A_131 = tpu.concatenate %pad3A_114, %pad3A_120, %pad3A_126, %pad3A_130 in 2 : vector<9x256x64xf32>, vector<9x256x64xf32>, vector<9x256x64xf32>, vector<9x256x64xf32> -> vector<9x256x256xf32>
    %swap3A_132 = arith.constant 0 : index
    %swap3A_133 = arith.constant 0 : index
    %swap3A_134 = arith.constant 0 : index
    %swap3A_135 = vector.load %arg14[%swap3A_132, %swap3A_133, %swap3A_134] : memref<9x256x256xf32, #tpu.memory_space<vmem>>, vector<9x256x256xf32>
    tpu.vector_store %arg14[%swap3A_132, %swap3A_133, %swap3A_134], %concatenate3A_131 {strides = array<i32>} : memref<9x256x256xf32, #tpu.memory_space<vmem>>, vector<9x256x256xf32>,
    %get3A_136 = arith.constant 0 : index
    %get3A_137 = arith.constant 0 : index
    %get3A_138 = arith.constant 0 : index
    %get3A_139 = vector.load %arg10[%get3A_136, %get3A_137, %get3A_138] : memref<4x48x32xf32, #tpu.memory_space<vmem>>, vector<4x48x32xf32>
    %jit3A_140 = arith.constant 0 : i32
    %convert_element_type3A_141 = arith.sitofp %jit3A_140 : i32 to f32
    %pad3A_142 = vector.broadcast %convert_element_type3A_141 : f32 to vector<4x144x32xf32>
    %pad3A_143 = tpu.concatenate %get3A_139, %pad3A_142 in 1 : vector<4x48x32xf32>, vector<4x144x32xf32> -> vector<4x192x32xf32>
    %jit3A_144 = arith.constant 0 : i32
    %convert_element_type3A_145 = arith.sitofp %jit3A_144 : i32 to f32
    %pad3A_146 = vector.broadcast %convert_element_type3A_145 : f32 to vector<4x48x32xf32>
    %pad3A_147 = tpu.concatenate %pad3A_146, %get3A_139 in 1 : vector<4x48x32xf32>, vector<4x48x32xf32> -> vector<4x96x32xf32>
    %pad3A_148 = vector.broadcast %convert_element_type3A_145 : f32 to vector<4x96x32xf32>
    %pad3A_149 = tpu.concatenate %pad3A_147, %pad3A_148 in 1 : vector<4x96x32xf32>, vector<4x96x32xf32> -> vector<4x192x32xf32>
    %jit3A_150 = arith.constant 0 : i32
    %convert_element_type3A_151 = arith.sitofp %jit3A_150 : i32 to f32
    %pad3A_152 = vector.broadcast %convert_element_type3A_151 : f32 to vector<4x96x32xf32>
    %pad3A_153 = tpu.concatenate %pad3A_152, %get3A_139 in 1 : vector<4x96x32xf32>, vector<4x48x32xf32> -> vector<4x144x32xf32>
    %pad3A_154 = vector.broadcast %convert_element_type3A_151 : f32 to vector<4x48x32xf32>
    %pad3A_155 = tpu.concatenate %pad3A_153, %pad3A_154 in 1 : vector<4x144x32xf32>, vector<4x48x32xf32> -> vector<4x192x32xf32>
    %jit3A_156 = arith.constant 0 : i32
    %convert_element_type3A_157 = arith.sitofp %jit3A_156 : i32 to f32
    %pad3A_158 = vector.broadcast %convert_element_type3A_157 : f32 to vector<4x144x32xf32>
    %pad3A_159 = tpu.concatenate %pad3A_158, %get3A_139 in 1 : vector<4x144x32xf32>, vector<4x48x32xf32> -> vector<4x192x32xf32>
    %concatenate3A_160 = tpu.concatenate %pad3A_143, %pad3A_149, %pad3A_155, %pad3A_159 in 2 : vector<4x192x32xf32>, vector<4x192x32xf32>, vector<4x192x32xf32>, vector<4x192x32xf32> -> vector<4x192x128xf32>
    %swap3A_161 = arith.constant 0 : index
    %swap3A_162 = arith.constant 0 : index
    %swap3A_163 = arith.constant 0 : index
    %swap3A_164 = vector.load %arg15[%swap3A_161, %swap3A_162, %swap3A_163] : memref<4x192x128xf32, #tpu.memory_space<vmem>>, vector<4x192x128xf32>
    tpu.vector_store %arg15[%swap3A_161, %swap3A_162, %swap3A_163], %concatenate3A_160 {strides = array<i32>} : memref<4x192x128xf32, #tpu.memory_space<vmem>>, vector<4x192x128xf32>,
    return
  }
}

module attributes {stable_mosaic.version = 14 : i64} {
  func.func @_conv_stack_body(%arg0: i32, %arg1: memref<4x4x784x48xf32, #tpu.memory_space<vmem>>, %arg2: memref<4x192x128xf32, #tpu.memory_space<vmem>>, %arg3: memref<16x128x256xf32, #tpu.memory_space<vmem>>, %arg4: memref<9x256x256xf32, #tpu.memory_space<vmem>>, %arg5: memref<1x128xf32, #tpu.memory_space<vmem>>, %arg6: memref<1x256xf32, #tpu.memory_space<vmem>>, %arg7: memref<1x256xf32, #tpu.memory_space<vmem>>, %arg8: memref<1x1x256xf32, #tpu.memory_space<vmem>>) attributes {dimension_semantics = [#tpu.dimension_semantics<parallel>], iteration_bounds = array<i64: 8>, scalar_prefetch = 0 : i64, scratch_operands = 0 : i64, tpu.core_type = #tpu.core_type<tc>, window_params = [{transform_indices = @transform_0, window_bounds = array<i64: 4, 4, 784, 48>}, {pipeline_mode = #tpu.pipeline_mode<synchronous>, transform_indices = @transform_1, window_bounds = array<i64: 4, 192, 128>}, {pipeline_mode = #tpu.pipeline_mode<synchronous>, transform_indices = @transform_2, window_bounds = array<i64: 16, 128, 256>}, {pipeline_mode = #tpu.pipeline_mode<synchronous>, transform_indices = @transform_3, window_bounds = array<i64: 9, 256, 256>}, {pipeline_mode = #tpu.pipeline_mode<synchronous>, transform_indices = @transform_4, window_bounds = array<i64: 1, 128>}, {pipeline_mode = #tpu.pipeline_mode<synchronous>, transform_indices = @transform_5, window_bounds = array<i64: 1, 256>}, {pipeline_mode = #tpu.pipeline_mode<synchronous>, transform_indices = @transform_6, window_bounds = array<i64: 1, 256>}, {transform_indices = @transform_7, window_bounds = array<i64: 1, 1, 256>}]} {
    %get3A = arith.constant 0 : index
    %get3A_0 = arith.constant 0 : index
    %get3A_1 = arith.constant 0 : index
    %get3A_2 = arith.constant 0 : index
    %get3A_3 = vector.load %arg1[%get3A, %get3A_0, %get3A_1, %get3A_2] : memref<4x4x784x48xf32, #tpu.memory_space<vmem>>, vector<1x1x784x48xf32>
    %get3A_4 = vector.shape_cast %get3A_3 : vector<1x1x784x48xf32> to vector<784x48xf32>
    %get3A_5 = arith.constant 1 : index
    %get3A_6 = arith.constant 0 : index
    %get3A_7 = arith.constant 0 : index
    %get3A_8 = arith.constant 0 : index
    %get3A_9 = vector.load %arg1[%get3A_5, %get3A_6, %get3A_7, %get3A_8] : memref<4x4x784x48xf32, #tpu.memory_space<vmem>>, vector<1x1x784x48xf32>
    %get3A_10 = vector.shape_cast %get3A_9 : vector<1x1x784x48xf32> to vector<784x48xf32>
    %get3A_11 = arith.constant 2 : index
    %get3A_12 = arith.constant 0 : index
    %get3A_13 = arith.constant 0 : index
    %get3A_14 = arith.constant 0 : index
    %get3A_15 = vector.load %arg1[%get3A_11, %get3A_12, %get3A_13, %get3A_14] : memref<4x4x784x48xf32, #tpu.memory_space<vmem>>, vector<1x1x784x48xf32>
    %get3A_16 = vector.shape_cast %get3A_15 : vector<1x1x784x48xf32> to vector<784x48xf32>
    %get3A_17 = arith.constant 3 : index
    %get3A_18 = arith.constant 0 : index
    %get3A_19 = arith.constant 0 : index
    %get3A_20 = arith.constant 0 : index
    %get3A_21 = vector.load %arg1[%get3A_17, %get3A_18, %get3A_19, %get3A_20] : memref<4x4x784x48xf32, #tpu.memory_space<vmem>>, vector<1x1x784x48xf32>
    %get3A_22 = vector.shape_cast %get3A_21 : vector<1x1x784x48xf32> to vector<784x48xf32>
    %concatenate3A = tpu.concatenate %get3A_4, %get3A_10, %get3A_16, %get3A_22 in 1 : vector<784x48xf32>, vector<784x48xf32>, vector<784x48xf32>, vector<784x48xf32> -> vector<784x192xf32>
    %get3A_23 = arith.constant 0 : index
    %get3A_24 = arith.constant 1 : index
    %get3A_25 = arith.constant 0 : index
    %get3A_26 = arith.constant 0 : index
    %get3A_27 = vector.load %arg1[%get3A_23, %get3A_24, %get3A_25, %get3A_26] : memref<4x4x784x48xf32, #tpu.memory_space<vmem>>, vector<1x1x784x48xf32>
    %get3A_28 = vector.shape_cast %get3A_27 : vector<1x1x784x48xf32> to vector<784x48xf32>
    %get3A_29 = arith.constant 1 : index
    %get3A_30 = arith.constant 1 : index
    %get3A_31 = arith.constant 0 : index
    %get3A_32 = arith.constant 0 : index
    %get3A_33 = vector.load %arg1[%get3A_29, %get3A_30, %get3A_31, %get3A_32] : memref<4x4x784x48xf32, #tpu.memory_space<vmem>>, vector<1x1x784x48xf32>
    %get3A_34 = vector.shape_cast %get3A_33 : vector<1x1x784x48xf32> to vector<784x48xf32>
    %get3A_35 = arith.constant 2 : index
    %get3A_36 = arith.constant 1 : index
    %get3A_37 = arith.constant 0 : index
    %get3A_38 = arith.constant 0 : index
    %get3A_39 = vector.load %arg1[%get3A_35, %get3A_36, %get3A_37, %get3A_38] : memref<4x4x784x48xf32, #tpu.memory_space<vmem>>, vector<1x1x784x48xf32>
    %get3A_40 = vector.shape_cast %get3A_39 : vector<1x1x784x48xf32> to vector<784x48xf32>
    %get3A_41 = arith.constant 3 : index
    %get3A_42 = arith.constant 1 : index
    %get3A_43 = arith.constant 0 : index
    %get3A_44 = arith.constant 0 : index
    %get3A_45 = vector.load %arg1[%get3A_41, %get3A_42, %get3A_43, %get3A_44] : memref<4x4x784x48xf32, #tpu.memory_space<vmem>>, vector<1x1x784x48xf32>
    %get3A_46 = vector.shape_cast %get3A_45 : vector<1x1x784x48xf32> to vector<784x48xf32>
    %concatenate3A_47 = tpu.concatenate %get3A_28, %get3A_34, %get3A_40, %get3A_46 in 1 : vector<784x48xf32>, vector<784x48xf32>, vector<784x48xf32>, vector<784x48xf32> -> vector<784x192xf32>
    %get3A_48 = arith.constant 0 : index
    %get3A_49 = arith.constant 2 : index
    %get3A_50 = arith.constant 0 : index
    %get3A_51 = arith.constant 0 : index
    %get3A_52 = vector.load %arg1[%get3A_48, %get3A_49, %get3A_50, %get3A_51] : memref<4x4x784x48xf32, #tpu.memory_space<vmem>>, vector<1x1x784x48xf32>
    %get3A_53 = vector.shape_cast %get3A_52 : vector<1x1x784x48xf32> to vector<784x48xf32>
    %get3A_54 = arith.constant 1 : index
    %get3A_55 = arith.constant 2 : index
    %get3A_56 = arith.constant 0 : index
    %get3A_57 = arith.constant 0 : index
    %get3A_58 = vector.load %arg1[%get3A_54, %get3A_55, %get3A_56, %get3A_57] : memref<4x4x784x48xf32, #tpu.memory_space<vmem>>, vector<1x1x784x48xf32>
    %get3A_59 = vector.shape_cast %get3A_58 : vector<1x1x784x48xf32> to vector<784x48xf32>
    %get3A_60 = arith.constant 2 : index
    %get3A_61 = arith.constant 2 : index
    %get3A_62 = arith.constant 0 : index
    %get3A_63 = arith.constant 0 : index
    %get3A_64 = vector.load %arg1[%get3A_60, %get3A_61, %get3A_62, %get3A_63] : memref<4x4x784x48xf32, #tpu.memory_space<vmem>>, vector<1x1x784x48xf32>
    %get3A_65 = vector.shape_cast %get3A_64 : vector<1x1x784x48xf32> to vector<784x48xf32>
    %get3A_66 = arith.constant 3 : index
    %get3A_67 = arith.constant 2 : index
    %get3A_68 = arith.constant 0 : index
    %get3A_69 = arith.constant 0 : index
    %get3A_70 = vector.load %arg1[%get3A_66, %get3A_67, %get3A_68, %get3A_69] : memref<4x4x784x48xf32, #tpu.memory_space<vmem>>, vector<1x1x784x48xf32>
    %get3A_71 = vector.shape_cast %get3A_70 : vector<1x1x784x48xf32> to vector<784x48xf32>
    %concatenate3A_72 = tpu.concatenate %get3A_53, %get3A_59, %get3A_65, %get3A_71 in 1 : vector<784x48xf32>, vector<784x48xf32>, vector<784x48xf32>, vector<784x48xf32> -> vector<784x192xf32>
    %get3A_73 = arith.constant 0 : index
    %get3A_74 = arith.constant 3 : index
    %get3A_75 = arith.constant 0 : index
    %get3A_76 = arith.constant 0 : index
    %get3A_77 = vector.load %arg1[%get3A_73, %get3A_74, %get3A_75, %get3A_76] : memref<4x4x784x48xf32, #tpu.memory_space<vmem>>, vector<1x1x784x48xf32>
    %get3A_78 = vector.shape_cast %get3A_77 : vector<1x1x784x48xf32> to vector<784x48xf32>
    %get3A_79 = arith.constant 1 : index
    %get3A_80 = arith.constant 3 : index
    %get3A_81 = arith.constant 0 : index
    %get3A_82 = arith.constant 0 : index
    %get3A_83 = vector.load %arg1[%get3A_79, %get3A_80, %get3A_81, %get3A_82] : memref<4x4x784x48xf32, #tpu.memory_space<vmem>>, vector<1x1x784x48xf32>
    %get3A_84 = vector.shape_cast %get3A_83 : vector<1x1x784x48xf32> to vector<784x48xf32>
    %get3A_85 = arith.constant 2 : index
    %get3A_86 = arith.constant 3 : index
    %get3A_87 = arith.constant 0 : index
    %get3A_88 = arith.constant 0 : index
    %get3A_89 = vector.load %arg1[%get3A_85, %get3A_86, %get3A_87, %get3A_88] : memref<4x4x784x48xf32, #tpu.memory_space<vmem>>, vector<1x1x784x48xf32>
    %get3A_90 = vector.shape_cast %get3A_89 : vector<1x1x784x48xf32> to vector<784x48xf32>
    %get3A_91 = arith.constant 3 : index
    %get3A_92 = arith.constant 3 : index
    %get3A_93 = arith.constant 0 : index
    %get3A_94 = arith.constant 0 : index
    %get3A_95 = vector.load %arg1[%get3A_91, %get3A_92, %get3A_93, %get3A_94] : memref<4x4x784x48xf32, #tpu.memory_space<vmem>>, vector<1x1x784x48xf32>
    %get3A_96 = vector.shape_cast %get3A_95 : vector<1x1x784x48xf32> to vector<784x48xf32>
    %concatenate3A_97 = tpu.concatenate %get3A_78, %get3A_84, %get3A_90, %get3A_96 in 1 : vector<784x48xf32>, vector<784x48xf32>, vector<784x48xf32>, vector<784x48xf32> -> vector<784x192xf32>
    %broadcast_in_dim3A = arith.constant 0.000000e+00 : f32
    %broadcast_in_dim3A_98 = vector.broadcast %broadcast_in_dim3A : f32 to vector<784x128xf32>
    %get3A_99 = arith.constant 0 : index
    %get3A_100 = arith.constant 0 : index
    %get3A_101 = arith.constant 0 : index
    %get3A_102 = vector.load %arg2[%get3A_99, %get3A_100, %get3A_101] : memref<4x192x128xf32, #tpu.memory_space<vmem>>, vector<1x192x128xf32>
    %get3A_103 = vector.shape_cast %get3A_102 : vector<1x192x128xf32> to vector<192x128xf32>
    %dot_general3A = arith.constant dense<0.000000e+00> : vector<784x128xf32>
    %dot_general3A_104 = tpu.matmul %concatenate3A, %get3A_103, %dot_general3A {dimension_numbers = #tpu.dot_dimension_numbers<[1], [0], [0], [1], [0, 0, 1, 1], [], []>, transpose_lhs_hint = false} : vector<784x192xf32>, vector<192x128xf32>, vector<784x128xf32> -> vector<784x128xf32>
    %add3A = arith.addf %broadcast_in_dim3A_98, %dot_general3A_104 : vector<784x128xf32>
    %get3A_105 = arith.constant 1 : index
    %get3A_106 = arith.constant 0 : index
    %get3A_107 = arith.constant 0 : index
    %get3A_108 = vector.load %arg2[%get3A_105, %get3A_106, %get3A_107] : memref<4x192x128xf32, #tpu.memory_space<vmem>>, vector<1x192x128xf32>
    %get3A_109 = vector.shape_cast %get3A_108 : vector<1x192x128xf32> to vector<192x128xf32>
    %dot_general3A_110 = arith.constant dense<0.000000e+00> : vector<784x128xf32>
    %dot_general3A_111 = tpu.matmul %concatenate3A_47, %get3A_109, %dot_general3A_110 {dimension_numbers = #tpu.dot_dimension_numbers<[1], [0], [0], [1], [0, 0, 1, 1], [], []>, transpose_lhs_hint = false} : vector<784x192xf32>, vector<192x128xf32>, vector<784x128xf32> -> vector<784x128xf32>
    %add3A_112 = arith.addf %add3A, %dot_general3A_111 : vector<784x128xf32>
    %get3A_113 = arith.constant 2 : index
    %get3A_114 = arith.constant 0 : index
    %get3A_115 = arith.constant 0 : index
    %get3A_116 = vector.load %arg2[%get3A_113, %get3A_114, %get3A_115] : memref<4x192x128xf32, #tpu.memory_space<vmem>>, vector<1x192x128xf32>
    %get3A_117 = vector.shape_cast %get3A_116 : vector<1x192x128xf32> to vector<192x128xf32>
    %dot_general3A_118 = arith.constant dense<0.000000e+00> : vector<784x128xf32>
    %dot_general3A_119 = tpu.matmul %concatenate3A_72, %get3A_117, %dot_general3A_118 {dimension_numbers = #tpu.dot_dimension_numbers<[1], [0], [0], [1], [0, 0, 1, 1], [], []>, transpose_lhs_hint = false} : vector<784x192xf32>, vector<192x128xf32>, vector<784x128xf32> -> vector<784x128xf32>
    %add3A_120 = arith.addf %add3A_112, %dot_general3A_119 : vector<784x128xf32>
    %get3A_121 = arith.constant 3 : index
    %get3A_122 = arith.constant 0 : index
    %get3A_123 = arith.constant 0 : index
    %get3A_124 = vector.load %arg2[%get3A_121, %get3A_122, %get3A_123] : memref<4x192x128xf32, #tpu.memory_space<vmem>>, vector<1x192x128xf32>
    %get3A_125 = vector.shape_cast %get3A_124 : vector<1x192x128xf32> to vector<192x128xf32>
    %dot_general3A_126 = arith.constant dense<0.000000e+00> : vector<784x128xf32>
    %dot_general3A_127 = tpu.matmul %concatenate3A_97, %get3A_125, %dot_general3A_126 {dimension_numbers = #tpu.dot_dimension_numbers<[1], [0], [0], [1], [0, 0, 1, 1], [], []>, transpose_lhs_hint = false} : vector<784x192xf32>, vector<192x128xf32>, vector<784x128xf32> -> vector<784x128xf32>
    %add3A_128 = arith.addf %add3A_120, %dot_general3A_127 : vector<784x128xf32>
    %get3A_129 = arith.constant 0 : index
    %get3A_130 = arith.constant 0 : index
    %get3A_131 = vector.load %arg5[%get3A_129, %get3A_130] : memref<1x128xf32, #tpu.memory_space<vmem>>, vector<1x128xf32>
    %add3A_132 = vector.broadcast %get3A_131 : vector<1x128xf32> to vector<784x128xf32>
    %add3A_133 = arith.addf %add3A_128, %add3A_132 : vector<784x128xf32>
    %max3A = arith.constant 0.000000e+00 : f32
    %max3A_134 = vector.broadcast %max3A : f32 to vector<784x128xf32>
    %max3A_135 = arith.maximumf %add3A_133, %max3A_134 : vector<784x128xf32>
    %broadcast_in_dim3A_136 = arith.constant 0.000000e+00 : f32
    %broadcast_in_dim3A_137 = vector.broadcast %broadcast_in_dim3A_136 : f32 to vector<784x128xf32>
    %get3A_138 = arith.constant 0 : index
    %get3A_139 = arith.constant 0 : index
    %get3A_140 = arith.constant 0 : index
    %get3A_141 = vector.load %arg2[%get3A_138, %get3A_139, %get3A_140] : memref<4x192x128xf32, #tpu.memory_space<vmem>>, vector<1x192x128xf32>
    %get3A_142 = vector.shape_cast %get3A_141 : vector<1x192x128xf32> to vector<192x128xf32>
    %dot_general3A_143 = arith.constant dense<0.000000e+00> : vector<784x128xf32>
    %dot_general3A_144 = tpu.matmul %concatenate3A_47, %get3A_142, %dot_general3A_143 {dimension_numbers = #tpu.dot_dimension_numbers<[1], [0], [0], [1], [0, 0, 1, 1], [], []>, transpose_lhs_hint = false} : vector<784x192xf32>, vector<192x128xf32>, vector<784x128xf32> -> vector<784x128xf32>
    %add3A_145 = arith.addf %broadcast_in_dim3A_137, %dot_general3A_144 : vector<784x128xf32>
    %slice3A = vector.extract_strided_slice %concatenate3A {offsets = [1, 0], sizes = [783, 192], strides = [1, 1]} : vector<784x192xf32> to vector<783x192xf32>
    %jit3A = arith.constant 0 : i32
    %convert_element_type3A = arith.sitofp %jit3A : i32 to f32
    %pad3A = vector.broadcast %convert_element_type3A : f32 to vector<1x192xf32>
    %pad3A_146 = tpu.concatenate %slice3A, %pad3A in 0 : vector<783x192xf32>, vector<1x192xf32> -> vector<784x192xf32>
    %get3A_147 = arith.constant 1 : index
    %get3A_148 = arith.constant 0 : index
    %get3A_149 = arith.constant 0 : index
    %get3A_150 = vector.load %arg2[%get3A_147, %get3A_148, %get3A_149] : memref<4x192x128xf32, #tpu.memory_space<vmem>>, vector<1x192x128xf32>
    %get3A_151 = vector.shape_cast %get3A_150 : vector<1x192x128xf32> to vector<192x128xf32>
    %dot_general3A_152 = arith.constant dense<0.000000e+00> : vector<784x128xf32>
    %dot_general3A_153 = tpu.matmul %pad3A_146, %get3A_151, %dot_general3A_152 {dimension_numbers = #tpu.dot_dimension_numbers<[1], [0], [0], [1], [0, 0, 1, 1], [], []>, transpose_lhs_hint = false} : vector<784x192xf32>, vector<192x128xf32>, vector<784x128xf32> -> vector<784x128xf32>
    %add3A_154 = arith.addf %add3A_145, %dot_general3A_153 : vector<784x128xf32>
    %get3A_155 = arith.constant 2 : index
    %get3A_156 = arith.constant 0 : index
    %get3A_157 = arith.constant 0 : index
    %get3A_158 = vector.load %arg2[%get3A_155, %get3A_156, %get3A_157] : memref<4x192x128xf32, #tpu.memory_space<vmem>>, vector<1x192x128xf32>
    %get3A_159 = vector.shape_cast %get3A_158 : vector<1x192x128xf32> to vector<192x128xf32>
    %dot_general3A_160 = arith.constant dense<0.000000e+00> : vector<784x128xf32>
    %dot_general3A_161 = tpu.matmul %concatenate3A_97, %get3A_159, %dot_general3A_160 {dimension_numbers = #tpu.dot_dimension_numbers<[1], [0], [0], [1], [0, 0, 1, 1], [], []>, transpose_lhs_hint = false} : vector<784x192xf32>, vector<192x128xf32>, vector<784x128xf32> -> vector<784x128xf32>
    %add3A_162 = arith.addf %add3A_154, %dot_general3A_161 : vector<784x128xf32>
    %slice3A_163 = vector.extract_strided_slice %concatenate3A_72 {offsets = [1, 0], sizes = [783, 192], strides = [1, 1]} : vector<784x192xf32> to vector<783x192xf32>
    %jit3A_164 = arith.constant 0 : i32
    %convert_element_type3A_165 = arith.sitofp %jit3A_164 : i32 to f32
    %pad3A_166 = vector.broadcast %convert_element_type3A_165 : f32 to vector<1x192xf32>
    %pad3A_167 = tpu.concatenate %slice3A_163, %pad3A_166 in 0 : vector<783x192xf32>, vector<1x192xf32> -> vector<784x192xf32>
    %get3A_168 = arith.constant 3 : index
    %get3A_169 = arith.constant 0 : index
    %get3A_170 = arith.constant 0 : index
    %get3A_171 = vector.load %arg2[%get3A_168, %get3A_169, %get3A_170] : memref<4x192x128xf32, #tpu.memory_space<vmem>>, vector<1x192x128xf32>
    %get3A_172 = vector.shape_cast %get3A_171 : vector<1x192x128xf32> to vector<192x128xf32>
    %dot_general3A_173 = arith.constant dense<0.000000e+00> : vector<784x128xf32>
    %dot_general3A_174 = tpu.matmul %pad3A_167, %get3A_172, %dot_general3A_173 {dimension_numbers = #tpu.dot_dimension_numbers<[1], [0], [0], [1], [0, 0, 1, 1], [], []>, transpose_lhs_hint = false} : vector<784x192xf32>, vector<192x128xf32>, vector<784x128xf32> -> vector<784x128xf32>
    %add3A_175 = arith.addf %add3A_162, %dot_general3A_174 : vector<784x128xf32>
    %get3A_176 = arith.constant 0 : index
    %get3A_177 = arith.constant 0 : index
    %get3A_178 = vector.load %arg5[%get3A_176, %get3A_177] : memref<1x128xf32, #tpu.memory_space<vmem>>, vector<1x128xf32>
    %add3A_179 = vector.broadcast %get3A_178 : vector<1x128xf32> to vector<784x128xf32>
    %add3A_180 = arith.addf %add3A_175, %add3A_179 : vector<784x128xf32>
    %max3A_181 = arith.constant 0.000000e+00 : f32
    %max3A_182 = vector.broadcast %max3A_181 : f32 to vector<784x128xf32>
    %max3A_183 = arith.maximumf %add3A_180, %max3A_182 : vector<784x128xf32>
    %broadcast_in_dim3A_184 = arith.constant 0.000000e+00 : f32
    %broadcast_in_dim3A_185 = vector.broadcast %broadcast_in_dim3A_184 : f32 to vector<784x128xf32>
    %get3A_186 = arith.constant 0 : index
    %get3A_187 = arith.constant 0 : index
    %get3A_188 = arith.constant 0 : index
    %get3A_189 = vector.load %arg2[%get3A_186, %get3A_187, %get3A_188] : memref<4x192x128xf32, #tpu.memory_space<vmem>>, vector<1x192x128xf32>
    %get3A_190 = vector.shape_cast %get3A_189 : vector<1x192x128xf32> to vector<192x128xf32>
    %dot_general3A_191 = arith.constant dense<0.000000e+00> : vector<784x128xf32>
    %dot_general3A_192 = tpu.matmul %concatenate3A_72, %get3A_190, %dot_general3A_191 {dimension_numbers = #tpu.dot_dimension_numbers<[1], [0], [0], [1], [0, 0, 1, 1], [], []>, transpose_lhs_hint = false} : vector<784x192xf32>, vector<192x128xf32>, vector<784x128xf32> -> vector<784x128xf32>
    %add3A_193 = arith.addf %broadcast_in_dim3A_185, %dot_general3A_192 : vector<784x128xf32>
    %get3A_194 = arith.constant 1 : index
    %get3A_195 = arith.constant 0 : index
    %get3A_196 = arith.constant 0 : index
    %get3A_197 = vector.load %arg2[%get3A_194, %get3A_195, %get3A_196] : memref<4x192x128xf32, #tpu.memory_space<vmem>>, vector<1x192x128xf32>
    %get3A_198 = vector.shape_cast %get3A_197 : vector<1x192x128xf32> to vector<192x128xf32>
    %dot_general3A_199 = arith.constant dense<0.000000e+00> : vector<784x128xf32>
    %dot_general3A_200 = tpu.matmul %concatenate3A_97, %get3A_198, %dot_general3A_199 {dimension_numbers = #tpu.dot_dimension_numbers<[1], [0], [0], [1], [0, 0, 1, 1], [], []>, transpose_lhs_hint = false} : vector<784x192xf32>, vector<192x128xf32>, vector<784x128xf32> -> vector<784x128xf32>
    %add3A_201 = arith.addf %add3A_193, %dot_general3A_200 : vector<784x128xf32>
    %slice3A_202 = vector.extract_strided_slice %concatenate3A {offsets = [28, 0], sizes = [756, 192], strides = [1, 1]} : vector<784x192xf32> to vector<756x192xf32>
    %jit3A_203 = arith.constant 0 : i32
    %convert_element_type3A_204 = arith.sitofp %jit3A_203 : i32 to f32
    %pad3A_205 = vector.broadcast %convert_element_type3A_204 : f32 to vector<28x192xf32>
    %pad3A_206 = tpu.concatenate %slice3A_202, %pad3A_205 in 0 : vector<756x192xf32>, vector<28x192xf32> -> vector<784x192xf32>
    %get3A_207 = arith.constant 2 : index
    %get3A_208 = arith.constant 0 : index
    %get3A_209 = arith.constant 0 : index
    %get3A_210 = vector.load %arg2[%get3A_207, %get3A_208, %get3A_209] : memref<4x192x128xf32, #tpu.memory_space<vmem>>, vector<1x192x128xf32>
    %get3A_211 = vector.shape_cast %get3A_210 : vector<1x192x128xf32> to vector<192x128xf32>
    %dot_general3A_212 = arith.constant dense<0.000000e+00> : vector<784x128xf32>
    %dot_general3A_213 = tpu.matmul %pad3A_206, %get3A_211, %dot_general3A_212 {dimension_numbers = #tpu.dot_dimension_numbers<[1], [0], [0], [1], [0, 0, 1, 1], [], []>, transpose_lhs_hint = false} : vector<784x192xf32>, vector<192x128xf32>, vector<784x128xf32> -> vector<784x128xf32>
    %add3A_214 = arith.addf %add3A_201, %dot_general3A_213 : vector<784x128xf32>
    %slice3A_215 = vector.extract_strided_slice %concatenate3A_47 {offsets = [28, 0], sizes = [756, 192], strides = [1, 1]} : vector<784x192xf32> to vector<756x192xf32>
    %jit3A_216 = arith.constant 0 : i32
    %convert_element_type3A_217 = arith.sitofp %jit3A_216 : i32 to f32
    %pad3A_218 = vector.broadcast %convert_element_type3A_217 : f32 to vector<28x192xf32>
    %pad3A_219 = tpu.concatenate %slice3A_215, %pad3A_218 in 0 : vector<756x192xf32>, vector<28x192xf32> -> vector<784x192xf32>
    %get3A_220 = arith.constant 3 : index
    %get3A_221 = arith.constant 0 : index
    %get3A_222 = arith.constant 0 : index
    %get3A_223 = vector.load %arg2[%get3A_220, %get3A_221, %get3A_222] : memref<4x192x128xf32, #tpu.memory_space<vmem>>, vector<1x192x128xf32>
    %get3A_224 = vector.shape_cast %get3A_223 : vector<1x192x128xf32> to vector<192x128xf32>
    %dot_general3A_225 = arith.constant dense<0.000000e+00> : vector<784x128xf32>
    %dot_general3A_226 = tpu.matmul %pad3A_219, %get3A_224, %dot_general3A_225 {dimension_numbers = #tpu.dot_dimension_numbers<[1], [0], [0], [1], [0, 0, 1, 1], [], []>, transpose_lhs_hint = false} : vector<784x192xf32>, vector<192x128xf32>, vector<784x128xf32> -> vector<784x128xf32>
    %add3A_227 = arith.addf %add3A_214, %dot_general3A_226 : vector<784x128xf32>
    %get3A_228 = arith.constant 0 : index
    %get3A_229 = arith.constant 0 : index
    %get3A_230 = vector.load %arg5[%get3A_228, %get3A_229] : memref<1x128xf32, #tpu.memory_space<vmem>>, vector<1x128xf32>
    %add3A_231 = vector.broadcast %get3A_230 : vector<1x128xf32> to vector<784x128xf32>
    %add3A_232 = arith.addf %add3A_227, %add3A_231 : vector<784x128xf32>
    %max3A_233 = arith.constant 0.000000e+00 : f32
    %max3A_234 = vector.broadcast %max3A_233 : f32 to vector<784x128xf32>
    %max3A_235 = arith.maximumf %add3A_232, %max3A_234 : vector<784x128xf32>
    %broadcast_in_dim3A_236 = arith.constant 0.000000e+00 : f32
    %broadcast_in_dim3A_237 = vector.broadcast %broadcast_in_dim3A_236 : f32 to vector<784x128xf32>
    %get3A_238 = arith.constant 0 : index
    %get3A_239 = arith.constant 0 : index
    %get3A_240 = arith.constant 0 : index
    %get3A_241 = vector.load %arg2[%get3A_238, %get3A_239, %get3A_240] : memref<4x192x128xf32, #tpu.memory_space<vmem>>, vector<1x192x128xf32>
    %get3A_242 = vector.shape_cast %get3A_241 : vector<1x192x128xf32> to vector<192x128xf32>
    %dot_general3A_243 = arith.constant dense<0.000000e+00> : vector<784x128xf32>
    %dot_general3A_244 = tpu.matmul %concatenate3A_97, %get3A_242, %dot_general3A_243 {dimension_numbers = #tpu.dot_dimension_numbers<[1], [0], [0], [1], [0, 0, 1, 1], [], []>, transpose_lhs_hint = false} : vector<784x192xf32>, vector<192x128xf32>, vector<784x128xf32> -> vector<784x128xf32>
    %add3A_245 = arith.addf %broadcast_in_dim3A_237, %dot_general3A_244 : vector<784x128xf32>
    %slice3A_246 = vector.extract_strided_slice %concatenate3A_72 {offsets = [1, 0], sizes = [783, 192], strides = [1, 1]} : vector<784x192xf32> to vector<783x192xf32>
    %jit3A_247 = arith.constant 0 : i32
    %convert_element_type3A_248 = arith.sitofp %jit3A_247 : i32 to f32
    %pad3A_249 = vector.broadcast %convert_element_type3A_248 : f32 to vector<1x192xf32>
    %pad3A_250 = tpu.concatenate %slice3A_246, %pad3A_249 in 0 : vector<783x192xf32>, vector<1x192xf32> -> vector<784x192xf32>
    %get3A_251 = arith.constant 1 : index
    %get3A_252 = arith.constant 0 : index
    %get3A_253 = arith.constant 0 : index
    %get3A_254 = vector.load %arg2[%get3A_251, %get3A_252, %get3A_253] : memref<4x192x128xf32, #tpu.memory_space<vmem>>, vector<1x192x128xf32>
    %get3A_255 = vector.shape_cast %get3A_254 : vector<1x192x128xf32> to vector<192x128xf32>
    %dot_general3A_256 = arith.constant dense<0.000000e+00> : vector<784x128xf32>
    %dot_general3A_257 = tpu.matmul %pad3A_250, %get3A_255, %dot_general3A_256 {dimension_numbers = #tpu.dot_dimension_numbers<[1], [0], [0], [1], [0, 0, 1, 1], [], []>, transpose_lhs_hint = false} : vector<784x192xf32>, vector<192x128xf32>, vector<784x128xf32> -> vector<784x128xf32>
    %add3A_258 = arith.addf %add3A_245, %dot_general3A_257 : vector<784x128xf32>
    %slice3A_259 = vector.extract_strided_slice %concatenate3A_47 {offsets = [28, 0], sizes = [756, 192], strides = [1, 1]} : vector<784x192xf32> to vector<756x192xf32>
    %jit3A_260 = arith.constant 0 : i32
    %convert_element_type3A_261 = arith.sitofp %jit3A_260 : i32 to f32
    %pad3A_262 = vector.broadcast %convert_element_type3A_261 : f32 to vector<28x192xf32>
    %pad3A_263 = tpu.concatenate %slice3A_259, %pad3A_262 in 0 : vector<756x192xf32>, vector<28x192xf32> -> vector<784x192xf32>
    %get3A_264 = arith.constant 2 : index
    %get3A_265 = arith.constant 0 : index
    %get3A_266 = arith.constant 0 : index
    %get3A_267 = vector.load %arg2[%get3A_264, %get3A_265, %get3A_266] : memref<4x192x128xf32, #tpu.memory_space<vmem>>, vector<1x192x128xf32>
    %get3A_268 = vector.shape_cast %get3A_267 : vector<1x192x128xf32> to vector<192x128xf32>
    %dot_general3A_269 = arith.constant dense<0.000000e+00> : vector<784x128xf32>
    %dot_general3A_270 = tpu.matmul %pad3A_263, %get3A_268, %dot_general3A_269 {dimension_numbers = #tpu.dot_dimension_numbers<[1], [0], [0], [1], [0, 0, 1, 1], [], []>, transpose_lhs_hint = false} : vector<784x192xf32>, vector<192x128xf32>, vector<784x128xf32> -> vector<784x128xf32>
    %add3A_271 = arith.addf %add3A_258, %dot_general3A_270 : vector<784x128xf32>
    %slice3A_272 = vector.extract_strided_slice %concatenate3A {offsets = [29, 0], sizes = [755, 192], strides = [1, 1]} : vector<784x192xf32> to vector<755x192xf32>
    %jit3A_273 = arith.constant 0 : i32
    %convert_element_type3A_274 = arith.sitofp %jit3A_273 : i32 to f32
    %pad3A_275 = vector.broadcast %convert_element_type3A_274 : f32 to vector<29x192xf32>
    %pad3A_276 = tpu.concatenate %slice3A_272, %pad3A_275 in 0 : vector<755x192xf32>, vector<29x192xf32> -> vector<784x192xf32>
    %get3A_277 = arith.constant 3 : index
    %get3A_278 = arith.constant 0 : index
    %get3A_279 = arith.constant 0 : index
    %get3A_280 = vector.load %arg2[%get3A_277, %get3A_278, %get3A_279] : memref<4x192x128xf32, #tpu.memory_space<vmem>>, vector<1x192x128xf32>
    %get3A_281 = vector.shape_cast %get3A_280 : vector<1x192x128xf32> to vector<192x128xf32>
    %dot_general3A_282 = arith.constant dense<0.000000e+00> : vector<784x128xf32>
    %dot_general3A_283 = tpu.matmul %pad3A_276, %get3A_281, %dot_general3A_282 {dimension_numbers = #tpu.dot_dimension_numbers<[1], [0], [0], [1], [0, 0, 1, 1], [], []>, transpose_lhs_hint = false} : vector<784x192xf32>, vector<192x128xf32>, vector<784x128xf32> -> vector<784x128xf32>
    %add3A_284 = arith.addf %add3A_271, %dot_general3A_283 : vector<784x128xf32>
    %get3A_285 = arith.constant 0 : index
    %get3A_286 = arith.constant 0 : index
    %get3A_287 = vector.load %arg5[%get3A_285, %get3A_286] : memref<1x128xf32, #tpu.memory_space<vmem>>, vector<1x128xf32>
    %add3A_288 = vector.broadcast %get3A_287 : vector<1x128xf32> to vector<784x128xf32>
    %add3A_289 = arith.addf %add3A_284, %add3A_288 : vector<784x128xf32>
    %max3A_290 = arith.constant 0.000000e+00 : f32
    %max3A_291 = vector.broadcast %max3A_290 : f32 to vector<784x128xf32>
    %max3A_292 = arith.maximumf %add3A_289, %max3A_291 : vector<784x128xf32>
    %broadcast_in_dim3A_293 = arith.constant 0.000000e+00 : f32
    %broadcast_in_dim3A_294 = vector.broadcast %broadcast_in_dim3A_293 : f32 to vector<784x256xf32>
    %get3A_295 = arith.constant 0 : index
    %get3A_296 = arith.constant 0 : index
    %get3A_297 = arith.constant 0 : index
    %get3A_298 = vector.load %arg3[%get3A_295, %get3A_296, %get3A_297] : memref<16x128x256xf32, #tpu.memory_space<vmem>>, vector<1x128x256xf32>
    %get3A_299 = vector.shape_cast %get3A_298 : vector<1x128x256xf32> to vector<128x256xf32>
    %dot_general3A_300 = arith.constant dense<0.000000e+00> : vector<784x256xf32>
    %dot_general3A_301 = tpu.matmul %max3A_135, %get3A_299, %dot_general3A_300 {dimension_numbers = #tpu.dot_dimension_numbers<[1], [0], [0], [1], [0, 0, 1, 1], [], []>, transpose_lhs_hint = false} : vector<784x128xf32>, vector<128x256xf32>, vector<784x256xf32> -> vector<784x256xf32>
    %add3A_302 = arith.addf %broadcast_in_dim3A_294, %dot_general3A_301 : vector<784x256xf32>
    %get3A_303 = arith.constant 1 : index
    %get3A_304 = arith.constant 0 : index
    %get3A_305 = arith.constant 0 : index
    %get3A_306 = vector.load %arg3[%get3A_303, %get3A_304, %get3A_305] : memref<16x128x256xf32, #tpu.memory_space<vmem>>, vector<1x128x256xf32>
    %get3A_307 = vector.shape_cast %get3A_306 : vector<1x128x256xf32> to vector<128x256xf32>
    %dot_general3A_308 = arith.constant dense<0.000000e+00> : vector<784x256xf32>
    %dot_general3A_309 = tpu.matmul %max3A_183, %get3A_307, %dot_general3A_308 {dimension_numbers = #tpu.dot_dimension_numbers<[1], [0], [0], [1], [0, 0, 1, 1], [], []>, transpose_lhs_hint = false} : vector<784x128xf32>, vector<128x256xf32>, vector<784x256xf32> -> vector<784x256xf32>
    %add3A_310 = arith.addf %add3A_302, %dot_general3A_309 : vector<784x256xf32>
    %slice3A_311 = vector.extract_strided_slice %max3A_135 {offsets = [1, 0], sizes = [783, 128], strides = [1, 1]} : vector<784x128xf32> to vector<783x128xf32>
    %jit3A_312 = arith.constant 0 : i32
    %convert_element_type3A_313 = arith.sitofp %jit3A_312 : i32 to f32
    %pad3A_314 = vector.broadcast %convert_element_type3A_313 : f32 to vector<1x128xf32>
    %pad3A_315 = tpu.concatenate %slice3A_311, %pad3A_314 in 0 : vector<783x128xf32>, vector<1x128xf32> -> vector<784x128xf32>
    %get3A_316 = arith.constant 2 : index
    %get3A_317 = arith.constant 0 : index
    %get3A_318 = arith.constant 0 : index
    %get3A_319 = vector.load %arg3[%get3A_316, %get3A_317, %get3A_318] : memref<16x128x256xf32, #tpu.memory_space<vmem>>, vector<1x128x256xf32>
    %get3A_320 = vector.shape_cast %get3A_319 : vector<1x128x256xf32> to vector<128x256xf32>
    %dot_general3A_321 = arith.constant dense<0.000000e+00> : vector<784x256xf32>
    %dot_general3A_322 = tpu.matmul %pad3A_315, %get3A_320, %dot_general3A_321 {dimension_numbers = #tpu.dot_dimension_numbers<[1], [0], [0], [1], [0, 0, 1, 1], [], []>, transpose_lhs_hint = false} : vector<784x128xf32>, vector<128x256xf32>, vector<784x256xf32> -> vector<784x256xf32>
    %add3A_323 = arith.addf %add3A_310, %dot_general3A_322 : vector<784x256xf32>
    %slice3A_324 = vector.extract_strided_slice %max3A_183 {offsets = [1, 0], sizes = [783, 128], strides = [1, 1]} : vector<784x128xf32> to vector<783x128xf32>
    %jit3A_325 = arith.constant 0 : i32
    %convert_element_type3A_326 = arith.sitofp %jit3A_325 : i32 to f32
    %pad3A_327 = vector.broadcast %convert_element_type3A_326 : f32 to vector<1x128xf32>
    %pad3A_328 = tpu.concatenate %slice3A_324, %pad3A_327 in 0 : vector<783x128xf32>, vector<1x128xf32> -> vector<784x128xf32>
    %get3A_329 = arith.constant 3 : index
    %get3A_330 = arith.constant 0 : index
    %get3A_331 = arith.constant 0 : index
    %get3A_332 = vector.load %arg3[%get3A_329, %get3A_330, %get3A_331] : memref<16x128x256xf32, #tpu.memory_space<vmem>>, vector<1x128x256xf32>
    %get3A_333 = vector.shape_cast %get3A_332 : vector<1x128x256xf32> to vector<128x256xf32>
    %dot_general3A_334 = arith.constant dense<0.000000e+00> : vector<784x256xf32>
    %dot_general3A_335 = tpu.matmul %pad3A_328, %get3A_333, %dot_general3A_334 {dimension_numbers = #tpu.dot_dimension_numbers<[1], [0], [0], [1], [0, 0, 1, 1], [], []>, transpose_lhs_hint = false} : vector<784x128xf32>, vector<128x256xf32>, vector<784x256xf32> -> vector<784x256xf32>
    %add3A_336 = arith.addf %add3A_323, %dot_general3A_335 : vector<784x256xf32>
    %get3A_337 = arith.constant 4 : index
    %get3A_338 = arith.constant 0 : index
    %get3A_339 = arith.constant 0 : index
    %get3A_340 = vector.load %arg3[%get3A_337, %get3A_338, %get3A_339] : memref<16x128x256xf32, #tpu.memory_space<vmem>>, vector<1x128x256xf32>
    %get3A_341 = vector.shape_cast %get3A_340 : vector<1x128x256xf32> to vector<128x256xf32>
    %dot_general3A_342 = arith.constant dense<0.000000e+00> : vector<784x256xf32>
    %dot_general3A_343 = tpu.matmul %max3A_235, %get3A_341, %dot_general3A_342 {dimension_numbers = #tpu.dot_dimension_numbers<[1], [0], [0], [1], [0, 0, 1, 1], [], []>, transpose_lhs_hint = false} : vector<784x128xf32>, vector<128x256xf32>, vector<784x256xf32> -> vector<784x256xf32>
    %add3A_344 = arith.addf %add3A_336, %dot_general3A_343 : vector<784x256xf32>
    %get3A_345 = arith.constant 5 : index
    %get3A_346 = arith.constant 0 : index
    %get3A_347 = arith.constant 0 : index
    %get3A_348 = vector.load %arg3[%get3A_345, %get3A_346, %get3A_347] : memref<16x128x256xf32, #tpu.memory_space<vmem>>, vector<1x128x256xf32>
    %get3A_349 = vector.shape_cast %get3A_348 : vector<1x128x256xf32> to vector<128x256xf32>
    %dot_general3A_350 = arith.constant dense<0.000000e+00> : vector<784x256xf32>
    %dot_general3A_351 = tpu.matmul %max3A_292, %get3A_349, %dot_general3A_350 {dimension_numbers = #tpu.dot_dimension_numbers<[1], [0], [0], [1], [0, 0, 1, 1], [], []>, transpose_lhs_hint = false} : vector<784x128xf32>, vector<128x256xf32>, vector<784x256xf32> -> vector<784x256xf32>
    %add3A_352 = arith.addf %add3A_344, %dot_general3A_351 : vector<784x256xf32>
    %slice3A_353 = vector.extract_strided_slice %max3A_235 {offsets = [1, 0], sizes = [783, 128], strides = [1, 1]} : vector<784x128xf32> to vector<783x128xf32>
    %jit3A_354 = arith.constant 0 : i32
    %convert_element_type3A_355 = arith.sitofp %jit3A_354 : i32 to f32
    %pad3A_356 = vector.broadcast %convert_element_type3A_355 : f32 to vector<1x128xf32>
    %pad3A_357 = tpu.concatenate %slice3A_353, %pad3A_356 in 0 : vector<783x128xf32>, vector<1x128xf32> -> vector<784x128xf32>
    %get3A_358 = arith.constant 6 : index
    %get3A_359 = arith.constant 0 : index
    %get3A_360 = arith.constant 0 : index
    %get3A_361 = vector.load %arg3[%get3A_358, %get3A_359, %get3A_360] : memref<16x128x256xf32, #tpu.memory_space<vmem>>, vector<1x128x256xf32>
    %get3A_362 = vector.shape_cast %get3A_361 : vector<1x128x256xf32> to vector<128x256xf32>
    %dot_general3A_363 = arith.constant dense<0.000000e+00> : vector<784x256xf32>
    %dot_general3A_364 = tpu.matmul %pad3A_357, %get3A_362, %dot_general3A_363 {dimension_numbers = #tpu.dot_dimension_numbers<[1], [0], [0], [1], [0, 0, 1, 1], [], []>, transpose_lhs_hint = false} : vector<784x128xf32>, vector<128x256xf32>, vector<784x256xf32> -> vector<784x256xf32>
    %add3A_365 = arith.addf %add3A_352, %dot_general3A_364 : vector<784x256xf32>
    %slice3A_366 = vector.extract_strided_slice %max3A_292 {offsets = [1, 0], sizes = [783, 128], strides = [1, 1]} : vector<784x128xf32> to vector<783x128xf32>
    %jit3A_367 = arith.constant 0 : i32
    %convert_element_type3A_368 = arith.sitofp %jit3A_367 : i32 to f32
    %pad3A_369 = vector.broadcast %convert_element_type3A_368 : f32 to vector<1x128xf32>
    %pad3A_370 = tpu.concatenate %slice3A_366, %pad3A_369 in 0 : vector<783x128xf32>, vector<1x128xf32> -> vector<784x128xf32>
    %get3A_371 = arith.constant 7 : index
    %get3A_372 = arith.constant 0 : index
    %get3A_373 = arith.constant 0 : index
    %get3A_374 = vector.load %arg3[%get3A_371, %get3A_372, %get3A_373] : memref<16x128x256xf32, #tpu.memory_space<vmem>>, vector<1x128x256xf32>
    %get3A_375 = vector.shape_cast %get3A_374 : vector<1x128x256xf32> to vector<128x256xf32>
    %dot_general3A_376 = arith.constant dense<0.000000e+00> : vector<784x256xf32>
    %dot_general3A_377 = tpu.matmul %pad3A_370, %get3A_375, %dot_general3A_376 {dimension_numbers = #tpu.dot_dimension_numbers<[1], [0], [0], [1], [0, 0, 1, 1], [], []>, transpose_lhs_hint = false} : vector<784x128xf32>, vector<128x256xf32>, vector<784x256xf32> -> vector<784x256xf32>
    %add3A_378 = arith.addf %add3A_365, %dot_general3A_377 : vector<784x256xf32>
    %slice3A_379 = vector.extract_strided_slice %max3A_135 {offsets = [28, 0], sizes = [756, 128], strides = [1, 1]} : vector<784x128xf32> to vector<756x128xf32>
    %jit3A_380 = arith.constant 0 : i32
    %convert_element_type3A_381 = arith.sitofp %jit3A_380 : i32 to f32
    %pad3A_382 = vector.broadcast %convert_element_type3A_381 : f32 to vector<28x128xf32>
    %pad3A_383 = tpu.concatenate %slice3A_379, %pad3A_382 in 0 : vector<756x128xf32>, vector<28x128xf32> -> vector<784x128xf32>
    %get3A_384 = arith.constant 8 : index
    %get3A_385 = arith.constant 0 : index
    %get3A_386 = arith.constant 0 : index
    %get3A_387 = vector.load %arg3[%get3A_384, %get3A_385, %get3A_386] : memref<16x128x256xf32, #tpu.memory_space<vmem>>, vector<1x128x256xf32>
    %get3A_388 = vector.shape_cast %get3A_387 : vector<1x128x256xf32> to vector<128x256xf32>
    %dot_general3A_389 = arith.constant dense<0.000000e+00> : vector<784x256xf32>
    %dot_general3A_390 = tpu.matmul %pad3A_383, %get3A_388, %dot_general3A_389 {dimension_numbers = #tpu.dot_dimension_numbers<[1], [0], [0], [1], [0, 0, 1, 1], [], []>, transpose_lhs_hint = false} : vector<784x128xf32>, vector<128x256xf32>, vector<784x256xf32> -> vector<784x256xf32>
    %add3A_391 = arith.addf %add3A_378, %dot_general3A_390 : vector<784x256xf32>
    %slice3A_392 = vector.extract_strided_slice %max3A_183 {offsets = [28, 0], sizes = [756, 128], strides = [1, 1]} : vector<784x128xf32> to vector<756x128xf32>
    %jit3A_393 = arith.constant 0 : i32
    %convert_element_type3A_394 = arith.sitofp %jit3A_393 : i32 to f32
    %pad3A_395 = vector.broadcast %convert_element_type3A_394 : f32 to vector<28x128xf32>
    %pad3A_396 = tpu.concatenate %slice3A_392, %pad3A_395 in 0 : vector<756x128xf32>, vector<28x128xf32> -> vector<784x128xf32>
    %get3A_397 = arith.constant 9 : index
    %get3A_398 = arith.constant 0 : index
    %get3A_399 = arith.constant 0 : index
    %get3A_400 = vector.load %arg3[%get3A_397, %get3A_398, %get3A_399] : memref<16x128x256xf32, #tpu.memory_space<vmem>>, vector<1x128x256xf32>
    %get3A_401 = vector.shape_cast %get3A_400 : vector<1x128x256xf32> to vector<128x256xf32>
    %dot_general3A_402 = arith.constant dense<0.000000e+00> : vector<784x256xf32>
    %dot_general3A_403 = tpu.matmul %pad3A_396, %get3A_401, %dot_general3A_402 {dimension_numbers = #tpu.dot_dimension_numbers<[1], [0], [0], [1], [0, 0, 1, 1], [], []>, transpose_lhs_hint = false} : vector<784x128xf32>, vector<128x256xf32>, vector<784x256xf32> -> vector<784x256xf32>
    %add3A_404 = arith.addf %add3A_391, %dot_general3A_403 : vector<784x256xf32>
    %slice3A_405 = vector.extract_strided_slice %max3A_135 {offsets = [29, 0], sizes = [755, 128], strides = [1, 1]} : vector<784x128xf32> to vector<755x128xf32>
    %jit3A_406 = arith.constant 0 : i32
    %convert_element_type3A_407 = arith.sitofp %jit3A_406 : i32 to f32
    %pad3A_408 = vector.broadcast %convert_element_type3A_407 : f32 to vector<29x128xf32>
    %pad3A_409 = tpu.concatenate %slice3A_405, %pad3A_408 in 0 : vector<755x128xf32>, vector<29x128xf32> -> vector<784x128xf32>
    %get3A_410 = arith.constant 10 : index
    %get3A_411 = arith.constant 0 : index
    %get3A_412 = arith.constant 0 : index
    %get3A_413 = vector.load %arg3[%get3A_410, %get3A_411, %get3A_412] : memref<16x128x256xf32, #tpu.memory_space<vmem>>, vector<1x128x256xf32>
    %get3A_414 = vector.shape_cast %get3A_413 : vector<1x128x256xf32> to vector<128x256xf32>
    %dot_general3A_415 = arith.constant dense<0.000000e+00> : vector<784x256xf32>
    %dot_general3A_416 = tpu.matmul %pad3A_409, %get3A_414, %dot_general3A_415 {dimension_numbers = #tpu.dot_dimension_numbers<[1], [0], [0], [1], [0, 0, 1, 1], [], []>, transpose_lhs_hint = false} : vector<784x128xf32>, vector<128x256xf32>, vector<784x256xf32> -> vector<784x256xf32>
    %add3A_417 = arith.addf %add3A_404, %dot_general3A_416 : vector<784x256xf32>
    %slice3A_418 = vector.extract_strided_slice %max3A_183 {offsets = [29, 0], sizes = [755, 128], strides = [1, 1]} : vector<784x128xf32> to vector<755x128xf32>
    %jit3A_419 = arith.constant 0 : i32
    %convert_element_type3A_420 = arith.sitofp %jit3A_419 : i32 to f32
    %pad3A_421 = vector.broadcast %convert_element_type3A_420 : f32 to vector<29x128xf32>
    %pad3A_422 = tpu.concatenate %slice3A_418, %pad3A_421 in 0 : vector<755x128xf32>, vector<29x128xf32> -> vector<784x128xf32>
    %get3A_423 = arith.constant 11 : index
    %get3A_424 = arith.constant 0 : index
    %get3A_425 = arith.constant 0 : index
    %get3A_426 = vector.load %arg3[%get3A_423, %get3A_424, %get3A_425] : memref<16x128x256xf32, #tpu.memory_space<vmem>>, vector<1x128x256xf32>
    %get3A_427 = vector.shape_cast %get3A_426 : vector<1x128x256xf32> to vector<128x256xf32>
    %dot_general3A_428 = arith.constant dense<0.000000e+00> : vector<784x256xf32>
    %dot_general3A_429 = tpu.matmul %pad3A_422, %get3A_427, %dot_general3A_428 {dimension_numbers = #tpu.dot_dimension_numbers<[1], [0], [0], [1], [0, 0, 1, 1], [], []>, transpose_lhs_hint = false} : vector<784x128xf32>, vector<128x256xf32>, vector<784x256xf32> -> vector<784x256xf32>
    %add3A_430 = arith.addf %add3A_417, %dot_general3A_429 : vector<784x256xf32>
    %slice3A_431 = vector.extract_strided_slice %max3A_235 {offsets = [28, 0], sizes = [756, 128], strides = [1, 1]} : vector<784x128xf32> to vector<756x128xf32>
    %jit3A_432 = arith.constant 0 : i32
    %convert_element_type3A_433 = arith.sitofp %jit3A_432 : i32 to f32
    %pad3A_434 = vector.broadcast %convert_element_type3A_433 : f32 to vector<28x128xf32>
    %pad3A_435 = tpu.concatenate %slice3A_431, %pad3A_434 in 0 : vector<756x128xf32>, vector<28x128xf32> -> vector<784x128xf32>
    %get3A_436 = arith.constant 12 : index
    %get3A_437 = arith.constant 0 : index
    %get3A_438 = arith.constant 0 : index
    %get3A_439 = vector.load %arg3[%get3A_436, %get3A_437, %get3A_438] : memref<16x128x256xf32, #tpu.memory_space<vmem>>, vector<1x128x256xf32>
    %get3A_440 = vector.shape_cast %get3A_439 : vector<1x128x256xf32> to vector<128x256xf32>
    %dot_general3A_441 = arith.constant dense<0.000000e+00> : vector<784x256xf32>
    %dot_general3A_442 = tpu.matmul %pad3A_435, %get3A_440, %dot_general3A_441 {dimension_numbers = #tpu.dot_dimension_numbers<[1], [0], [0], [1], [0, 0, 1, 1], [], []>, transpose_lhs_hint = false} : vector<784x128xf32>, vector<128x256xf32>, vector<784x256xf32> -> vector<784x256xf32>
    %add3A_443 = arith.addf %add3A_430, %dot_general3A_442 : vector<784x256xf32>
    %slice3A_444 = vector.extract_strided_slice %max3A_292 {offsets = [28, 0], sizes = [756, 128], strides = [1, 1]} : vector<784x128xf32> to vector<756x128xf32>
    %jit3A_445 = arith.constant 0 : i32
    %convert_element_type3A_446 = arith.sitofp %jit3A_445 : i32 to f32
    %pad3A_447 = vector.broadcast %convert_element_type3A_446 : f32 to vector<28x128xf32>
    %pad3A_448 = tpu.concatenate %slice3A_444, %pad3A_447 in 0 : vector<756x128xf32>, vector<28x128xf32> -> vector<784x128xf32>
    %get3A_449 = arith.constant 13 : index
    %get3A_450 = arith.constant 0 : index
    %get3A_451 = arith.constant 0 : index
    %get3A_452 = vector.load %arg3[%get3A_449, %get3A_450, %get3A_451] : memref<16x128x256xf32, #tpu.memory_space<vmem>>, vector<1x128x256xf32>
    %get3A_453 = vector.shape_cast %get3A_452 : vector<1x128x256xf32> to vector<128x256xf32>
    %dot_general3A_454 = arith.constant dense<0.000000e+00> : vector<784x256xf32>
    %dot_general3A_455 = tpu.matmul %pad3A_448, %get3A_453, %dot_general3A_454 {dimension_numbers = #tpu.dot_dimension_numbers<[1], [0], [0], [1], [0, 0, 1, 1], [], []>, transpose_lhs_hint = false} : vector<784x128xf32>, vector<128x256xf32>, vector<784x256xf32> -> vector<784x256xf32>
    %add3A_456 = arith.addf %add3A_443, %dot_general3A_455 : vector<784x256xf32>
    %slice3A_457 = vector.extract_strided_slice %max3A_235 {offsets = [29, 0], sizes = [755, 128], strides = [1, 1]} : vector<784x128xf32> to vector<755x128xf32>
    %jit3A_458 = arith.constant 0 : i32
    %convert_element_type3A_459 = arith.sitofp %jit3A_458 : i32 to f32
    %pad3A_460 = vector.broadcast %convert_element_type3A_459 : f32 to vector<29x128xf32>
    %pad3A_461 = tpu.concatenate %slice3A_457, %pad3A_460 in 0 : vector<755x128xf32>, vector<29x128xf32> -> vector<784x128xf32>
    %get3A_462 = arith.constant 14 : index
    %get3A_463 = arith.constant 0 : index
    %get3A_464 = arith.constant 0 : index
    %get3A_465 = vector.load %arg3[%get3A_462, %get3A_463, %get3A_464] : memref<16x128x256xf32, #tpu.memory_space<vmem>>, vector<1x128x256xf32>
    %get3A_466 = vector.shape_cast %get3A_465 : vector<1x128x256xf32> to vector<128x256xf32>
    %dot_general3A_467 = arith.constant dense<0.000000e+00> : vector<784x256xf32>
    %dot_general3A_468 = tpu.matmul %pad3A_461, %get3A_466, %dot_general3A_467 {dimension_numbers = #tpu.dot_dimension_numbers<[1], [0], [0], [1], [0, 0, 1, 1], [], []>, transpose_lhs_hint = false} : vector<784x128xf32>, vector<128x256xf32>, vector<784x256xf32> -> vector<784x256xf32>
    %add3A_469 = arith.addf %add3A_456, %dot_general3A_468 : vector<784x256xf32>
    %slice3A_470 = vector.extract_strided_slice %max3A_292 {offsets = [29, 0], sizes = [755, 128], strides = [1, 1]} : vector<784x128xf32> to vector<755x128xf32>
    %jit3A_471 = arith.constant 0 : i32
    %convert_element_type3A_472 = arith.sitofp %jit3A_471 : i32 to f32
    %pad3A_473 = vector.broadcast %convert_element_type3A_472 : f32 to vector<29x128xf32>
    %pad3A_474 = tpu.concatenate %slice3A_470, %pad3A_473 in 0 : vector<755x128xf32>, vector<29x128xf32> -> vector<784x128xf32>
    %get3A_475 = arith.constant 15 : index
    %get3A_476 = arith.constant 0 : index
    %get3A_477 = arith.constant 0 : index
    %get3A_478 = vector.load %arg3[%get3A_475, %get3A_476, %get3A_477] : memref<16x128x256xf32, #tpu.memory_space<vmem>>, vector<1x128x256xf32>
    %get3A_479 = vector.shape_cast %get3A_478 : vector<1x128x256xf32> to vector<128x256xf32>
    %dot_general3A_480 = arith.constant dense<0.000000e+00> : vector<784x256xf32>
    %dot_general3A_481 = tpu.matmul %pad3A_474, %get3A_479, %dot_general3A_480 {dimension_numbers = #tpu.dot_dimension_numbers<[1], [0], [0], [1], [0, 0, 1, 1], [], []>, transpose_lhs_hint = false} : vector<784x128xf32>, vector<128x256xf32>, vector<784x256xf32> -> vector<784x256xf32>
    %add3A_482 = arith.addf %add3A_469, %dot_general3A_481 : vector<784x256xf32>
    %get3A_483 = arith.constant 0 : index
    %get3A_484 = arith.constant 0 : index
    %get3A_485 = vector.load %arg6[%get3A_483, %get3A_484] : memref<1x256xf32, #tpu.memory_space<vmem>>, vector<1x256xf32>
    %add3A_486 = vector.broadcast %get3A_485 : vector<1x256xf32> to vector<784x256xf32>
    %add3A_487 = arith.addf %add3A_482, %add3A_486 : vector<784x256xf32>
    %max3A_488 = arith.constant 0.000000e+00 : f32
    %max3A_489 = vector.broadcast %max3A_488 : f32 to vector<784x256xf32>
    %max3A_490 = arith.maximumf %add3A_487, %max3A_489 : vector<784x256xf32>
    %broadcast_in_dim3A_491 = arith.constant 0.000000e+00 : f32
    %broadcast_in_dim3A_492 = vector.broadcast %broadcast_in_dim3A_491 : f32 to vector<784x256xf32>
    %get3A_493 = arith.constant 0 : index
    %get3A_494 = arith.constant 0 : index
    %get3A_495 = arith.constant 0 : index
    %get3A_496 = vector.load %arg4[%get3A_493, %get3A_494, %get3A_495] : memref<9x256x256xf32, #tpu.memory_space<vmem>>, vector<1x256x256xf32>
    %get3A_497 = vector.shape_cast %get3A_496 : vector<1x256x256xf32> to vector<256x256xf32>
    %dot_general3A_498 = arith.constant dense<0.000000e+00> : vector<784x256xf32>
    %dot_general3A_499 = tpu.matmul %max3A_490, %get3A_497, %dot_general3A_498 {dimension_numbers = #tpu.dot_dimension_numbers<[1], [0], [0], [1], [0, 0, 1, 1], [], []>, transpose_lhs_hint = false} : vector<784x256xf32>, vector<256x256xf32>, vector<784x256xf32> -> vector<784x256xf32>
    %add3A_500 = arith.addf %broadcast_in_dim3A_492, %dot_general3A_499 : vector<784x256xf32>
    %slice3A_501 = vector.extract_strided_slice %max3A_490 {offsets = [1, 0], sizes = [783, 256], strides = [1, 1]} : vector<784x256xf32> to vector<783x256xf32>
    %jit3A_502 = arith.constant 0 : i32
    %convert_element_type3A_503 = arith.sitofp %jit3A_502 : i32 to f32
    %pad3A_504 = vector.broadcast %convert_element_type3A_503 : f32 to vector<1x256xf32>
    %pad3A_505 = tpu.concatenate %slice3A_501, %pad3A_504 in 0 : vector<783x256xf32>, vector<1x256xf32> -> vector<784x256xf32>
    %get3A_506 = arith.constant 1 : index
    %get3A_507 = arith.constant 0 : index
    %get3A_508 = arith.constant 0 : index
    %get3A_509 = vector.load %arg4[%get3A_506, %get3A_507, %get3A_508] : memref<9x256x256xf32, #tpu.memory_space<vmem>>, vector<1x256x256xf32>
    %get3A_510 = vector.shape_cast %get3A_509 : vector<1x256x256xf32> to vector<256x256xf32>
    %dot_general3A_511 = arith.constant dense<0.000000e+00> : vector<784x256xf32>
    %dot_general3A_512 = tpu.matmul %pad3A_505, %get3A_510, %dot_general3A_511 {dimension_numbers = #tpu.dot_dimension_numbers<[1], [0], [0], [1], [0, 0, 1, 1], [], []>, transpose_lhs_hint = false} : vector<784x256xf32>, vector<256x256xf32>, vector<784x256xf32> -> vector<784x256xf32>
    %add3A_513 = arith.addf %add3A_500, %dot_general3A_512 : vector<784x256xf32>
    %slice3A_514 = vector.extract_strided_slice %max3A_490 {offsets = [2, 0], sizes = [782, 256], strides = [1, 1]} : vector<784x256xf32> to vector<782x256xf32>
    %jit3A_515 = arith.constant 0 : i32
    %convert_element_type3A_516 = arith.sitofp %jit3A_515 : i32 to f32
    %pad3A_517 = vector.broadcast %convert_element_type3A_516 : f32 to vector<2x256xf32>
    %pad3A_518 = tpu.concatenate %slice3A_514, %pad3A_517 in 0 : vector<782x256xf32>, vector<2x256xf32> -> vector<784x256xf32>
    %get3A_519 = arith.constant 2 : index
    %get3A_520 = arith.constant 0 : index
    %get3A_521 = arith.constant 0 : index
    %get3A_522 = vector.load %arg4[%get3A_519, %get3A_520, %get3A_521] : memref<9x256x256xf32, #tpu.memory_space<vmem>>, vector<1x256x256xf32>
    %get3A_523 = vector.shape_cast %get3A_522 : vector<1x256x256xf32> to vector<256x256xf32>
    %dot_general3A_524 = arith.constant dense<0.000000e+00> : vector<784x256xf32>
    %dot_general3A_525 = tpu.matmul %pad3A_518, %get3A_523, %dot_general3A_524 {dimension_numbers = #tpu.dot_dimension_numbers<[1], [0], [0], [1], [0, 0, 1, 1], [], []>, transpose_lhs_hint = false} : vector<784x256xf32>, vector<256x256xf32>, vector<784x256xf32> -> vector<784x256xf32>
    %add3A_526 = arith.addf %add3A_513, %dot_general3A_525 : vector<784x256xf32>
    %slice3A_527 = vector.extract_strided_slice %max3A_490 {offsets = [28, 0], sizes = [756, 256], strides = [1, 1]} : vector<784x256xf32> to vector<756x256xf32>
    %jit3A_528 = arith.constant 0 : i32
    %convert_element_type3A_529 = arith.sitofp %jit3A_528 : i32 to f32
    %pad3A_530 = vector.broadcast %convert_element_type3A_529 : f32 to vector<28x256xf32>
    %pad3A_531 = tpu.concatenate %slice3A_527, %pad3A_530 in 0 : vector<756x256xf32>, vector<28x256xf32> -> vector<784x256xf32>
    %get3A_532 = arith.constant 3 : index
    %get3A_533 = arith.constant 0 : index
    %get3A_534 = arith.constant 0 : index
    %get3A_535 = vector.load %arg4[%get3A_532, %get3A_533, %get3A_534] : memref<9x256x256xf32, #tpu.memory_space<vmem>>, vector<1x256x256xf32>
    %get3A_536 = vector.shape_cast %get3A_535 : vector<1x256x256xf32> to vector<256x256xf32>
    %dot_general3A_537 = arith.constant dense<0.000000e+00> : vector<784x256xf32>
    %dot_general3A_538 = tpu.matmul %pad3A_531, %get3A_536, %dot_general3A_537 {dimension_numbers = #tpu.dot_dimension_numbers<[1], [0], [0], [1], [0, 0, 1, 1], [], []>, transpose_lhs_hint = false} : vector<784x256xf32>, vector<256x256xf32>, vector<784x256xf32> -> vector<784x256xf32>
    %add3A_539 = arith.addf %add3A_526, %dot_general3A_538 : vector<784x256xf32>
    %slice3A_540 = vector.extract_strided_slice %max3A_490 {offsets = [29, 0], sizes = [755, 256], strides = [1, 1]} : vector<784x256xf32> to vector<755x256xf32>
    %jit3A_541 = arith.constant 0 : i32
    %convert_element_type3A_542 = arith.sitofp %jit3A_541 : i32 to f32
    %pad3A_543 = vector.broadcast %convert_element_type3A_542 : f32 to vector<29x256xf32>
    %pad3A_544 = tpu.concatenate %slice3A_540, %pad3A_543 in 0 : vector<755x256xf32>, vector<29x256xf32> -> vector<784x256xf32>
    %get3A_545 = arith.constant 4 : index
    %get3A_546 = arith.constant 0 : index
    %get3A_547 = arith.constant 0 : index
    %get3A_548 = vector.load %arg4[%get3A_545, %get3A_546, %get3A_547] : memref<9x256x256xf32, #tpu.memory_space<vmem>>, vector<1x256x256xf32>
    %get3A_549 = vector.shape_cast %get3A_548 : vector<1x256x256xf32> to vector<256x256xf32>
    %dot_general3A_550 = arith.constant dense<0.000000e+00> : vector<784x256xf32>
    %dot_general3A_551 = tpu.matmul %pad3A_544, %get3A_549, %dot_general3A_550 {dimension_numbers = #tpu.dot_dimension_numbers<[1], [0], [0], [1], [0, 0, 1, 1], [], []>, transpose_lhs_hint = false} : vector<784x256xf32>, vector<256x256xf32>, vector<784x256xf32> -> vector<784x256xf32>
    %add3A_552 = arith.addf %add3A_539, %dot_general3A_551 : vector<784x256xf32>
    %slice3A_553 = vector.extract_strided_slice %max3A_490 {offsets = [30, 0], sizes = [754, 256], strides = [1, 1]} : vector<784x256xf32> to vector<754x256xf32>
    %jit3A_554 = arith.constant 0 : i32
    %convert_element_type3A_555 = arith.sitofp %jit3A_554 : i32 to f32
    %pad3A_556 = vector.broadcast %convert_element_type3A_555 : f32 to vector<30x256xf32>
    %pad3A_557 = tpu.concatenate %slice3A_553, %pad3A_556 in 0 : vector<754x256xf32>, vector<30x256xf32> -> vector<784x256xf32>
    %get3A_558 = arith.constant 5 : index
    %get3A_559 = arith.constant 0 : index
    %get3A_560 = arith.constant 0 : index
    %get3A_561 = vector.load %arg4[%get3A_558, %get3A_559, %get3A_560] : memref<9x256x256xf32, #tpu.memory_space<vmem>>, vector<1x256x256xf32>
    %get3A_562 = vector.shape_cast %get3A_561 : vector<1x256x256xf32> to vector<256x256xf32>
    %dot_general3A_563 = arith.constant dense<0.000000e+00> : vector<784x256xf32>
    %dot_general3A_564 = tpu.matmul %pad3A_557, %get3A_562, %dot_general3A_563 {dimension_numbers = #tpu.dot_dimension_numbers<[1], [0], [0], [1], [0, 0, 1, 1], [], []>, transpose_lhs_hint = false} : vector<784x256xf32>, vector<256x256xf32>, vector<784x256xf32> -> vector<784x256xf32>
    %add3A_565 = arith.addf %add3A_552, %dot_general3A_564 : vector<784x256xf32>
    %slice3A_566 = vector.extract_strided_slice %max3A_490 {offsets = [56, 0], sizes = [728, 256], strides = [1, 1]} : vector<784x256xf32> to vector<728x256xf32>
    %jit3A_567 = arith.constant 0 : i32
    %convert_element_type3A_568 = arith.sitofp %jit3A_567 : i32 to f32
    %pad3A_569 = vector.broadcast %convert_element_type3A_568 : f32 to vector<56x256xf32>
    %pad3A_570 = tpu.concatenate %slice3A_566, %pad3A_569 in 0 : vector<728x256xf32>, vector<56x256xf32> -> vector<784x256xf32>
    %get3A_571 = arith.constant 6 : index
    %get3A_572 = arith.constant 0 : index
    %get3A_573 = arith.constant 0 : index
    %get3A_574 = vector.load %arg4[%get3A_571, %get3A_572, %get3A_573] : memref<9x256x256xf32, #tpu.memory_space<vmem>>, vector<1x256x256xf32>
    %get3A_575 = vector.shape_cast %get3A_574 : vector<1x256x256xf32> to vector<256x256xf32>
    %dot_general3A_576 = arith.constant dense<0.000000e+00> : vector<784x256xf32>
    %dot_general3A_577 = tpu.matmul %pad3A_570, %get3A_575, %dot_general3A_576 {dimension_numbers = #tpu.dot_dimension_numbers<[1], [0], [0], [1], [0, 0, 1, 1], [], []>, transpose_lhs_hint = false} : vector<784x256xf32>, vector<256x256xf32>, vector<784x256xf32> -> vector<784x256xf32>
    %add3A_578 = arith.addf %add3A_565, %dot_general3A_577 : vector<784x256xf32>
    %slice3A_579 = vector.extract_strided_slice %max3A_490 {offsets = [57, 0], sizes = [727, 256], strides = [1, 1]} : vector<784x256xf32> to vector<727x256xf32>
    %jit3A_580 = arith.constant 0 : i32
    %convert_element_type3A_581 = arith.sitofp %jit3A_580 : i32 to f32
    %pad3A_582 = vector.broadcast %convert_element_type3A_581 : f32 to vector<57x256xf32>
    %pad3A_583 = tpu.concatenate %slice3A_579, %pad3A_582 in 0 : vector<727x256xf32>, vector<57x256xf32> -> vector<784x256xf32>
    %get3A_584 = arith.constant 7 : index
    %get3A_585 = arith.constant 0 : index
    %get3A_586 = arith.constant 0 : index
    %get3A_587 = vector.load %arg4[%get3A_584, %get3A_585, %get3A_586] : memref<9x256x256xf32, #tpu.memory_space<vmem>>, vector<1x256x256xf32>
    %get3A_588 = vector.shape_cast %get3A_587 : vector<1x256x256xf32> to vector<256x256xf32>
    %dot_general3A_589 = arith.constant dense<0.000000e+00> : vector<784x256xf32>
    %dot_general3A_590 = tpu.matmul %pad3A_583, %get3A_588, %dot_general3A_589 {dimension_numbers = #tpu.dot_dimension_numbers<[1], [0], [0], [1], [0, 0, 1, 1], [], []>, transpose_lhs_hint = false} : vector<784x256xf32>, vector<256x256xf32>, vector<784x256xf32> -> vector<784x256xf32>
    %add3A_591 = arith.addf %add3A_578, %dot_general3A_590 : vector<784x256xf32>
    %slice3A_592 = vector.extract_strided_slice %max3A_490 {offsets = [58, 0], sizes = [726, 256], strides = [1, 1]} : vector<784x256xf32> to vector<726x256xf32>
    %jit3A_593 = arith.constant 0 : i32
    %convert_element_type3A_594 = arith.sitofp %jit3A_593 : i32 to f32
    %pad3A_595 = vector.broadcast %convert_element_type3A_594 : f32 to vector<58x256xf32>
    %pad3A_596 = tpu.concatenate %slice3A_592, %pad3A_595 in 0 : vector<726x256xf32>, vector<58x256xf32> -> vector<784x256xf32>
    %get3A_597 = arith.constant 8 : index
    %get3A_598 = arith.constant 0 : index
    %get3A_599 = arith.constant 0 : index
    %get3A_600 = vector.load %arg4[%get3A_597, %get3A_598, %get3A_599] : memref<9x256x256xf32, #tpu.memory_space<vmem>>, vector<1x256x256xf32>
    %get3A_601 = vector.shape_cast %get3A_600 : vector<1x256x256xf32> to vector<256x256xf32>
    %dot_general3A_602 = arith.constant dense<0.000000e+00> : vector<784x256xf32>
    %dot_general3A_603 = tpu.matmul %pad3A_596, %get3A_601, %dot_general3A_602 {dimension_numbers = #tpu.dot_dimension_numbers<[1], [0], [0], [1], [0, 0, 1, 1], [], []>, transpose_lhs_hint = false} : vector<784x256xf32>, vector<256x256xf32>, vector<784x256xf32> -> vector<784x256xf32>
    %add3A_604 = arith.addf %add3A_591, %dot_general3A_603 : vector<784x256xf32>
    %get3A_605 = arith.constant 0 : index
    %get3A_606 = arith.constant 0 : index
    %get3A_607 = vector.load %arg7[%get3A_605, %get3A_606] : memref<1x256xf32, #tpu.memory_space<vmem>>, vector<1x256xf32>
    %add3A_608 = vector.broadcast %get3A_607 : vector<1x256xf32> to vector<784x256xf32>
    %add3A_609 = arith.addf %add3A_604, %add3A_608 : vector<784x256xf32>
    %iota3A = tpu.iota {dimensions = array<i32: 0>} : vector<784x256xi32>
    %jit3A_610 = arith.constant 28 : i32
    %div3A = vector.broadcast %jit3A_610 : i32 to vector<784x256xi32>
    %div3A_611 = arith.divsi %iota3A, %div3A : vector<784x256xi32>
    %sign3A = arith.constant 0 : i32
    %sign3A_612 = vector.broadcast %sign3A : i32 to vector<784x256xi32>
    %sign3A_613 = arith.cmpi sgt, %iota3A, %sign3A_612 : vector<784x256xi32>
    %sign3A_614 = arith.extui %sign3A_613 : vector<784x256xi1> to vector<784x256xi32>
    %sign3A_615 = arith.constant 0 : i32
    %sign3A_616 = vector.broadcast %sign3A_615 : i32 to vector<784x256xi32>
    %sign3A_617 = arith.cmpi slt, %iota3A, %sign3A_616 : vector<784x256xi32>
    %sign3A_618 = arith.extui %sign3A_617 : vector<784x256xi1> to vector<784x256xi32>
    %sign3A_619 = arith.subi %sign3A_614, %sign3A_618 : vector<784x256xi32>
    %sign3A_620 = arith.constant 0 : i32
    %sign3A_621 = arith.cmpi sgt, %jit3A_610, %sign3A_620 : i32
    %sign3A_622 = arith.extui %sign3A_621 : i1 to i32
    %sign3A_623 = arith.constant 0 : i32
    %sign3A_624 = arith.cmpi slt, %jit3A_610, %sign3A_623 : i32
    %sign3A_625 = arith.extui %sign3A_624 : i1 to i32
    %sign3A_626 = arith.subi %sign3A_622, %sign3A_625 : i32
    %ne3A = vector.broadcast %sign3A_626 : i32 to vector<784x256xi32>
    %ne3A_627 = arith.cmpi ne, %sign3A_619, %ne3A : vector<784x256xi32>
    %rem3A = vector.broadcast %jit3A_610 : i32 to vector<784x256xi32>
    %rem3A_628 = arith.remsi %iota3A, %rem3A : vector<784x256xi32>
    %ne3A_629 = arith.constant 0 : i32
    %ne3A_630 = vector.broadcast %ne3A_629 : i32 to vector<784x256xi32>
    %ne3A_631 = arith.cmpi ne, %rem3A_628, %ne3A_630 : vector<784x256xi32>
    %and3A = arith.andi %ne3A_627, %ne3A_631 : vector<784x256xi1>
    %sub3A = arith.constant 1 : i32
    %sub3A_632 = vector.broadcast %sub3A : i32 to vector<784x256xi32>
    %sub3A_633 = arith.subi %div3A_611, %sub3A_632 : vector<784x256xi32>
    %select_n3A = arith.select %and3A, %sub3A_633, %div3A_611 : vector<784x256xi1>, vector<784x256xi32>
    %lt3A = arith.constant 24 : i32
    %lt3A_634 = vector.broadcast %lt3A : i32 to vector<784x256xi32>
    %lt3A_635 = arith.cmpi slt, %select_n3A, %lt3A_634 : vector<784x256xi32>
    %jit3A_636 = arith.constant 28 : i32
    %eq3A = arith.constant 0 : i32
    %eq3A_637 = arith.cmpi eq, %jit3A_636, %eq3A : i32
    %jit3A_638 = arith.constant 1 : i32
    %select_n3A_639 = arith.select %eq3A_637, %jit3A_638, %jit3A_636 : i32
    %rem3A_640 = vector.broadcast %select_n3A_639 : i32 to vector<784x256xi32>
    %rem3A_641 = arith.remsi %iota3A, %rem3A_640 : vector<784x256xi32>
    %ne3A_642 = arith.constant 0 : i32
    %ne3A_643 = vector.broadcast %ne3A_642 : i32 to vector<784x256xi32>
    %ne3A_644 = arith.cmpi ne, %rem3A_641, %ne3A_643 : vector<784x256xi32>
    %lt3A_645 = arith.constant 0 : i32
    %lt3A_646 = vector.broadcast %lt3A_645 : i32 to vector<784x256xi32>
    %lt3A_647 = arith.cmpi slt, %rem3A_641, %lt3A_646 : vector<784x256xi32>
    %lt3A_648 = arith.constant 0 : i32
    %lt3A_649 = arith.cmpi slt, %select_n3A_639, %lt3A_648 : i32
    %ne3A_650 = vector.broadcast %lt3A_649 : i1 to vector<784x256xi1>
    %ne3A_651 = vector.broadcast %ne3A_650 : vector<784x256xi1> to vector<784x256xi1>
    %ne3A_652 = arith.xori %lt3A_647, %ne3A_651 : vector<784x256xi1>
    %and3A_653 = arith.andi %ne3A_652, %ne3A_644 : vector<784x256xi1>
    %add3A_654 = vector.broadcast %select_n3A_639 : i32 to vector<784x256xi32>
    %add3A_655 = arith.addi %rem3A_641, %add3A_654 : vector<784x256xi32>
    %select_n3A_656 = arith.select %and3A_653, %add3A_655, %rem3A_641 : vector<784x256xi1>, vector<784x256xi32>
    %lt3A_657 = arith.constant 24 : i32
    %lt3A_658 = vector.broadcast %lt3A_657 : i32 to vector<784x256xi32>
    %lt3A_659 = arith.cmpi slt, %select_n3A_656, %lt3A_658 : vector<784x256xi32>
    %and3A_660 = arith.andi %lt3A_635, %lt3A_659 : vector<784x256xi1>
    %jit3A_661 = arith.constant 0.000000e+00 : f32
    %broadcast_in_dim3A_662 = vector.broadcast %jit3A_661 : f32 to vector<784x256xf32>
    %select_n3A_663 = arith.select %and3A_660, %add3A_609, %broadcast_in_dim3A_662 : vector<784x256xi1>, vector<784x256xf32>
    %reduce_sum3A = arith.constant dense<0.000000e+00> : vector<256xf32>
    %reduce_sum3A_664 = vector.multi_reduction <add>, %select_n3A_663, %reduce_sum3A [0] : vector<784x256xf32> to vector<256xf32>
    %div3A_665 = arith.constant 5.760000e+02 : f32
    %div3A_666 = vector.broadcast %div3A_665 : f32 to vector<256xf32>
    %div3A_667 = arith.divf %reduce_sum3A_664, %div3A_666 : vector<256xf32>
    %swap3A = arith.constant 0 : index
    %swap3A_668 = arith.constant 0 : index
    %swap3A_669 = arith.constant 0 : index
    %swap3A_670 = vector.load %arg8[%swap3A, %swap3A_668, %swap3A_669] : memref<1x1x256xf32, #tpu.memory_space<vmem>>, vector<1x1x256xf32>
    %swap3A_671 = vector.shape_cast %swap3A_670 : vector<1x1x256xf32> to vector<256xf32>
    %swap3A_672 = vector.shape_cast %div3A_667 : vector<256xf32> to vector<1x1x256xf32>
    tpu.vector_store %arg8[%swap3A, %swap3A_668, %swap3A_669], %swap3A_672 {strides = array<i32>} : memref<1x1x256xf32, #tpu.memory_space<vmem>>, vector<1x1x256xf32>,
    return
  }
  func.func @transform_0(%arg0: i32) -> (i32, i32, i32, i32) {
    %c0_i32 = arith.constant 0 : i32
    %c0_i32_0 = arith.constant 0 : i32
    %c0_i32_1 = arith.constant 0 : i32
    %c0_i32_2 = arith.constant 0 : i32
    return %arg0, %c0_i32, %c0_i32_0, %c0_i32_1 : i32, i32, i32, i32
  }
  func.func @transform_1(%arg0: i32) -> (i32, i32, i32) {
    %c0_i32 = arith.constant 0 : i32
    %c0_i32_0 = arith.constant 0 : i32
    %c0_i32_1 = arith.constant 0 : i32
    %c0_i32_2 = arith.constant 0 : i32
    return %c0_i32, %c0_i32_0, %c0_i32_1 : i32, i32, i32
  }
  func.func @transform_2(%arg0: i32) -> (i32, i32, i32) {
    %c0_i32 = arith.constant 0 : i32
    %c0_i32_0 = arith.constant 0 : i32
    %c0_i32_1 = arith.constant 0 : i32
    %c0_i32_2 = arith.constant 0 : i32
    return %c0_i32, %c0_i32_0, %c0_i32_1 : i32, i32, i32
  }
  func.func @transform_3(%arg0: i32) -> (i32, i32, i32) {
    %c0_i32 = arith.constant 0 : i32
    %c0_i32_0 = arith.constant 0 : i32
    %c0_i32_1 = arith.constant 0 : i32
    %c0_i32_2 = arith.constant 0 : i32
    return %c0_i32, %c0_i32_0, %c0_i32_1 : i32, i32, i32
  }
  func.func @transform_4(%arg0: i32) -> (i32, i32) {
    %c0_i32 = arith.constant 0 : i32
    %c0_i32_0 = arith.constant 0 : i32
    %c0_i32_1 = arith.constant 0 : i32
    return %c0_i32, %c0_i32_0 : i32, i32
  }
  func.func @transform_5(%arg0: i32) -> (i32, i32) {
    %c0_i32 = arith.constant 0 : i32
    %c0_i32_0 = arith.constant 0 : i32
    %c0_i32_1 = arith.constant 0 : i32
    return %c0_i32, %c0_i32_0 : i32, i32
  }
  func.func @transform_6(%arg0: i32) -> (i32, i32) {
    %c0_i32 = arith.constant 0 : i32
    %c0_i32_0 = arith.constant 0 : i32
    %c0_i32_1 = arith.constant 0 : i32
    return %c0_i32, %c0_i32_0 : i32, i32
  }
  func.func @transform_7(%arg0: i32) -> (i32, i32, i32) {
    %c0_i32 = arith.constant 0 : i32
    %c0_i32_0 = arith.constant 0 : i32
    %c0_i32_1 = arith.constant 0 : i32
    return %arg0, %c0_i32, %c0_i32_0 : i32, i32, i32
  }
}

module attributes {stable_mosaic.version = 14 : i64} {
  func.func @_head1_body(%arg0: memref<32x64xf32, #tpu.memory_space<vmem>>, %arg1: memref<32x64xf32, #tpu.memory_space<vmem>>, %arg2: memref<32x512xf32, #tpu.memory_space<vmem>>, %arg3: memref<512x4xf32, #tpu.memory_space<vmem>>, %arg4: memref<4x512xf32, #tpu.memory_space<vmem>>, %arg5: memref<64x400xf32, #tpu.memory_space<vmem>>, %arg6: memref<1x400xf32, #tpu.memory_space<vmem>>, %arg7: memref<400x300xf32, #tpu.memory_space<vmem>>, %arg8: memref<1x300xf32, #tpu.memory_space<vmem>>, %arg9: memref<300x64xf32, #tpu.memory_space<vmem>>, %arg10: memref<1x64xf32, #tpu.memory_space<vmem>>, %arg11: memref<64x256xf32, #tpu.memory_space<vmem>>, %arg12: memref<1x256xf32, #tpu.memory_space<vmem>>, %arg13: memref<256x64xf32, #tpu.memory_space<vmem>>, %arg14: memref<1x64xf32, #tpu.memory_space<vmem>>, %arg15: memref<128x256xf32, #tpu.memory_space<vmem>>, %arg16: memref<1x256xf32, #tpu.memory_space<vmem>>, %arg17: memref<256x256xf32, #tpu.memory_space<vmem>>, %arg18: memref<1x256xf32, #tpu.memory_space<vmem>>, %arg19: memref<256x64xf32, #tpu.memory_space<vmem>>, %arg20: memref<1x64xf32, #tpu.memory_space<vmem>>, %arg21: memref<64x400xf32, #tpu.memory_space<vmem>>, %arg22: memref<1x400xf32, #tpu.memory_space<vmem>>, %arg23: memref<400x300xf32, #tpu.memory_space<vmem>>, %arg24: memref<1x300xf32, #tpu.memory_space<vmem>>, %arg25: memref<300x4xf32, #tpu.memory_space<vmem>>, %arg26: memref<1x4xf32, #tpu.memory_space<vmem>>, %arg27: memref<8x128xf32, #tpu.memory_space<vmem>>, %arg28: memref<32x512xf32, #tpu.memory_space<vmem>>, %arg29: memref<512x16xf32, #tpu.memory_space<vmem>>) attributes {dimension_semantics = [], scalar_prefetch = 0 : i64, scratch_operands = 0 : i64, tpu.core_type = #tpu.core_type<tc>} {
    %get3A = arith.constant 0 : index
    %get3A_0 = arith.constant 0 : index
    %get3A_1 = vector.load %arg5[%get3A, %get3A_0] : memref<64x400xf32, #tpu.memory_space<vmem>>, vector<64x400xf32>
    %get3A_2 = arith.constant 0 : index
    %get3A_3 = arith.constant 0 : index
    %get3A_4 = vector.load %arg6[%get3A_2, %get3A_3] : memref<1x400xf32, #tpu.memory_space<vmem>>, vector<1x400xf32>
    %get3A_5 = arith.constant 0 : index
    %get3A_6 = arith.constant 0 : index
    %get3A_7 = vector.load %arg7[%get3A_5, %get3A_6] : memref<400x300xf32, #tpu.memory_space<vmem>>, vector<400x300xf32>
    %get3A_8 = arith.constant 0 : index
    %get3A_9 = arith.constant 0 : index
    %get3A_10 = vector.load %arg8[%get3A_8, %get3A_9] : memref<1x300xf32, #tpu.memory_space<vmem>>, vector<1x300xf32>
    %get3A_11 = arith.constant 0 : index
    %get3A_12 = arith.constant 0 : index
    %get3A_13 = vector.load %arg9[%get3A_11, %get3A_12] : memref<300x64xf32, #tpu.memory_space<vmem>>, vector<300x64xf32>
    %get3A_14 = arith.constant 0 : index
    %get3A_15 = arith.constant 0 : index
    %get3A_16 = vector.load %arg10[%get3A_14, %get3A_15] : memref<1x64xf32, #tpu.memory_space<vmem>>, vector<1x64xf32>
    %get3A_17 = arith.constant 0 : index
    %get3A_18 = arith.constant 0 : index
    %get3A_19 = vector.load %arg11[%get3A_17, %get3A_18] : memref<64x256xf32, #tpu.memory_space<vmem>>, vector<64x256xf32>
    %get3A_20 = arith.constant 0 : index
    %get3A_21 = arith.constant 0 : index
    %get3A_22 = vector.load %arg12[%get3A_20, %get3A_21] : memref<1x256xf32, #tpu.memory_space<vmem>>, vector<1x256xf32>
    %get3A_23 = arith.constant 0 : index
    %get3A_24 = arith.constant 0 : index
    %get3A_25 = vector.load %arg13[%get3A_23, %get3A_24] : memref<256x64xf32, #tpu.memory_space<vmem>>, vector<256x64xf32>
    %get3A_26 = arith.constant 0 : index
    %get3A_27 = arith.constant 0 : index
    %get3A_28 = vector.load %arg14[%get3A_26, %get3A_27] : memref<1x64xf32, #tpu.memory_space<vmem>>, vector<1x64xf32>
    %get3A_29 = arith.constant 0 : index
    %get3A_30 = arith.constant 0 : index
    %get3A_31 = vector.load %arg15[%get3A_29, %get3A_30] : memref<128x256xf32, #tpu.memory_space<vmem>>, vector<128x256xf32>
    %get3A_32 = arith.constant 0 : index
    %get3A_33 = arith.constant 0 : index
    %get3A_34 = vector.load %arg16[%get3A_32, %get3A_33] : memref<1x256xf32, #tpu.memory_space<vmem>>, vector<1x256xf32>
    %get3A_35 = arith.constant 0 : index
    %get3A_36 = arith.constant 0 : index
    %get3A_37 = vector.load %arg17[%get3A_35, %get3A_36] : memref<256x256xf32, #tpu.memory_space<vmem>>, vector<256x256xf32>
    %get3A_38 = arith.constant 0 : index
    %get3A_39 = arith.constant 0 : index
    %get3A_40 = vector.load %arg18[%get3A_38, %get3A_39] : memref<1x256xf32, #tpu.memory_space<vmem>>, vector<1x256xf32>
    %get3A_41 = arith.constant 0 : index
    %get3A_42 = arith.constant 0 : index
    %get3A_43 = vector.load %arg19[%get3A_41, %get3A_42] : memref<256x64xf32, #tpu.memory_space<vmem>>, vector<256x64xf32>
    %get3A_44 = arith.constant 0 : index
    %get3A_45 = arith.constant 0 : index
    %get3A_46 = vector.load %arg20[%get3A_44, %get3A_45] : memref<1x64xf32, #tpu.memory_space<vmem>>, vector<1x64xf32>
    %get3A_47 = arith.constant 0 : index
    %get3A_48 = arith.constant 0 : index
    %get3A_49 = vector.load %arg21[%get3A_47, %get3A_48] : memref<64x400xf32, #tpu.memory_space<vmem>>, vector<64x400xf32>
    %get3A_50 = arith.constant 0 : index
    %get3A_51 = arith.constant 0 : index
    %get3A_52 = vector.load %arg22[%get3A_50, %get3A_51] : memref<1x400xf32, #tpu.memory_space<vmem>>, vector<1x400xf32>
    %get3A_53 = arith.constant 0 : index
    %get3A_54 = arith.constant 0 : index
    %get3A_55 = vector.load %arg23[%get3A_53, %get3A_54] : memref<400x300xf32, #tpu.memory_space<vmem>>, vector<400x300xf32>
    %get3A_56 = arith.constant 0 : index
    %get3A_57 = arith.constant 0 : index
    %get3A_58 = vector.load %arg24[%get3A_56, %get3A_57] : memref<1x300xf32, #tpu.memory_space<vmem>>, vector<1x300xf32>
    %get3A_59 = arith.constant 0 : index
    %get3A_60 = arith.constant 0 : index
    %get3A_61 = vector.load %arg25[%get3A_59, %get3A_60] : memref<300x4xf32, #tpu.memory_space<vmem>>, vector<300x4xf32>
    %get3A_62 = arith.constant 0 : index
    %get3A_63 = arith.constant 0 : index
    %get3A_64 = vector.load %arg26[%get3A_62, %get3A_63] : memref<1x4xf32, #tpu.memory_space<vmem>>, vector<1x4xf32>
    %get3A_65 = arith.constant 0 : index
    %get3A_66 = arith.constant 0 : index
    %get3A_67 = vector.load %arg0[%get3A_65, %get3A_66] : memref<32x64xf32, #tpu.memory_space<vmem>>, vector<32x64xf32>
    %dot_general3A = arith.constant dense<0.000000e+00> : vector<32x400xf32>
    %dot_general3A_68 = tpu.matmul %get3A_67, %get3A_1, %dot_general3A {dimension_numbers = #tpu.dot_dimension_numbers<[1], [0], [0], [1], [0, 0, 1, 1], [], []>, transpose_lhs_hint = false} : vector<32x64xf32>, vector<64x400xf32>, vector<32x400xf32> -> vector<32x400xf32>
    %add3A = vector.broadcast %get3A_4 : vector<1x400xf32> to vector<32x400xf32>
    %add3A_69 = arith.addf %dot_general3A_68, %add3A : vector<32x400xf32>
    %max3A = arith.constant 0.000000e+00 : f32
    %max3A_70 = vector.broadcast %max3A : f32 to vector<32x400xf32>
    %max3A_71 = arith.maximumf %add3A_69, %max3A_70 : vector<32x400xf32>
    %dot_general3A_72 = arith.constant dense<0.000000e+00> : vector<32x300xf32>
    %dot_general3A_73 = tpu.matmul %max3A_71, %get3A_7, %dot_general3A_72 {dimension_numbers = #tpu.dot_dimension_numbers<[1], [0], [0], [1], [0, 0, 1, 1], [], []>, transpose_lhs_hint = false} : vector<32x400xf32>, vector<400x300xf32>, vector<32x300xf32> -> vector<32x300xf32>
    %add3A_74 = vector.broadcast %get3A_10 : vector<1x300xf32> to vector<32x300xf32>
    %add3A_75 = arith.addf %dot_general3A_73, %add3A_74 : vector<32x300xf32>
    %max3A_76 = arith.constant 0.000000e+00 : f32
    %max3A_77 = vector.broadcast %max3A_76 : f32 to vector<32x300xf32>
    %max3A_78 = arith.maximumf %add3A_75, %max3A_77 : vector<32x300xf32>
    %dot_general3A_79 = arith.constant dense<0.000000e+00> : vector<32x64xf32>
    %dot_general3A_80 = tpu.matmul %max3A_78, %get3A_13, %dot_general3A_79 {dimension_numbers = #tpu.dot_dimension_numbers<[1], [0], [0], [1], [0, 0, 1, 1], [], []>, transpose_lhs_hint = false} : vector<32x300xf32>, vector<300x64xf32>, vector<32x64xf32> -> vector<32x64xf32>
    %add3A_81 = vector.broadcast %get3A_16 : vector<1x64xf32> to vector<32x64xf32>
    %add3A_82 = arith.addf %dot_general3A_80, %add3A_81 : vector<32x64xf32>
    %max3A_83 = arith.constant 0.000000e+00 : f32
    %max3A_84 = vector.broadcast %max3A_83 : f32 to vector<32x64xf32>
    %max3A_85 = arith.maximumf %add3A_82, %max3A_84 : vector<32x64xf32>
    %get3A_86 = arith.constant 0 : index
    %get3A_87 = arith.constant 0 : index
    %get3A_88 = vector.load %arg1[%get3A_86, %get3A_87] : memref<32x64xf32, #tpu.memory_space<vmem>>, vector<32x64xf32>
    %dot_general3A_89 = arith.constant dense<0.000000e+00> : vector<32x256xf32>
    %dot_general3A_90 = tpu.matmul %get3A_88, %get3A_19, %dot_general3A_89 {dimension_numbers = #tpu.dot_dimension_numbers<[1], [0], [0], [1], [0, 0, 1, 1], [], []>, transpose_lhs_hint = false} : vector<32x64xf32>, vector<64x256xf32>, vector<32x256xf32> -> vector<32x256xf32>
    %add3A_91 = vector.broadcast %get3A_22 : vector<1x256xf32> to vector<32x256xf32>
    %add3A_92 = arith.addf %dot_general3A_90, %add3A_91 : vector<32x256xf32>
    %max3A_93 = arith.constant 0.000000e+00 : f32
    %max3A_94 = vector.broadcast %max3A_93 : f32 to vector<32x256xf32>
    %max3A_95 = arith.maximumf %add3A_92, %max3A_94 : vector<32x256xf32>
    %dot_general3A_96 = arith.constant dense<0.000000e+00> : vector<32x64xf32>
    %dot_general3A_97 = tpu.matmul %max3A_95, %get3A_25, %dot_general3A_96 {dimension_numbers = #tpu.dot_dimension_numbers<[1], [0], [0], [1], [0, 0, 1, 1], [], []>, transpose_lhs_hint = false} : vector<32x256xf32>, vector<256x64xf32>, vector<32x64xf32> -> vector<32x64xf32>
    %add3A_98 = vector.broadcast %get3A_28 : vector<1x64xf32> to vector<32x64xf32>
    %add3A_99 = arith.addf %dot_general3A_97, %add3A_98 : vector<32x64xf32>
    %max3A_100 = arith.constant 0.000000e+00 : f32
    %max3A_101 = vector.broadcast %max3A_100 : f32 to vector<32x64xf32>
    %max3A_102 = arith.maximumf %add3A_99, %max3A_101 : vector<32x64xf32>
    %concatenate3A = tpu.concatenate %max3A_85, %max3A_102 in 1 : vector<32x64xf32>, vector<32x64xf32> -> vector<32x128xf32>
    %dot_general3A_103 = arith.constant dense<0.000000e+00> : vector<32x256xf32>
    %dot_general3A_104 = tpu.matmul %concatenate3A, %get3A_31, %dot_general3A_103 {dimension_numbers = #tpu.dot_dimension_numbers<[1], [0], [0], [1], [0, 0, 1, 1], [], []>, transpose_lhs_hint = false} : vector<32x128xf32>, vector<128x256xf32>, vector<32x256xf32> -> vector<32x256xf32>
    %add3A_105 = vector.broadcast %get3A_34 : vector<1x256xf32> to vector<32x256xf32>
    %add3A_106 = arith.addf %dot_general3A_104, %add3A_105 : vector<32x256xf32>
    %max3A_107 = arith.constant 0.000000e+00 : f32
    %max3A_108 = vector.broadcast %max3A_107 : f32 to vector<32x256xf32>
    %max3A_109 = arith.maximumf %add3A_106, %max3A_108 : vector<32x256xf32>
    %dot_general3A_110 = arith.constant dense<0.000000e+00> : vector<32x256xf32>
    %dot_general3A_111 = tpu.matmul %max3A_109, %get3A_37, %dot_general3A_110 {dimension_numbers = #tpu.dot_dimension_numbers<[1], [0], [0], [1], [0, 0, 1, 1], [], []>, transpose_lhs_hint = false} : vector<32x256xf32>, vector<256x256xf32>, vector<32x256xf32> -> vector<32x256xf32>
    %add3A_112 = vector.broadcast %get3A_40 : vector<1x256xf32> to vector<32x256xf32>
    %add3A_113 = arith.addf %dot_general3A_111, %add3A_112 : vector<32x256xf32>
    %max3A_114 = arith.constant 0.000000e+00 : f32
    %max3A_115 = vector.broadcast %max3A_114 : f32 to vector<32x256xf32>
    %max3A_116 = arith.maximumf %add3A_113, %max3A_115 : vector<32x256xf32>
    %dot_general3A_117 = arith.constant dense<0.000000e+00> : vector<32x64xf32>
    %dot_general3A_118 = tpu.matmul %max3A_116, %get3A_43, %dot_general3A_117 {dimension_numbers = #tpu.dot_dimension_numbers<[1], [0], [0], [1], [0, 0, 1, 1], [], []>, transpose_lhs_hint = false} : vector<32x256xf32>, vector<256x64xf32>, vector<32x64xf32> -> vector<32x64xf32>
    %add3A_119 = vector.broadcast %get3A_46 : vector<1x64xf32> to vector<32x64xf32>
    %add3A_120 = arith.addf %dot_general3A_118, %add3A_119 : vector<32x64xf32>
    %max3A_121 = arith.constant 0.000000e+00 : f32
    %max3A_122 = vector.broadcast %max3A_121 : f32 to vector<32x64xf32>
    %max3A_123 = arith.maximumf %add3A_120, %max3A_122 : vector<32x64xf32>
    %dot_general3A_124 = arith.constant dense<0.000000e+00> : vector<32x400xf32>
    %dot_general3A_125 = tpu.matmul %max3A_123, %get3A_49, %dot_general3A_124 {dimension_numbers = #tpu.dot_dimension_numbers<[1], [0], [0], [1], [0, 0, 1, 1], [], []>, transpose_lhs_hint = false} : vector<32x64xf32>, vector<64x400xf32>, vector<32x400xf32> -> vector<32x400xf32>
    %add3A_126 = vector.broadcast %get3A_52 : vector<1x400xf32> to vector<32x400xf32>
    %add3A_127 = arith.addf %dot_general3A_125, %add3A_126 : vector<32x400xf32>
    %max3A_128 = arith.constant 0.000000e+00 : f32
    %max3A_129 = vector.broadcast %max3A_128 : f32 to vector<32x400xf32>
    %max3A_130 = arith.maximumf %add3A_127, %max3A_129 : vector<32x400xf32>
    %dot_general3A_131 = arith.constant dense<0.000000e+00> : vector<32x300xf32>
    %dot_general3A_132 = tpu.matmul %max3A_130, %get3A_55, %dot_general3A_131 {dimension_numbers = #tpu.dot_dimension_numbers<[1], [0], [0], [1], [0, 0, 1, 1], [], []>, transpose_lhs_hint = false} : vector<32x400xf32>, vector<400x300xf32>, vector<32x300xf32> -> vector<32x300xf32>
    %add3A_133 = vector.broadcast %get3A_58 : vector<1x300xf32> to vector<32x300xf32>
    %add3A_134 = arith.addf %dot_general3A_132, %add3A_133 : vector<32x300xf32>
    %max3A_135 = arith.constant 0.000000e+00 : f32
    %max3A_136 = vector.broadcast %max3A_135 : f32 to vector<32x300xf32>
    %max3A_137 = arith.maximumf %add3A_134, %max3A_136 : vector<32x300xf32>
    %dot_general3A_138 = arith.constant dense<0.000000e+00> : vector<32x4xf32>
    %dot_general3A_139 = tpu.matmul %max3A_137, %get3A_61, %dot_general3A_138 {dimension_numbers = #tpu.dot_dimension_numbers<[1], [0], [0], [1], [0, 0, 1, 1], [], []>, transpose_lhs_hint = false} : vector<32x300xf32>, vector<300x4xf32>, vector<32x4xf32> -> vector<32x4xf32>
    %add3A_140 = vector.broadcast %get3A_64 : vector<1x4xf32> to vector<32x4xf32>
    %add3A_141 = arith.addf %dot_general3A_139, %add3A_140 : vector<32x4xf32>
    %logistic3A = arith.negf %add3A_141 : vector<32x4xf32>
    %logistic3A_142 = math.exp %logistic3A : vector<32x4xf32>
    %logistic3A_143 = arith.constant 1.000000e+00 : f32
    %logistic3A_144 = vector.broadcast %logistic3A_143 : f32 to vector<32x4xf32>
    %logistic3A_145 = arith.addf %logistic3A_144, %logistic3A_142 : vector<32x4xf32>
    %logistic3A_146 = arith.divf %logistic3A_144, %logistic3A_145 : vector<32x4xf32>
    %get3A_147 = arith.constant 0 : index
    %get3A_148 = arith.constant 0 : index
    %get3A_149 = vector.load %arg3[%get3A_147, %get3A_148] : memref<512x4xf32, #tpu.memory_space<vmem>>, vector<512x4xf32>
    %logistic3A_150 = arith.negf %get3A_149 : vector<512x4xf32>
    %logistic3A_151 = math.exp %logistic3A_150 : vector<512x4xf32>
    %logistic3A_152 = arith.constant 1.000000e+00 : f32
    %logistic3A_153 = vector.broadcast %logistic3A_152 : f32 to vector<512x4xf32>
    %logistic3A_154 = arith.addf %logistic3A_153, %logistic3A_151 : vector<512x4xf32>
    %logistic3A_155 = arith.divf %logistic3A_153, %logistic3A_154 : vector<512x4xf32>
    %get3A_156 = arith.constant 0 : index
    %get3A_157 = arith.constant 0 : index
    %get3A_158 = vector.load %arg4[%get3A_156, %get3A_157] : memref<4x512xf32, #tpu.memory_space<vmem>>, vector<4x512xf32>
    %logistic3A_159 = arith.negf %get3A_158 : vector<4x512xf32>
    %logistic3A_160 = math.exp %logistic3A_159 : vector<4x512xf32>
    %logistic3A_161 = arith.constant 1.000000e+00 : f32
    %logistic3A_162 = vector.broadcast %logistic3A_161 : f32 to vector<4x512xf32>
    %logistic3A_163 = arith.addf %logistic3A_162, %logistic3A_160 : vector<4x512xf32>
    %logistic3A_164 = arith.divf %logistic3A_162, %logistic3A_163 : vector<4x512xf32>
    %mul3A = arith.mulf %logistic3A_146, %logistic3A_146 : vector<32x4xf32>
    %reduce_sum3A = arith.constant dense<0.000000e+00> : vector<32xf32>
    %reduce_sum3A_165 = vector.multi_reduction <add>, %mul3A, %reduce_sum3A [1] : vector<32x4xf32> to vector<32xf32>
    %broadcast_in_dim3A = vector.shape_cast %reduce_sum3A_165 : vector<32xf32> to vector<32x1xf32>
    %mul3A_166 = arith.mulf %logistic3A_164, %logistic3A_164 : vector<4x512xf32>
    %reduce_sum3A_167 = arith.constant dense<0.000000e+00> : vector<512xf32>
    %reduce_sum3A_168 = vector.multi_reduction <add>, %mul3A_166, %reduce_sum3A_167 [0] : vector<4x512xf32> to vector<512xf32>
    %broadcast_in_dim3A_169 = vector.shape_cast %reduce_sum3A_168 : vector<512xf32> to vector<1x512xf32>
    %add3A_170 = vector.broadcast %broadcast_in_dim3A : vector<32x1xf32> to vector<32x512xf32>
    %add3A_171 = vector.broadcast %broadcast_in_dim3A_169 : vector<1x512xf32> to vector<32x512xf32>
    %add3A_172 = arith.addf %add3A_170, %add3A_171 : vector<32x512xf32>
    %dot_general3A_173 = arith.constant dense<0.000000e+00> : vector<32x512xf32>
    %dot_general3A_174 = tpu.matmul %logistic3A_146, %logistic3A_164, %dot_general3A_173 {dimension_numbers = #tpu.dot_dimension_numbers<[1], [0], [0], [1], [0, 0, 1, 1], [], []>, transpose_lhs_hint = false} : vector<32x4xf32>, vector<4x512xf32>, vector<32x512xf32> -> vector<32x512xf32>
    %mul3A_175 = arith.constant 2.000000e+00 : f32
    %mul3A_176 = vector.broadcast %mul3A_175 : f32 to vector<32x512xf32>
    %mul3A_177 = arith.mulf %mul3A_176, %dot_general3A_174 : vector<32x512xf32>
    %sub3A = arith.subf %add3A_172, %mul3A_177 : vector<32x512xf32>
    %neg3A = arith.constant 0.000000e+00 : f32
    %neg3A_178 = vector.broadcast %neg3A : f32 to vector<32x512xf32>
    %neg3A_179 = arith.subf %neg3A_178, %sub3A : vector<32x512xf32>
    %reduce_max3A = arith.constant dense<0xFF800000> : vector<32xf32>
    %reduce_max3A_180 = vector.multi_reduction <maximumf>, %neg3A_179, %reduce_max3A [1] : vector<32x512xf32> to vector<32xf32>
    %broadcast_in_dim3A_181 = vector.shape_cast %reduce_max3A_180 : vector<32xf32> to vector<32x1xf32>
    %sub3A_182 = vector.broadcast %broadcast_in_dim3A_181 : vector<32x1xf32> to vector<32x512xf32>
    %sub3A_183 = arith.subf %neg3A_179, %sub3A_182 : vector<32x512xf32>
    %exp3A = math.exp %sub3A_183 : vector<32x512xf32>
    %reduce_sum3A_184 = arith.constant dense<0.000000e+00> : vector<32xf32>
    %reduce_sum3A_185 = vector.multi_reduction <add>, %exp3A, %reduce_sum3A_184 [1] : vector<32x512xf32> to vector<32xf32>
    %broadcast_in_dim3A_186 = vector.shape_cast %reduce_sum3A_185 : vector<32xf32> to vector<32x1xf32>
    %log3A = math.log %broadcast_in_dim3A_186 : vector<32x1xf32>
    %add3A_187 = arith.addf %log3A, %broadcast_in_dim3A_181 : vector<32x1xf32>
    %sub3A_188 = vector.broadcast %add3A_187 : vector<32x1xf32> to vector<32x512xf32>
    %sub3A_189 = arith.subf %neg3A_179, %sub3A_188 : vector<32x512xf32>
    %get3A_190 = arith.constant 0 : index
    %get3A_191 = arith.constant 0 : index
    %get3A_192 = vector.load %arg2[%get3A_190, %get3A_191] : memref<32x512xf32, #tpu.memory_space<vmem>>, vector<32x512xf32>
    %neg3A_193 = arith.constant 0.000000e+00 : f32
    %neg3A_194 = vector.broadcast %neg3A_193 : f32 to vector<32x512xf32>
    %neg3A_195 = arith.subf %neg3A_194, %get3A_192 : vector<32x512xf32>
    %div3A = arith.constant 9.99999974E-6 : f32
    %div3A_196 = vector.broadcast %div3A : f32 to vector<32x512xf32>
    %div3A_197 = arith.divf %neg3A_195, %div3A_196 : vector<32x512xf32>
    %reduce_max3A_198 = arith.constant dense<0xFF800000> : vector<32xf32>
    %reduce_max3A_199 = vector.multi_reduction <maximumf>, %div3A_197, %reduce_max3A_198 [1] : vector<32x512xf32> to vector<32xf32>
    %broadcast_in_dim3A_200 = vector.shape_cast %reduce_max3A_199 : vector<32xf32> to vector<32x1xf32>
    %sub3A_201 = vector.broadcast %broadcast_in_dim3A_200 : vector<32x1xf32> to vector<32x512xf32>
    %sub3A_202 = arith.subf %div3A_197, %sub3A_201 : vector<32x512xf32>
    %exp3A_203 = math.exp %sub3A_202 : vector<32x512xf32>
    %reduce_sum3A_204 = arith.constant dense<0.000000e+00> : vector<32xf32>
    %reduce_sum3A_205 = vector.multi_reduction <add>, %exp3A_203, %reduce_sum3A_204 [1] : vector<32x512xf32> to vector<32xf32>
    %broadcast_in_dim3A_206 = vector.shape_cast %reduce_sum3A_205 : vector<32xf32> to vector<32x1xf32>
    %div3A_207 = vector.broadcast %broadcast_in_dim3A_206 : vector<32x1xf32> to vector<32x512xf32>
    %div3A_208 = arith.divf %exp3A_203, %div3A_207 : vector<32x512xf32>
    %mul3A_209 = arith.mulf %div3A_208, %sub3A_189 : vector<32x512xf32>
    %reduce_sum3A_210 = vector.shape_cast %mul3A_209 : vector<32x512xf32> to vector<1x32x512xf32>
    %reduce_sum3A_211 = arith.constant dense<0.000000e+00> : vector<1xf32>
    %reduce_sum3A_212 = vector.multi_reduction <add>, %reduce_sum3A_210, %reduce_sum3A_211 [1, 2] : vector<1x32x512xf32> to vector<1xf32>
    %reduce_sum3A_213 = vector.shape_cast %reduce_sum3A_212 : vector<1xf32> to vector<1x1x1xf32>
    %reduce_sum3A_214 = vector.extract %reduce_sum3A_213[0, 0, 0] : f32 from vector<1x1x1xf32>
    %neg3A_215 = arith.constant 0.000000e+00 : f32
    %neg3A_216 = arith.subf %neg3A_215, %reduce_sum3A_214 : f32
    %div3A_217 = arith.constant 3.200000e+01 : f32
    %div3A_218 = arith.divf %neg3A_216, %div3A_217 : f32
    %broadcast_in_dim3A_219 = vector.broadcast %div3A_218 : f32 to vector<8x128xf32>
    %swap3A = arith.constant 0 : index
    %swap3A_220 = arith.constant 0 : index
    %swap3A_221 = vector.load %arg27[%swap3A, %swap3A_220] : memref<8x128xf32, #tpu.memory_space<vmem>>, vector<8x128xf32>
    tpu.vector_store %arg27[%swap3A, %swap3A_220], %broadcast_in_dim3A_219 {strides = array<i32>} : memref<8x128xf32, #tpu.memory_space<vmem>>, vector<8x128xf32>,
    %swap3A_222 = arith.constant 0 : index
    %swap3A_223 = arith.constant 0 : index
    %swap3A_224 = vector.load %arg28[%swap3A_222, %swap3A_223] : memref<32x512xf32, #tpu.memory_space<vmem>>, vector<32x512xf32>
    tpu.vector_store %arg28[%swap3A_222, %swap3A_223], %sub3A {strides = array<i32>} : memref<32x512xf32, #tpu.memory_space<vmem>>, vector<32x512xf32>,
    %jit3A = arith.constant 0 : i32
    %convert_element_type3A = arith.sitofp %jit3A : i32 to f32
    %pad3A = vector.broadcast %convert_element_type3A : f32 to vector<512x12xf32>
    %pad3A_225 = tpu.concatenate %logistic3A_155, %pad3A in 1 : vector<512x4xf32>, vector<512x12xf32> -> vector<512x16xf32>
    %swap3A_226 = arith.constant 0 : index
    %swap3A_227 = arith.constant 0 : index
    %swap3A_228 = vector.load %arg29[%swap3A_226, %swap3A_227] : memref<512x16xf32, #tpu.memory_space<vmem>>, vector<512x16xf32>
    tpu.vector_store %arg29[%swap3A_226, %swap3A_227], %pad3A_225 {strides = array<i32>} : memref<512x16xf32, #tpu.memory_space<vmem>>, vector<512x16xf32>,
    return
  }
}

module attributes {stable_mosaic.version = 14 : i64} {
  func.func @_conv_stack_body(%arg0: i32, %arg1: memref<1x4x784x48xf32, #tpu.memory_space<vmem>>, %arg2: memref<4x48x128xbf16, #tpu.memory_space<vmem>>, %arg3: memref<16x128x256xbf16, #tpu.memory_space<vmem>>, %arg4: memref<9x256x256xbf16, #tpu.memory_space<vmem>>, %arg5: memref<1x128xf32, #tpu.memory_space<vmem>>, %arg6: memref<1x256xf32, #tpu.memory_space<vmem>>, %arg7: memref<1x256xf32, #tpu.memory_space<vmem>>, %arg8: memref<1x1x256xf32, #tpu.memory_space<vmem>>) attributes {dimension_semantics = [#tpu.dimension_semantics<parallel>], iteration_bounds = array<i64: 32>, scalar_prefetch = 0 : i64, scratch_operands = 0 : i64, tpu.core_type = #tpu.core_type<tc>, window_params = [{transform_indices = @transform_0, window_bounds = array<i64: 1, 4, 784, 48>}, {pipeline_mode = #tpu.pipeline_mode<synchronous>, transform_indices = @transform_1, window_bounds = array<i64: 4, 48, 128>}, {pipeline_mode = #tpu.pipeline_mode<synchronous>, transform_indices = @transform_2, window_bounds = array<i64: 16, 128, 256>}, {pipeline_mode = #tpu.pipeline_mode<synchronous>, transform_indices = @transform_3, window_bounds = array<i64: 9, 256, 256>}, {pipeline_mode = #tpu.pipeline_mode<synchronous>, transform_indices = @transform_4, window_bounds = array<i64: 1, 128>}, {pipeline_mode = #tpu.pipeline_mode<synchronous>, transform_indices = @transform_5, window_bounds = array<i64: 1, 256>}, {pipeline_mode = #tpu.pipeline_mode<synchronous>, transform_indices = @transform_6, window_bounds = array<i64: 1, 256>}, {transform_indices = @transform_7, window_bounds = array<i64: 1, 1, 256>}]} {
    %get3A = arith.constant 0 : index
    %get3A_0 = arith.constant 0 : index
    %get3A_1 = arith.constant 0 : index
    %get3A_2 = arith.constant 0 : index
    %get3A_3 = vector.load %arg1[%get3A, %get3A_0, %get3A_1, %get3A_2] : memref<1x4x784x48xf32, #tpu.memory_space<vmem>>, vector<1x1x784x48xf32>
    %get3A_4 = vector.shape_cast %get3A_3 : vector<1x1x784x48xf32> to vector<784x48xf32>
    %convert_element_type3A = arith.truncf %get3A_4 : vector<784x48xf32> to vector<784x48xbf16>
    %get3A_5 = arith.constant 0 : index
    %get3A_6 = arith.constant 1 : index
    %get3A_7 = arith.constant 0 : index
    %get3A_8 = arith.constant 0 : index
    %get3A_9 = vector.load %arg1[%get3A_5, %get3A_6, %get3A_7, %get3A_8] : memref<1x4x784x48xf32, #tpu.memory_space<vmem>>, vector<1x1x784x48xf32>
    %get3A_10 = vector.shape_cast %get3A_9 : vector<1x1x784x48xf32> to vector<784x48xf32>
    %convert_element_type3A_11 = arith.truncf %get3A_10 : vector<784x48xf32> to vector<784x48xbf16>
    %get3A_12 = arith.constant 0 : index
    %get3A_13 = arith.constant 2 : index
    %get3A_14 = arith.constant 0 : index
    %get3A_15 = arith.constant 0 : index
    %get3A_16 = vector.load %arg1[%get3A_12, %get3A_13, %get3A_14, %get3A_15] : memref<1x4x784x48xf32, #tpu.memory_space<vmem>>, vector<1x1x784x48xf32>
    %get3A_17 = vector.shape_cast %get3A_16 : vector<1x1x784x48xf32> to vector<784x48xf32>
    %convert_element_type3A_18 = arith.truncf %get3A_17 : vector<784x48xf32> to vector<784x48xbf16>
    %get3A_19 = arith.constant 0 : index
    %get3A_20 = arith.constant 3 : index
    %get3A_21 = arith.constant 0 : index
    %get3A_22 = arith.constant 0 : index
    %get3A_23 = vector.load %arg1[%get3A_19, %get3A_20, %get3A_21, %get3A_22] : memref<1x4x784x48xf32, #tpu.memory_space<vmem>>, vector<1x1x784x48xf32>
    %get3A_24 = vector.shape_cast %get3A_23 : vector<1x1x784x48xf32> to vector<784x48xf32>
    %convert_element_type3A_25 = arith.truncf %get3A_24 : vector<784x48xf32> to vector<784x48xbf16>
    %broadcast_in_dim3A = arith.constant 0.000000e+00 : f32
    %broadcast_in_dim3A_26 = vector.broadcast %broadcast_in_dim3A : f32 to vector<784x128xf32>
    %get3A_27 = arith.constant 0 : index
    %get3A_28 = arith.constant 0 : index
    %get3A_29 = arith.constant 0 : index
    %get3A_30 = vector.load %arg2[%get3A_27, %get3A_28, %get3A_29] : memref<4x48x128xbf16, #tpu.memory_space<vmem>>, vector<1x48x128xbf16>
    %get3A_31 = vector.shape_cast %get3A_30 : vector<1x48x128xbf16> to vector<48x128xbf16>
    %dot_general3A = arith.constant dense<0.000000e+00> : vector<784x128xf32>
    %dot_general3A_32 = tpu.matmul %convert_element_type3A, %get3A_31, %dot_general3A {dimension_numbers = #tpu.dot_dimension_numbers<[1], [0], [0], [1], [0, 0, 1, 1], [], []>, transpose_lhs_hint = false} : vector<784x48xbf16>, vector<48x128xbf16>, vector<784x128xf32> -> vector<784x128xf32>
    %add3A = arith.addf %broadcast_in_dim3A_26, %dot_general3A_32 : vector<784x128xf32>
    %get3A_33 = arith.constant 1 : index
    %get3A_34 = arith.constant 0 : index
    %get3A_35 = arith.constant 0 : index
    %get3A_36 = vector.load %arg2[%get3A_33, %get3A_34, %get3A_35] : memref<4x48x128xbf16, #tpu.memory_space<vmem>>, vector<1x48x128xbf16>
    %get3A_37 = vector.shape_cast %get3A_36 : vector<1x48x128xbf16> to vector<48x128xbf16>
    %dot_general3A_38 = arith.constant dense<0.000000e+00> : vector<784x128xf32>
    %dot_general3A_39 = tpu.matmul %convert_element_type3A_11, %get3A_37, %dot_general3A_38 {dimension_numbers = #tpu.dot_dimension_numbers<[1], [0], [0], [1], [0, 0, 1, 1], [], []>, transpose_lhs_hint = false} : vector<784x48xbf16>, vector<48x128xbf16>, vector<784x128xf32> -> vector<784x128xf32>
    %add3A_40 = arith.addf %add3A, %dot_general3A_39 : vector<784x128xf32>
    %get3A_41 = arith.constant 2 : index
    %get3A_42 = arith.constant 0 : index
    %get3A_43 = arith.constant 0 : index
    %get3A_44 = vector.load %arg2[%get3A_41, %get3A_42, %get3A_43] : memref<4x48x128xbf16, #tpu.memory_space<vmem>>, vector<1x48x128xbf16>
    %get3A_45 = vector.shape_cast %get3A_44 : vector<1x48x128xbf16> to vector<48x128xbf16>
    %dot_general3A_46 = arith.constant dense<0.000000e+00> : vector<784x128xf32>
    %dot_general3A_47 = tpu.matmul %convert_element_type3A_18, %get3A_45, %dot_general3A_46 {dimension_numbers = #tpu.dot_dimension_numbers<[1], [0], [0], [1], [0, 0, 1, 1], [], []>, transpose_lhs_hint = false} : vector<784x48xbf16>, vector<48x128xbf16>, vector<784x128xf32> -> vector<784x128xf32>
    %add3A_48 = arith.addf %add3A_40, %dot_general3A_47 : vector<784x128xf32>
    %get3A_49 = arith.constant 3 : index
    %get3A_50 = arith.constant 0 : index
    %get3A_51 = arith.constant 0 : index
    %get3A_52 = vector.load %arg2[%get3A_49, %get3A_50, %get3A_51] : memref<4x48x128xbf16, #tpu.memory_space<vmem>>, vector<1x48x128xbf16>
    %get3A_53 = vector.shape_cast %get3A_52 : vector<1x48x128xbf16> to vector<48x128xbf16>
    %dot_general3A_54 = arith.constant dense<0.000000e+00> : vector<784x128xf32>
    %dot_general3A_55 = tpu.matmul %convert_element_type3A_25, %get3A_53, %dot_general3A_54 {dimension_numbers = #tpu.dot_dimension_numbers<[1], [0], [0], [1], [0, 0, 1, 1], [], []>, transpose_lhs_hint = false} : vector<784x48xbf16>, vector<48x128xbf16>, vector<784x128xf32> -> vector<784x128xf32>
    %add3A_56 = arith.addf %add3A_48, %dot_general3A_55 : vector<784x128xf32>
    %get3A_57 = arith.constant 0 : index
    %get3A_58 = arith.constant 0 : index
    %get3A_59 = vector.load %arg5[%get3A_57, %get3A_58] : memref<1x128xf32, #tpu.memory_space<vmem>>, vector<1x128xf32>
    %add3A_60 = vector.broadcast %get3A_59 : vector<1x128xf32> to vector<784x128xf32>
    %add3A_61 = arith.addf %add3A_56, %add3A_60 : vector<784x128xf32>
    %max3A = arith.constant 0.000000e+00 : f32
    %max3A_62 = vector.broadcast %max3A : f32 to vector<784x128xf32>
    %max3A_63 = arith.maximumf %add3A_61, %max3A_62 : vector<784x128xf32>
    %convert_element_type3A_64 = arith.truncf %max3A_63 : vector<784x128xf32> to vector<784x128xbf16>
    %broadcast_in_dim3A_65 = arith.constant 0.000000e+00 : f32
    %broadcast_in_dim3A_66 = vector.broadcast %broadcast_in_dim3A_65 : f32 to vector<784x128xf32>
    %get3A_67 = arith.constant 0 : index
    %get3A_68 = arith.constant 0 : index
    %get3A_69 = arith.constant 0 : index
    %get3A_70 = vector.load %arg2[%get3A_67, %get3A_68, %get3A_69] : memref<4x48x128xbf16, #tpu.memory_space<vmem>>, vector<1x48x128xbf16>
    %get3A_71 = vector.shape_cast %get3A_70 : vector<1x48x128xbf16> to vector<48x128xbf16>
    %dot_general3A_72 = arith.constant dense<0.000000e+00> : vector<784x128xf32>
    %dot_general3A_73 = tpu.matmul %convert_element_type3A_11, %get3A_71, %dot_general3A_72 {dimension_numbers = #tpu.dot_dimension_numbers<[1], [0], [0], [1], [0, 0, 1, 1], [], []>, transpose_lhs_hint = false} : vector<784x48xbf16>, vector<48x128xbf16>, vector<784x128xf32> -> vector<784x128xf32>
    %add3A_74 = arith.addf %broadcast_in_dim3A_66, %dot_general3A_73 : vector<784x128xf32>
    %slice3A = vector.extract_strided_slice %convert_element_type3A {offsets = [1, 0], sizes = [783, 48], strides = [1, 1]} : vector<784x48xbf16> to vector<783x48xbf16>
    %jit3A = arith.constant 0 : i32
    %convert_element_type3A_75 = arith.sitofp %jit3A : i32 to bf16
    %pad3A = vector.broadcast %convert_element_type3A_75 : bf16 to vector<1x48xbf16>
    %pad3A_76 = tpu.concatenate %slice3A, %pad3A in 0 : vector<783x48xbf16>, vector<1x48xbf16> -> vector<784x48xbf16>
    %get3A_77 = arith.constant 1 : index
    %get3A_78 = arith.constant 0 : index
    %get3A_79 = arith.constant 0 : index
    %get3A_80 = vector.load %arg2[%get3A_77, %get3A_78, %get3A_79] : memref<4x48x128xbf16, #tpu.memory_space<vmem>>, vector<1x48x128xbf16>
    %get3A_81 = vector.shape_cast %get3A_80 : vector<1x48x128xbf16> to vector<48x128xbf16>
    %dot_general3A_82 = arith.constant dense<0.000000e+00> : vector<784x128xf32>
    %dot_general3A_83 = tpu.matmul %pad3A_76, %get3A_81, %dot_general3A_82 {dimension_numbers = #tpu.dot_dimension_numbers<[1], [0], [0], [1], [0, 0, 1, 1], [], []>, transpose_lhs_hint = false} : vector<784x48xbf16>, vector<48x128xbf16>, vector<784x128xf32> -> vector<784x128xf32>
    %add3A_84 = arith.addf %add3A_74, %dot_general3A_83 : vector<784x128xf32>
    %get3A_85 = arith.constant 2 : index
    %get3A_86 = arith.constant 0 : index
    %get3A_87 = arith.constant 0 : index
    %get3A_88 = vector.load %arg2[%get3A_85, %get3A_86, %get3A_87] : memref<4x48x128xbf16, #tpu.memory_space<vmem>>, vector<1x48x128xbf16>
    %get3A_89 = vector.shape_cast %get3A_88 : vector<1x48x128xbf16> to vector<48x128xbf16>
    %dot_general3A_90 = arith.constant dense<0.000000e+00> : vector<784x128xf32>
    %dot_general3A_91 = tpu.matmul %convert_element_type3A_25, %get3A_89, %dot_general3A_90 {dimension_numbers = #tpu.dot_dimension_numbers<[1], [0], [0], [1], [0, 0, 1, 1], [], []>, transpose_lhs_hint = false} : vector<784x48xbf16>, vector<48x128xbf16>, vector<784x128xf32> -> vector<784x128xf32>
    %add3A_92 = arith.addf %add3A_84, %dot_general3A_91 : vector<784x128xf32>
    %slice3A_93 = vector.extract_strided_slice %convert_element_type3A_18 {offsets = [1, 0], sizes = [783, 48], strides = [1, 1]} : vector<784x48xbf16> to vector<783x48xbf16>
    %jit3A_94 = arith.constant 0 : i32
    %convert_element_type3A_95 = arith.sitofp %jit3A_94 : i32 to bf16
    %pad3A_96 = vector.broadcast %convert_element_type3A_95 : bf16 to vector<1x48xbf16>
    %pad3A_97 = tpu.concatenate %slice3A_93, %pad3A_96 in 0 : vector<783x48xbf16>, vector<1x48xbf16> -> vector<784x48xbf16>
    %get3A_98 = arith.constant 3 : index
    %get3A_99 = arith.constant 0 : index
    %get3A_100 = arith.constant 0 : index
    %get3A_101 = vector.load %arg2[%get3A_98, %get3A_99, %get3A_100] : memref<4x48x128xbf16, #tpu.memory_space<vmem>>, vector<1x48x128xbf16>
    %get3A_102 = vector.shape_cast %get3A_101 : vector<1x48x128xbf16> to vector<48x128xbf16>
    %dot_general3A_103 = arith.constant dense<0.000000e+00> : vector<784x128xf32>
    %dot_general3A_104 = tpu.matmul %pad3A_97, %get3A_102, %dot_general3A_103 {dimension_numbers = #tpu.dot_dimension_numbers<[1], [0], [0], [1], [0, 0, 1, 1], [], []>, transpose_lhs_hint = false} : vector<784x48xbf16>, vector<48x128xbf16>, vector<784x128xf32> -> vector<784x128xf32>
    %add3A_105 = arith.addf %add3A_92, %dot_general3A_104 : vector<784x128xf32>
    %get3A_106 = arith.constant 0 : index
    %get3A_107 = arith.constant 0 : index
    %get3A_108 = vector.load %arg5[%get3A_106, %get3A_107] : memref<1x128xf32, #tpu.memory_space<vmem>>, vector<1x128xf32>
    %add3A_109 = vector.broadcast %get3A_108 : vector<1x128xf32> to vector<784x128xf32>
    %add3A_110 = arith.addf %add3A_105, %add3A_109 : vector<784x128xf32>
    %max3A_111 = arith.constant 0.000000e+00 : f32
    %max3A_112 = vector.broadcast %max3A_111 : f32 to vector<784x128xf32>
    %max3A_113 = arith.maximumf %add3A_110, %max3A_112 : vector<784x128xf32>
    %convert_element_type3A_114 = arith.truncf %max3A_113 : vector<784x128xf32> to vector<784x128xbf16>
    %broadcast_in_dim3A_115 = arith.constant 0.000000e+00 : f32
    %broadcast_in_dim3A_116 = vector.broadcast %broadcast_in_dim3A_115 : f32 to vector<784x128xf32>
    %get3A_117 = arith.constant 0 : index
    %get3A_118 = arith.constant 0 : index
    %get3A_119 = arith.constant 0 : index
    %get3A_120 = vector.load %arg2[%get3A_117, %get3A_118, %get3A_119] : memref<4x48x128xbf16, #tpu.memory_space<vmem>>, vector<1x48x128xbf16>
    %get3A_121 = vector.shape_cast %get3A_120 : vector<1x48x128xbf16> to vector<48x128xbf16>
    %dot_general3A_122 = arith.constant dense<0.000000e+00> : vector<784x128xf32>
    %dot_general3A_123 = tpu.matmul %convert_element_type3A_18, %get3A_121, %dot_general3A_122 {dimension_numbers = #tpu.dot_dimension_numbers<[1], [0], [0], [1], [0, 0, 1, 1], [], []>, transpose_lhs_hint = false} : vector<784x48xbf16>, vector<48x128xbf16>, vector<784x128xf32> -> vector<784x128xf32>
    %add3A_124 = arith.addf %broadcast_in_dim3A_116, %dot_general3A_123 : vector<784x128xf32>
    %get3A_125 = arith.constant 1 : index
    %get3A_126 = arith.constant 0 : index
    %get3A_127 = arith.constant 0 : index
    %get3A_128 = vector.load %arg2[%get3A_125, %get3A_126, %get3A_127] : memref<4x48x128xbf16, #tpu.memory_space<vmem>>, vector<1x48x128xbf16>
    %get3A_129 = vector.shape_cast %get3A_128 : vector<1x48x128xbf16> to vector<48x128xbf16>
    %dot_general3A_130 = arith.constant dense<0.000000e+00> : vector<784x128xf32>
    %dot_general3A_131 = tpu.matmul %convert_element_type3A_25, %get3A_129, %dot_general3A_130 {dimension_numbers = #tpu.dot_dimension_numbers<[1], [0], [0], [1], [0, 0, 1, 1], [], []>, transpose_lhs_hint = false} : vector<784x48xbf16>, vector<48x128xbf16>, vector<784x128xf32> -> vector<784x128xf32>
    %add3A_132 = arith.addf %add3A_124, %dot_general3A_131 : vector<784x128xf32>
    %slice3A_133 = vector.extract_strided_slice %convert_element_type3A {offsets = [28, 0], sizes = [756, 48], strides = [1, 1]} : vector<784x48xbf16> to vector<756x48xbf16>
    %jit3A_134 = arith.constant 0 : i32
    %convert_element_type3A_135 = arith.sitofp %jit3A_134 : i32 to bf16
    %pad3A_136 = vector.broadcast %convert_element_type3A_135 : bf16 to vector<28x48xbf16>
    %pad3A_137 = tpu.concatenate %slice3A_133, %pad3A_136 in 0 : vector<756x48xbf16>, vector<28x48xbf16> -> vector<784x48xbf16>
    %get3A_138 = arith.constant 2 : index
    %get3A_139 = arith.constant 0 : index
    %get3A_140 = arith.constant 0 : index
    %get3A_141 = vector.load %arg2[%get3A_138, %get3A_139, %get3A_140] : memref<4x48x128xbf16, #tpu.memory_space<vmem>>, vector<1x48x128xbf16>
    %get3A_142 = vector.shape_cast %get3A_141 : vector<1x48x128xbf16> to vector<48x128xbf16>
    %dot_general3A_143 = arith.constant dense<0.000000e+00> : vector<784x128xf32>
    %dot_general3A_144 = tpu.matmul %pad3A_137, %get3A_142, %dot_general3A_143 {dimension_numbers = #tpu.dot_dimension_numbers<[1], [0], [0], [1], [0, 0, 1, 1], [], []>, transpose_lhs_hint = false} : vector<784x48xbf16>, vector<48x128xbf16>, vector<784x128xf32> -> vector<784x128xf32>
    %add3A_145 = arith.addf %add3A_132, %dot_general3A_144 : vector<784x128xf32>
    %slice3A_146 = vector.extract_strided_slice %convert_element_type3A_11 {offsets = [28, 0], sizes = [756, 48], strides = [1, 1]} : vector<784x48xbf16> to vector<756x48xbf16>
    %jit3A_147 = arith.constant 0 : i32
    %convert_element_type3A_148 = arith.sitofp %jit3A_147 : i32 to bf16
    %pad3A_149 = vector.broadcast %convert_element_type3A_148 : bf16 to vector<28x48xbf16>
    %pad3A_150 = tpu.concatenate %slice3A_146, %pad3A_149 in 0 : vector<756x48xbf16>, vector<28x48xbf16> -> vector<784x48xbf16>
    %get3A_151 = arith.constant 3 : index
    %get3A_152 = arith.constant 0 : index
    %get3A_153 = arith.constant 0 : index
    %get3A_154 = vector.load %arg2[%get3A_151, %get3A_152, %get3A_153] : memref<4x48x128xbf16, #tpu.memory_space<vmem>>, vector<1x48x128xbf16>
    %get3A_155 = vector.shape_cast %get3A_154 : vector<1x48x128xbf16> to vector<48x128xbf16>
    %dot_general3A_156 = arith.constant dense<0.000000e+00> : vector<784x128xf32>
    %dot_general3A_157 = tpu.matmul %pad3A_150, %get3A_155, %dot_general3A_156 {dimension_numbers = #tpu.dot_dimension_numbers<[1], [0], [0], [1], [0, 0, 1, 1], [], []>, transpose_lhs_hint = false} : vector<784x48xbf16>, vector<48x128xbf16>, vector<784x128xf32> -> vector<784x128xf32>
    %add3A_158 = arith.addf %add3A_145, %dot_general3A_157 : vector<784x128xf32>
    %get3A_159 = arith.constant 0 : index
    %get3A_160 = arith.constant 0 : index
    %get3A_161 = vector.load %arg5[%get3A_159, %get3A_160] : memref<1x128xf32, #tpu.memory_space<vmem>>, vector<1x128xf32>
    %add3A_162 = vector.broadcast %get3A_161 : vector<1x128xf32> to vector<784x128xf32>
    %add3A_163 = arith.addf %add3A_158, %add3A_162 : vector<784x128xf32>
    %max3A_164 = arith.constant 0.000000e+00 : f32
    %max3A_165 = vector.broadcast %max3A_164 : f32 to vector<784x128xf32>
    %max3A_166 = arith.maximumf %add3A_163, %max3A_165 : vector<784x128xf32>
    %convert_element_type3A_167 = arith.truncf %max3A_166 : vector<784x128xf32> to vector<784x128xbf16>
    %broadcast_in_dim3A_168 = arith.constant 0.000000e+00 : f32
    %broadcast_in_dim3A_169 = vector.broadcast %broadcast_in_dim3A_168 : f32 to vector<784x128xf32>
    %get3A_170 = arith.constant 0 : index
    %get3A_171 = arith.constant 0 : index
    %get3A_172 = arith.constant 0 : index
    %get3A_173 = vector.load %arg2[%get3A_170, %get3A_171, %get3A_172] : memref<4x48x128xbf16, #tpu.memory_space<vmem>>, vector<1x48x128xbf16>
    %get3A_174 = vector.shape_cast %get3A_173 : vector<1x48x128xbf16> to vector<48x128xbf16>
    %dot_general3A_175 = arith.constant dense<0.000000e+00> : vector<784x128xf32>
    %dot_general3A_176 = tpu.matmul %convert_element_type3A_25, %get3A_174, %dot_general3A_175 {dimension_numbers = #tpu.dot_dimension_numbers<[1], [0], [0], [1], [0, 0, 1, 1], [], []>, transpose_lhs_hint = false} : vector<784x48xbf16>, vector<48x128xbf16>, vector<784x128xf32> -> vector<784x128xf32>
    %add3A_177 = arith.addf %broadcast_in_dim3A_169, %dot_general3A_176 : vector<784x128xf32>
    %slice3A_178 = vector.extract_strided_slice %convert_element_type3A_18 {offsets = [1, 0], sizes = [783, 48], strides = [1, 1]} : vector<784x48xbf16> to vector<783x48xbf16>
    %jit3A_179 = arith.constant 0 : i32
    %convert_element_type3A_180 = arith.sitofp %jit3A_179 : i32 to bf16
    %pad3A_181 = vector.broadcast %convert_element_type3A_180 : bf16 to vector<1x48xbf16>
    %pad3A_182 = tpu.concatenate %slice3A_178, %pad3A_181 in 0 : vector<783x48xbf16>, vector<1x48xbf16> -> vector<784x48xbf16>
    %get3A_183 = arith.constant 1 : index
    %get3A_184 = arith.constant 0 : index
    %get3A_185 = arith.constant 0 : index
    %get3A_186 = vector.load %arg2[%get3A_183, %get3A_184, %get3A_185] : memref<4x48x128xbf16, #tpu.memory_space<vmem>>, vector<1x48x128xbf16>
    %get3A_187 = vector.shape_cast %get3A_186 : vector<1x48x128xbf16> to vector<48x128xbf16>
    %dot_general3A_188 = arith.constant dense<0.000000e+00> : vector<784x128xf32>
    %dot_general3A_189 = tpu.matmul %pad3A_182, %get3A_187, %dot_general3A_188 {dimension_numbers = #tpu.dot_dimension_numbers<[1], [0], [0], [1], [0, 0, 1, 1], [], []>, transpose_lhs_hint = false} : vector<784x48xbf16>, vector<48x128xbf16>, vector<784x128xf32> -> vector<784x128xf32>
    %add3A_190 = arith.addf %add3A_177, %dot_general3A_189 : vector<784x128xf32>
    %slice3A_191 = vector.extract_strided_slice %convert_element_type3A_11 {offsets = [28, 0], sizes = [756, 48], strides = [1, 1]} : vector<784x48xbf16> to vector<756x48xbf16>
    %jit3A_192 = arith.constant 0 : i32
    %convert_element_type3A_193 = arith.sitofp %jit3A_192 : i32 to bf16
    %pad3A_194 = vector.broadcast %convert_element_type3A_193 : bf16 to vector<28x48xbf16>
    %pad3A_195 = tpu.concatenate %slice3A_191, %pad3A_194 in 0 : vector<756x48xbf16>, vector<28x48xbf16> -> vector<784x48xbf16>
    %get3A_196 = arith.constant 2 : index
    %get3A_197 = arith.constant 0 : index
    %get3A_198 = arith.constant 0 : index
    %get3A_199 = vector.load %arg2[%get3A_196, %get3A_197, %get3A_198] : memref<4x48x128xbf16, #tpu.memory_space<vmem>>, vector<1x48x128xbf16>
    %get3A_200 = vector.shape_cast %get3A_199 : vector<1x48x128xbf16> to vector<48x128xbf16>
    %dot_general3A_201 = arith.constant dense<0.000000e+00> : vector<784x128xf32>
    %dot_general3A_202 = tpu.matmul %pad3A_195, %get3A_200, %dot_general3A_201 {dimension_numbers = #tpu.dot_dimension_numbers<[1], [0], [0], [1], [0, 0, 1, 1], [], []>, transpose_lhs_hint = false} : vector<784x48xbf16>, vector<48x128xbf16>, vector<784x128xf32> -> vector<784x128xf32>
    %add3A_203 = arith.addf %add3A_190, %dot_general3A_202 : vector<784x128xf32>
    %slice3A_204 = vector.extract_strided_slice %convert_element_type3A {offsets = [29, 0], sizes = [755, 48], strides = [1, 1]} : vector<784x48xbf16> to vector<755x48xbf16>
    %jit3A_205 = arith.constant 0 : i32
    %convert_element_type3A_206 = arith.sitofp %jit3A_205 : i32 to bf16
    %pad3A_207 = vector.broadcast %convert_element_type3A_206 : bf16 to vector<29x48xbf16>
    %pad3A_208 = tpu.concatenate %slice3A_204, %pad3A_207 in 0 : vector<755x48xbf16>, vector<29x48xbf16> -> vector<784x48xbf16>
    %get3A_209 = arith.constant 3 : index
    %get3A_210 = arith.constant 0 : index
    %get3A_211 = arith.constant 0 : index
    %get3A_212 = vector.load %arg2[%get3A_209, %get3A_210, %get3A_211] : memref<4x48x128xbf16, #tpu.memory_space<vmem>>, vector<1x48x128xbf16>
    %get3A_213 = vector.shape_cast %get3A_212 : vector<1x48x128xbf16> to vector<48x128xbf16>
    %dot_general3A_214 = arith.constant dense<0.000000e+00> : vector<784x128xf32>
    %dot_general3A_215 = tpu.matmul %pad3A_208, %get3A_213, %dot_general3A_214 {dimension_numbers = #tpu.dot_dimension_numbers<[1], [0], [0], [1], [0, 0, 1, 1], [], []>, transpose_lhs_hint = false} : vector<784x48xbf16>, vector<48x128xbf16>, vector<784x128xf32> -> vector<784x128xf32>
    %add3A_216 = arith.addf %add3A_203, %dot_general3A_215 : vector<784x128xf32>
    %get3A_217 = arith.constant 0 : index
    %get3A_218 = arith.constant 0 : index
    %get3A_219 = vector.load %arg5[%get3A_217, %get3A_218] : memref<1x128xf32, #tpu.memory_space<vmem>>, vector<1x128xf32>
    %add3A_220 = vector.broadcast %get3A_219 : vector<1x128xf32> to vector<784x128xf32>
    %add3A_221 = arith.addf %add3A_216, %add3A_220 : vector<784x128xf32>
    %max3A_222 = arith.constant 0.000000e+00 : f32
    %max3A_223 = vector.broadcast %max3A_222 : f32 to vector<784x128xf32>
    %max3A_224 = arith.maximumf %add3A_221, %max3A_223 : vector<784x128xf32>
    %convert_element_type3A_225 = arith.truncf %max3A_224 : vector<784x128xf32> to vector<784x128xbf16>
    %broadcast_in_dim3A_226 = arith.constant 0.000000e+00 : f32
    %broadcast_in_dim3A_227 = vector.broadcast %broadcast_in_dim3A_226 : f32 to vector<784x256xf32>
    %get3A_228 = arith.constant 0 : index
    %get3A_229 = arith.constant 0 : index
    %get3A_230 = arith.constant 0 : index
    %get3A_231 = vector.load %arg3[%get3A_228, %get3A_229, %get3A_230] : memref<16x128x256xbf16, #tpu.memory_space<vmem>>, vector<1x128x256xbf16>
    %get3A_232 = vector.shape_cast %get3A_231 : vector<1x128x256xbf16> to vector<128x256xbf16>
    %dot_general3A_233 = arith.constant dense<0.000000e+00> : vector<784x256xf32>
    %dot_general3A_234 = tpu.matmul %convert_element_type3A_64, %get3A_232, %dot_general3A_233 {dimension_numbers = #tpu.dot_dimension_numbers<[1], [0], [0], [1], [0, 0, 1, 1], [], []>, transpose_lhs_hint = false} : vector<784x128xbf16>, vector<128x256xbf16>, vector<784x256xf32> -> vector<784x256xf32>
    %add3A_235 = arith.addf %broadcast_in_dim3A_227, %dot_general3A_234 : vector<784x256xf32>
    %get3A_236 = arith.constant 1 : index
    %get3A_237 = arith.constant 0 : index
    %get3A_238 = arith.constant 0 : index
    %get3A_239 = vector.load %arg3[%get3A_236, %get3A_237, %get3A_238] : memref<16x128x256xbf16, #tpu.memory_space<vmem>>, vector<1x128x256xbf16>
    %get3A_240 = vector.shape_cast %get3A_239 : vector<1x128x256xbf16> to vector<128x256xbf16>
    %dot_general3A_241 = arith.constant dense<0.000000e+00> : vector<784x256xf32>
    %dot_general3A_242 = tpu.matmul %convert_element_type3A_114, %get3A_240, %dot_general3A_241 {dimension_numbers = #tpu.dot_dimension_numbers<[1], [0], [0], [1], [0, 0, 1, 1], [], []>, transpose_lhs_hint = false} : vector<784x128xbf16>, vector<128x256xbf16>, vector<784x256xf32> -> vector<784x256xf32>
    %add3A_243 = arith.addf %add3A_235, %dot_general3A_242 : vector<784x256xf32>
    %slice3A_244 = vector.extract_strided_slice %convert_element_type3A_64 {offsets = [1, 0], sizes = [783, 128], strides = [1, 1]} : vector<784x128xbf16> to vector<783x128xbf16>
    %jit3A_245 = arith.constant 0 : i32
    %convert_element_type3A_246 = arith.sitofp %jit3A_245 : i32 to bf16
    %pad3A_247 = vector.broadcast %convert_element_type3A_246 : bf16 to vector<1x128xbf16>
    %pad3A_248 = tpu.concatenate %slice3A_244, %pad3A_247 in 0 : vector<783x128xbf16>, vector<1x128xbf16> -> vector<784x128xbf16>
    %get3A_249 = arith.constant 2 : index
    %get3A_250 = arith.constant 0 : index
    %get3A_251 = arith.constant 0 : index
    %get3A_252 = vector.load %arg3[%get3A_249, %get3A_250, %get3A_251] : memref<16x128x256xbf16, #tpu.memory_space<vmem>>, vector<1x128x256xbf16>
    %get3A_253 = vector.shape_cast %get3A_252 : vector<1x128x256xbf16> to vector<128x256xbf16>
    %dot_general3A_254 = arith.constant dense<0.000000e+00> : vector<784x256xf32>
    %dot_general3A_255 = tpu.matmul %pad3A_248, %get3A_253, %dot_general3A_254 {dimension_numbers = #tpu.dot_dimension_numbers<[1], [0], [0], [1], [0, 0, 1, 1], [], []>, transpose_lhs_hint = false} : vector<784x128xbf16>, vector<128x256xbf16>, vector<784x256xf32> -> vector<784x256xf32>
    %add3A_256 = arith.addf %add3A_243, %dot_general3A_255 : vector<784x256xf32>
    %slice3A_257 = vector.extract_strided_slice %convert_element_type3A_114 {offsets = [1, 0], sizes = [783, 128], strides = [1, 1]} : vector<784x128xbf16> to vector<783x128xbf16>
    %jit3A_258 = arith.constant 0 : i32
    %convert_element_type3A_259 = arith.sitofp %jit3A_258 : i32 to bf16
    %pad3A_260 = vector.broadcast %convert_element_type3A_259 : bf16 to vector<1x128xbf16>
    %pad3A_261 = tpu.concatenate %slice3A_257, %pad3A_260 in 0 : vector<783x128xbf16>, vector<1x128xbf16> -> vector<784x128xbf16>
    %get3A_262 = arith.constant 3 : index
    %get3A_263 = arith.constant 0 : index
    %get3A_264 = arith.constant 0 : index
    %get3A_265 = vector.load %arg3[%get3A_262, %get3A_263, %get3A_264] : memref<16x128x256xbf16, #tpu.memory_space<vmem>>, vector<1x128x256xbf16>
    %get3A_266 = vector.shape_cast %get3A_265 : vector<1x128x256xbf16> to vector<128x256xbf16>
    %dot_general3A_267 = arith.constant dense<0.000000e+00> : vector<784x256xf32>
    %dot_general3A_268 = tpu.matmul %pad3A_261, %get3A_266, %dot_general3A_267 {dimension_numbers = #tpu.dot_dimension_numbers<[1], [0], [0], [1], [0, 0, 1, 1], [], []>, transpose_lhs_hint = false} : vector<784x128xbf16>, vector<128x256xbf16>, vector<784x256xf32> -> vector<784x256xf32>
    %add3A_269 = arith.addf %add3A_256, %dot_general3A_268 : vector<784x256xf32>
    %get3A_270 = arith.constant 4 : index
    %get3A_271 = arith.constant 0 : index
    %get3A_272 = arith.constant 0 : index
    %get3A_273 = vector.load %arg3[%get3A_270, %get3A_271, %get3A_272] : memref<16x128x256xbf16, #tpu.memory_space<vmem>>, vector<1x128x256xbf16>
    %get3A_274 = vector.shape_cast %get3A_273 : vector<1x128x256xbf16> to vector<128x256xbf16>
    %dot_general3A_275 = arith.constant dense<0.000000e+00> : vector<784x256xf32>
    %dot_general3A_276 = tpu.matmul %convert_element_type3A_167, %get3A_274, %dot_general3A_275 {dimension_numbers = #tpu.dot_dimension_numbers<[1], [0], [0], [1], [0, 0, 1, 1], [], []>, transpose_lhs_hint = false} : vector<784x128xbf16>, vector<128x256xbf16>, vector<784x256xf32> -> vector<784x256xf32>
    %add3A_277 = arith.addf %add3A_269, %dot_general3A_276 : vector<784x256xf32>
    %get3A_278 = arith.constant 5 : index
    %get3A_279 = arith.constant 0 : index
    %get3A_280 = arith.constant 0 : index
    %get3A_281 = vector.load %arg3[%get3A_278, %get3A_279, %get3A_280] : memref<16x128x256xbf16, #tpu.memory_space<vmem>>, vector<1x128x256xbf16>
    %get3A_282 = vector.shape_cast %get3A_281 : vector<1x128x256xbf16> to vector<128x256xbf16>
    %dot_general3A_283 = arith.constant dense<0.000000e+00> : vector<784x256xf32>
    %dot_general3A_284 = tpu.matmul %convert_element_type3A_225, %get3A_282, %dot_general3A_283 {dimension_numbers = #tpu.dot_dimension_numbers<[1], [0], [0], [1], [0, 0, 1, 1], [], []>, transpose_lhs_hint = false} : vector<784x128xbf16>, vector<128x256xbf16>, vector<784x256xf32> -> vector<784x256xf32>
    %add3A_285 = arith.addf %add3A_277, %dot_general3A_284 : vector<784x256xf32>
    %slice3A_286 = vector.extract_strided_slice %convert_element_type3A_167 {offsets = [1, 0], sizes = [783, 128], strides = [1, 1]} : vector<784x128xbf16> to vector<783x128xbf16>
    %jit3A_287 = arith.constant 0 : i32
    %convert_element_type3A_288 = arith.sitofp %jit3A_287 : i32 to bf16
    %pad3A_289 = vector.broadcast %convert_element_type3A_288 : bf16 to vector<1x128xbf16>
    %pad3A_290 = tpu.concatenate %slice3A_286, %pad3A_289 in 0 : vector<783x128xbf16>, vector<1x128xbf16> -> vector<784x128xbf16>
    %get3A_291 = arith.constant 6 : index
    %get3A_292 = arith.constant 0 : index
    %get3A_293 = arith.constant 0 : index
    %get3A_294 = vector.load %arg3[%get3A_291, %get3A_292, %get3A_293] : memref<16x128x256xbf16, #tpu.memory_space<vmem>>, vector<1x128x256xbf16>
    %get3A_295 = vector.shape_cast %get3A_294 : vector<1x128x256xbf16> to vector<128x256xbf16>
    %dot_general3A_296 = arith.constant dense<0.000000e+00> : vector<784x256xf32>
    %dot_general3A_297 = tpu.matmul %pad3A_290, %get3A_295, %dot_general3A_296 {dimension_numbers = #tpu.dot_dimension_numbers<[1], [0], [0], [1], [0, 0, 1, 1], [], []>, transpose_lhs_hint = false} : vector<784x128xbf16>, vector<128x256xbf16>, vector<784x256xf32> -> vector<784x256xf32>
    %add3A_298 = arith.addf %add3A_285, %dot_general3A_297 : vector<784x256xf32>
    %slice3A_299 = vector.extract_strided_slice %convert_element_type3A_225 {offsets = [1, 0], sizes = [783, 128], strides = [1, 1]} : vector<784x128xbf16> to vector<783x128xbf16>
    %jit3A_300 = arith.constant 0 : i32
    %convert_element_type3A_301 = arith.sitofp %jit3A_300 : i32 to bf16
    %pad3A_302 = vector.broadcast %convert_element_type3A_301 : bf16 to vector<1x128xbf16>
    %pad3A_303 = tpu.concatenate %slice3A_299, %pad3A_302 in 0 : vector<783x128xbf16>, vector<1x128xbf16> -> vector<784x128xbf16>
    %get3A_304 = arith.constant 7 : index
    %get3A_305 = arith.constant 0 : index
    %get3A_306 = arith.constant 0 : index
    %get3A_307 = vector.load %arg3[%get3A_304, %get3A_305, %get3A_306] : memref<16x128x256xbf16, #tpu.memory_space<vmem>>, vector<1x128x256xbf16>
    %get3A_308 = vector.shape_cast %get3A_307 : vector<1x128x256xbf16> to vector<128x256xbf16>
    %dot_general3A_309 = arith.constant dense<0.000000e+00> : vector<784x256xf32>
    %dot_general3A_310 = tpu.matmul %pad3A_303, %get3A_308, %dot_general3A_309 {dimension_numbers = #tpu.dot_dimension_numbers<[1], [0], [0], [1], [0, 0, 1, 1], [], []>, transpose_lhs_hint = false} : vector<784x128xbf16>, vector<128x256xbf16>, vector<784x256xf32> -> vector<784x256xf32>
    %add3A_311 = arith.addf %add3A_298, %dot_general3A_310 : vector<784x256xf32>
    %slice3A_312 = vector.extract_strided_slice %convert_element_type3A_64 {offsets = [28, 0], sizes = [756, 128], strides = [1, 1]} : vector<784x128xbf16> to vector<756x128xbf16>
    %jit3A_313 = arith.constant 0 : i32
    %convert_element_type3A_314 = arith.sitofp %jit3A_313 : i32 to bf16
    %pad3A_315 = vector.broadcast %convert_element_type3A_314 : bf16 to vector<28x128xbf16>
    %pad3A_316 = tpu.concatenate %slice3A_312, %pad3A_315 in 0 : vector<756x128xbf16>, vector<28x128xbf16> -> vector<784x128xbf16>
    %get3A_317 = arith.constant 8 : index
    %get3A_318 = arith.constant 0 : index
    %get3A_319 = arith.constant 0 : index
    %get3A_320 = vector.load %arg3[%get3A_317, %get3A_318, %get3A_319] : memref<16x128x256xbf16, #tpu.memory_space<vmem>>, vector<1x128x256xbf16>
    %get3A_321 = vector.shape_cast %get3A_320 : vector<1x128x256xbf16> to vector<128x256xbf16>
    %dot_general3A_322 = arith.constant dense<0.000000e+00> : vector<784x256xf32>
    %dot_general3A_323 = tpu.matmul %pad3A_316, %get3A_321, %dot_general3A_322 {dimension_numbers = #tpu.dot_dimension_numbers<[1], [0], [0], [1], [0, 0, 1, 1], [], []>, transpose_lhs_hint = false} : vector<784x128xbf16>, vector<128x256xbf16>, vector<784x256xf32> -> vector<784x256xf32>
    %add3A_324 = arith.addf %add3A_311, %dot_general3A_323 : vector<784x256xf32>
    %slice3A_325 = vector.extract_strided_slice %convert_element_type3A_114 {offsets = [28, 0], sizes = [756, 128], strides = [1, 1]} : vector<784x128xbf16> to vector<756x128xbf16>
    %jit3A_326 = arith.constant 0 : i32
    %convert_element_type3A_327 = arith.sitofp %jit3A_326 : i32 to bf16
    %pad3A_328 = vector.broadcast %convert_element_type3A_327 : bf16 to vector<28x128xbf16>
    %pad3A_329 = tpu.concatenate %slice3A_325, %pad3A_328 in 0 : vector<756x128xbf16>, vector<28x128xbf16> -> vector<784x128xbf16>
    %get3A_330 = arith.constant 9 : index
    %get3A_331 = arith.constant 0 : index
    %get3A_332 = arith.constant 0 : index
    %get3A_333 = vector.load %arg3[%get3A_330, %get3A_331, %get3A_332] : memref<16x128x256xbf16, #tpu.memory_space<vmem>>, vector<1x128x256xbf16>
    %get3A_334 = vector.shape_cast %get3A_333 : vector<1x128x256xbf16> to vector<128x256xbf16>
    %dot_general3A_335 = arith.constant dense<0.000000e+00> : vector<784x256xf32>
    %dot_general3A_336 = tpu.matmul %pad3A_329, %get3A_334, %dot_general3A_335 {dimension_numbers = #tpu.dot_dimension_numbers<[1], [0], [0], [1], [0, 0, 1, 1], [], []>, transpose_lhs_hint = false} : vector<784x128xbf16>, vector<128x256xbf16>, vector<784x256xf32> -> vector<784x256xf32>
    %add3A_337 = arith.addf %add3A_324, %dot_general3A_336 : vector<784x256xf32>
    %slice3A_338 = vector.extract_strided_slice %convert_element_type3A_64 {offsets = [29, 0], sizes = [755, 128], strides = [1, 1]} : vector<784x128xbf16> to vector<755x128xbf16>
    %jit3A_339 = arith.constant 0 : i32
    %convert_element_type3A_340 = arith.sitofp %jit3A_339 : i32 to bf16
    %pad3A_341 = vector.broadcast %convert_element_type3A_340 : bf16 to vector<29x128xbf16>
    %pad3A_342 = tpu.concatenate %slice3A_338, %pad3A_341 in 0 : vector<755x128xbf16>, vector<29x128xbf16> -> vector<784x128xbf16>
    %get3A_343 = arith.constant 10 : index
    %get3A_344 = arith.constant 0 : index
    %get3A_345 = arith.constant 0 : index
    %get3A_346 = vector.load %arg3[%get3A_343, %get3A_344, %get3A_345] : memref<16x128x256xbf16, #tpu.memory_space<vmem>>, vector<1x128x256xbf16>
    %get3A_347 = vector.shape_cast %get3A_346 : vector<1x128x256xbf16> to vector<128x256xbf16>
    %dot_general3A_348 = arith.constant dense<0.000000e+00> : vector<784x256xf32>
    %dot_general3A_349 = tpu.matmul %pad3A_342, %get3A_347, %dot_general3A_348 {dimension_numbers = #tpu.dot_dimension_numbers<[1], [0], [0], [1], [0, 0, 1, 1], [], []>, transpose_lhs_hint = false} : vector<784x128xbf16>, vector<128x256xbf16>, vector<784x256xf32> -> vector<784x256xf32>
    %add3A_350 = arith.addf %add3A_337, %dot_general3A_349 : vector<784x256xf32>
    %slice3A_351 = vector.extract_strided_slice %convert_element_type3A_114 {offsets = [29, 0], sizes = [755, 128], strides = [1, 1]} : vector<784x128xbf16> to vector<755x128xbf16>
    %jit3A_352 = arith.constant 0 : i32
    %convert_element_type3A_353 = arith.sitofp %jit3A_352 : i32 to bf16
    %pad3A_354 = vector.broadcast %convert_element_type3A_353 : bf16 to vector<29x128xbf16>
    %pad3A_355 = tpu.concatenate %slice3A_351, %pad3A_354 in 0 : vector<755x128xbf16>, vector<29x128xbf16> -> vector<784x128xbf16>
    %get3A_356 = arith.constant 11 : index
    %get3A_357 = arith.constant 0 : index
    %get3A_358 = arith.constant 0 : index
    %get3A_359 = vector.load %arg3[%get3A_356, %get3A_357, %get3A_358] : memref<16x128x256xbf16, #tpu.memory_space<vmem>>, vector<1x128x256xbf16>
    %get3A_360 = vector.shape_cast %get3A_359 : vector<1x128x256xbf16> to vector<128x256xbf16>
    %dot_general3A_361 = arith.constant dense<0.000000e+00> : vector<784x256xf32>
    %dot_general3A_362 = tpu.matmul %pad3A_355, %get3A_360, %dot_general3A_361 {dimension_numbers = #tpu.dot_dimension_numbers<[1], [0], [0], [1], [0, 0, 1, 1], [], []>, transpose_lhs_hint = false} : vector<784x128xbf16>, vector<128x256xbf16>, vector<784x256xf32> -> vector<784x256xf32>
    %add3A_363 = arith.addf %add3A_350, %dot_general3A_362 : vector<784x256xf32>
    %slice3A_364 = vector.extract_strided_slice %convert_element_type3A_167 {offsets = [28, 0], sizes = [756, 128], strides = [1, 1]} : vector<784x128xbf16> to vector<756x128xbf16>
    %jit3A_365 = arith.constant 0 : i32
    %convert_element_type3A_366 = arith.sitofp %jit3A_365 : i32 to bf16
    %pad3A_367 = vector.broadcast %convert_element_type3A_366 : bf16 to vector<28x128xbf16>
    %pad3A_368 = tpu.concatenate %slice3A_364, %pad3A_367 in 0 : vector<756x128xbf16>, vector<28x128xbf16> -> vector<784x128xbf16>
    %get3A_369 = arith.constant 12 : index
    %get3A_370 = arith.constant 0 : index
    %get3A_371 = arith.constant 0 : index
    %get3A_372 = vector.load %arg3[%get3A_369, %get3A_370, %get3A_371] : memref<16x128x256xbf16, #tpu.memory_space<vmem>>, vector<1x128x256xbf16>
    %get3A_373 = vector.shape_cast %get3A_372 : vector<1x128x256xbf16> to vector<128x256xbf16>
    %dot_general3A_374 = arith.constant dense<0.000000e+00> : vector<784x256xf32>
    %dot_general3A_375 = tpu.matmul %pad3A_368, %get3A_373, %dot_general3A_374 {dimension_numbers = #tpu.dot_dimension_numbers<[1], [0], [0], [1], [0, 0, 1, 1], [], []>, transpose_lhs_hint = false} : vector<784x128xbf16>, vector<128x256xbf16>, vector<784x256xf32> -> vector<784x256xf32>
    %add3A_376 = arith.addf %add3A_363, %dot_general3A_375 : vector<784x256xf32>
    %slice3A_377 = vector.extract_strided_slice %convert_element_type3A_225 {offsets = [28, 0], sizes = [756, 128], strides = [1, 1]} : vector<784x128xbf16> to vector<756x128xbf16>
    %jit3A_378 = arith.constant 0 : i32
    %convert_element_type3A_379 = arith.sitofp %jit3A_378 : i32 to bf16
    %pad3A_380 = vector.broadcast %convert_element_type3A_379 : bf16 to vector<28x128xbf16>
    %pad3A_381 = tpu.concatenate %slice3A_377, %pad3A_380 in 0 : vector<756x128xbf16>, vector<28x128xbf16> -> vector<784x128xbf16>
    %get3A_382 = arith.constant 13 : index
    %get3A_383 = arith.constant 0 : index
    %get3A_384 = arith.constant 0 : index
    %get3A_385 = vector.load %arg3[%get3A_382, %get3A_383, %get3A_384] : memref<16x128x256xbf16, #tpu.memory_space<vmem>>, vector<1x128x256xbf16>
    %get3A_386 = vector.shape_cast %get3A_385 : vector<1x128x256xbf16> to vector<128x256xbf16>
    %dot_general3A_387 = arith.constant dense<0.000000e+00> : vector<784x256xf32>
    %dot_general3A_388 = tpu.matmul %pad3A_381, %get3A_386, %dot_general3A_387 {dimension_numbers = #tpu.dot_dimension_numbers<[1], [0], [0], [1], [0, 0, 1, 1], [], []>, transpose_lhs_hint = false} : vector<784x128xbf16>, vector<128x256xbf16>, vector<784x256xf32> -> vector<784x256xf32>
    %add3A_389 = arith.addf %add3A_376, %dot_general3A_388 : vector<784x256xf32>
    %slice3A_390 = vector.extract_strided_slice %convert_element_type3A_167 {offsets = [29, 0], sizes = [755, 128], strides = [1, 1]} : vector<784x128xbf16> to vector<755x128xbf16>
    %jit3A_391 = arith.constant 0 : i32
    %convert_element_type3A_392 = arith.sitofp %jit3A_391 : i32 to bf16
    %pad3A_393 = vector.broadcast %convert_element_type3A_392 : bf16 to vector<29x128xbf16>
    %pad3A_394 = tpu.concatenate %slice3A_390, %pad3A_393 in 0 : vector<755x128xbf16>, vector<29x128xbf16> -> vector<784x128xbf16>
    %get3A_395 = arith.constant 14 : index
    %get3A_396 = arith.constant 0 : index
    %get3A_397 = arith.constant 0 : index
    %get3A_398 = vector.load %arg3[%get3A_395, %get3A_396, %get3A_397] : memref<16x128x256xbf16, #tpu.memory_space<vmem>>, vector<1x128x256xbf16>
    %get3A_399 = vector.shape_cast %get3A_398 : vector<1x128x256xbf16> to vector<128x256xbf16>
    %dot_general3A_400 = arith.constant dense<0.000000e+00> : vector<784x256xf32>
    %dot_general3A_401 = tpu.matmul %pad3A_394, %get3A_399, %dot_general3A_400 {dimension_numbers = #tpu.dot_dimension_numbers<[1], [0], [0], [1], [0, 0, 1, 1], [], []>, transpose_lhs_hint = false} : vector<784x128xbf16>, vector<128x256xbf16>, vector<784x256xf32> -> vector<784x256xf32>
    %add3A_402 = arith.addf %add3A_389, %dot_general3A_401 : vector<784x256xf32>
    %slice3A_403 = vector.extract_strided_slice %convert_element_type3A_225 {offsets = [29, 0], sizes = [755, 128], strides = [1, 1]} : vector<784x128xbf16> to vector<755x128xbf16>
    %jit3A_404 = arith.constant 0 : i32
    %convert_element_type3A_405 = arith.sitofp %jit3A_404 : i32 to bf16
    %pad3A_406 = vector.broadcast %convert_element_type3A_405 : bf16 to vector<29x128xbf16>
    %pad3A_407 = tpu.concatenate %slice3A_403, %pad3A_406 in 0 : vector<755x128xbf16>, vector<29x128xbf16> -> vector<784x128xbf16>
    %get3A_408 = arith.constant 15 : index
    %get3A_409 = arith.constant 0 : index
    %get3A_410 = arith.constant 0 : index
    %get3A_411 = vector.load %arg3[%get3A_408, %get3A_409, %get3A_410] : memref<16x128x256xbf16, #tpu.memory_space<vmem>>, vector<1x128x256xbf16>
    %get3A_412 = vector.shape_cast %get3A_411 : vector<1x128x256xbf16> to vector<128x256xbf16>
    %dot_general3A_413 = arith.constant dense<0.000000e+00> : vector<784x256xf32>
    %dot_general3A_414 = tpu.matmul %pad3A_407, %get3A_412, %dot_general3A_413 {dimension_numbers = #tpu.dot_dimension_numbers<[1], [0], [0], [1], [0, 0, 1, 1], [], []>, transpose_lhs_hint = false} : vector<784x128xbf16>, vector<128x256xbf16>, vector<784x256xf32> -> vector<784x256xf32>
    %add3A_415 = arith.addf %add3A_402, %dot_general3A_414 : vector<784x256xf32>
    %get3A_416 = arith.constant 0 : index
    %get3A_417 = arith.constant 0 : index
    %get3A_418 = vector.load %arg6[%get3A_416, %get3A_417] : memref<1x256xf32, #tpu.memory_space<vmem>>, vector<1x256xf32>
    %add3A_419 = vector.broadcast %get3A_418 : vector<1x256xf32> to vector<784x256xf32>
    %add3A_420 = arith.addf %add3A_415, %add3A_419 : vector<784x256xf32>
    %max3A_421 = arith.constant 0.000000e+00 : f32
    %max3A_422 = vector.broadcast %max3A_421 : f32 to vector<784x256xf32>
    %max3A_423 = arith.maximumf %add3A_420, %max3A_422 : vector<784x256xf32>
    %convert_element_type3A_424 = arith.truncf %max3A_423 : vector<784x256xf32> to vector<784x256xbf16>
    %broadcast_in_dim3A_425 = arith.constant 0.000000e+00 : f32
    %broadcast_in_dim3A_426 = vector.broadcast %broadcast_in_dim3A_425 : f32 to vector<784x256xf32>
    %get3A_427 = arith.constant 0 : index
    %get3A_428 = arith.constant 0 : index
    %get3A_429 = arith.constant 0 : index
    %get3A_430 = vector.load %arg4[%get3A_427, %get3A_428, %get3A_429] : memref<9x256x256xbf16, #tpu.memory_space<vmem>>, vector<1x256x256xbf16>
    %get3A_431 = vector.shape_cast %get3A_430 : vector<1x256x256xbf16> to vector<256x256xbf16>
    %dot_general3A_432 = arith.constant dense<0.000000e+00> : vector<784x256xf32>
    %dot_general3A_433 = tpu.matmul %convert_element_type3A_424, %get3A_431, %dot_general3A_432 {dimension_numbers = #tpu.dot_dimension_numbers<[1], [0], [0], [1], [0, 0, 1, 1], [], []>, transpose_lhs_hint = false} : vector<784x256xbf16>, vector<256x256xbf16>, vector<784x256xf32> -> vector<784x256xf32>
    %add3A_434 = arith.addf %broadcast_in_dim3A_426, %dot_general3A_433 : vector<784x256xf32>
    %slice3A_435 = vector.extract_strided_slice %convert_element_type3A_424 {offsets = [1, 0], sizes = [783, 256], strides = [1, 1]} : vector<784x256xbf16> to vector<783x256xbf16>
    %jit3A_436 = arith.constant 0 : i32
    %convert_element_type3A_437 = arith.sitofp %jit3A_436 : i32 to bf16
    %pad3A_438 = vector.broadcast %convert_element_type3A_437 : bf16 to vector<1x256xbf16>
    %pad3A_439 = tpu.concatenate %slice3A_435, %pad3A_438 in 0 : vector<783x256xbf16>, vector<1x256xbf16> -> vector<784x256xbf16>
    %get3A_440 = arith.constant 1 : index
    %get3A_441 = arith.constant 0 : index
    %get3A_442 = arith.constant 0 : index
    %get3A_443 = vector.load %arg4[%get3A_440, %get3A_441, %get3A_442] : memref<9x256x256xbf16, #tpu.memory_space<vmem>>, vector<1x256x256xbf16>
    %get3A_444 = vector.shape_cast %get3A_443 : vector<1x256x256xbf16> to vector<256x256xbf16>
    %dot_general3A_445 = arith.constant dense<0.000000e+00> : vector<784x256xf32>
    %dot_general3A_446 = tpu.matmul %pad3A_439, %get3A_444, %dot_general3A_445 {dimension_numbers = #tpu.dot_dimension_numbers<[1], [0], [0], [1], [0, 0, 1, 1], [], []>, transpose_lhs_hint = false} : vector<784x256xbf16>, vector<256x256xbf16>, vector<784x256xf32> -> vector<784x256xf32>
    %add3A_447 = arith.addf %add3A_434, %dot_general3A_446 : vector<784x256xf32>
    %slice3A_448 = vector.extract_strided_slice %convert_element_type3A_424 {offsets = [2, 0], sizes = [782, 256], strides = [1, 1]} : vector<784x256xbf16> to vector<782x256xbf16>
    %jit3A_449 = arith.constant 0 : i32
    %convert_element_type3A_450 = arith.sitofp %jit3A_449 : i32 to bf16
    %pad3A_451 = vector.broadcast %convert_element_type3A_450 : bf16 to vector<2x256xbf16>
    %pad3A_452 = tpu.concatenate %slice3A_448, %pad3A_451 in 0 : vector<782x256xbf16>, vector<2x256xbf16> -> vector<784x256xbf16>
    %get3A_453 = arith.constant 2 : index
    %get3A_454 = arith.constant 0 : index
    %get3A_455 = arith.constant 0 : index
    %get3A_456 = vector.load %arg4[%get3A_453, %get3A_454, %get3A_455] : memref<9x256x256xbf16, #tpu.memory_space<vmem>>, vector<1x256x256xbf16>
    %get3A_457 = vector.shape_cast %get3A_456 : vector<1x256x256xbf16> to vector<256x256xbf16>
    %dot_general3A_458 = arith.constant dense<0.000000e+00> : vector<784x256xf32>
    %dot_general3A_459 = tpu.matmul %pad3A_452, %get3A_457, %dot_general3A_458 {dimension_numbers = #tpu.dot_dimension_numbers<[1], [0], [0], [1], [0, 0, 1, 1], [], []>, transpose_lhs_hint = false} : vector<784x256xbf16>, vector<256x256xbf16>, vector<784x256xf32> -> vector<784x256xf32>
    %add3A_460 = arith.addf %add3A_447, %dot_general3A_459 : vector<784x256xf32>
    %slice3A_461 = vector.extract_strided_slice %convert_element_type3A_424 {offsets = [28, 0], sizes = [756, 256], strides = [1, 1]} : vector<784x256xbf16> to vector<756x256xbf16>
    %jit3A_462 = arith.constant 0 : i32
    %convert_element_type3A_463 = arith.sitofp %jit3A_462 : i32 to bf16
    %pad3A_464 = vector.broadcast %convert_element_type3A_463 : bf16 to vector<28x256xbf16>
    %pad3A_465 = tpu.concatenate %slice3A_461, %pad3A_464 in 0 : vector<756x256xbf16>, vector<28x256xbf16> -> vector<784x256xbf16>
    %get3A_466 = arith.constant 3 : index
    %get3A_467 = arith.constant 0 : index
    %get3A_468 = arith.constant 0 : index
    %get3A_469 = vector.load %arg4[%get3A_466, %get3A_467, %get3A_468] : memref<9x256x256xbf16, #tpu.memory_space<vmem>>, vector<1x256x256xbf16>
    %get3A_470 = vector.shape_cast %get3A_469 : vector<1x256x256xbf16> to vector<256x256xbf16>
    %dot_general3A_471 = arith.constant dense<0.000000e+00> : vector<784x256xf32>
    %dot_general3A_472 = tpu.matmul %pad3A_465, %get3A_470, %dot_general3A_471 {dimension_numbers = #tpu.dot_dimension_numbers<[1], [0], [0], [1], [0, 0, 1, 1], [], []>, transpose_lhs_hint = false} : vector<784x256xbf16>, vector<256x256xbf16>, vector<784x256xf32> -> vector<784x256xf32>
    %add3A_473 = arith.addf %add3A_460, %dot_general3A_472 : vector<784x256xf32>
    %slice3A_474 = vector.extract_strided_slice %convert_element_type3A_424 {offsets = [29, 0], sizes = [755, 256], strides = [1, 1]} : vector<784x256xbf16> to vector<755x256xbf16>
    %jit3A_475 = arith.constant 0 : i32
    %convert_element_type3A_476 = arith.sitofp %jit3A_475 : i32 to bf16
    %pad3A_477 = vector.broadcast %convert_element_type3A_476 : bf16 to vector<29x256xbf16>
    %pad3A_478 = tpu.concatenate %slice3A_474, %pad3A_477 in 0 : vector<755x256xbf16>, vector<29x256xbf16> -> vector<784x256xbf16>
    %get3A_479 = arith.constant 4 : index
    %get3A_480 = arith.constant 0 : index
    %get3A_481 = arith.constant 0 : index
    %get3A_482 = vector.load %arg4[%get3A_479, %get3A_480, %get3A_481] : memref<9x256x256xbf16, #tpu.memory_space<vmem>>, vector<1x256x256xbf16>
    %get3A_483 = vector.shape_cast %get3A_482 : vector<1x256x256xbf16> to vector<256x256xbf16>
    %dot_general3A_484 = arith.constant dense<0.000000e+00> : vector<784x256xf32>
    %dot_general3A_485 = tpu.matmul %pad3A_478, %get3A_483, %dot_general3A_484 {dimension_numbers = #tpu.dot_dimension_numbers<[1], [0], [0], [1], [0, 0, 1, 1], [], []>, transpose_lhs_hint = false} : vector<784x256xbf16>, vector<256x256xbf16>, vector<784x256xf32> -> vector<784x256xf32>
    %add3A_486 = arith.addf %add3A_473, %dot_general3A_485 : vector<784x256xf32>
    %slice3A_487 = vector.extract_strided_slice %convert_element_type3A_424 {offsets = [30, 0], sizes = [754, 256], strides = [1, 1]} : vector<784x256xbf16> to vector<754x256xbf16>
    %jit3A_488 = arith.constant 0 : i32
    %convert_element_type3A_489 = arith.sitofp %jit3A_488 : i32 to bf16
    %pad3A_490 = vector.broadcast %convert_element_type3A_489 : bf16 to vector<30x256xbf16>
    %pad3A_491 = tpu.concatenate %slice3A_487, %pad3A_490 in 0 : vector<754x256xbf16>, vector<30x256xbf16> -> vector<784x256xbf16>
    %get3A_492 = arith.constant 5 : index
    %get3A_493 = arith.constant 0 : index
    %get3A_494 = arith.constant 0 : index
    %get3A_495 = vector.load %arg4[%get3A_492, %get3A_493, %get3A_494] : memref<9x256x256xbf16, #tpu.memory_space<vmem>>, vector<1x256x256xbf16>
    %get3A_496 = vector.shape_cast %get3A_495 : vector<1x256x256xbf16> to vector<256x256xbf16>
    %dot_general3A_497 = arith.constant dense<0.000000e+00> : vector<784x256xf32>
    %dot_general3A_498 = tpu.matmul %pad3A_491, %get3A_496, %dot_general3A_497 {dimension_numbers = #tpu.dot_dimension_numbers<[1], [0], [0], [1], [0, 0, 1, 1], [], []>, transpose_lhs_hint = false} : vector<784x256xbf16>, vector<256x256xbf16>, vector<784x256xf32> -> vector<784x256xf32>
    %add3A_499 = arith.addf %add3A_486, %dot_general3A_498 : vector<784x256xf32>
    %slice3A_500 = vector.extract_strided_slice %convert_element_type3A_424 {offsets = [56, 0], sizes = [728, 256], strides = [1, 1]} : vector<784x256xbf16> to vector<728x256xbf16>
    %jit3A_501 = arith.constant 0 : i32
    %convert_element_type3A_502 = arith.sitofp %jit3A_501 : i32 to bf16
    %pad3A_503 = vector.broadcast %convert_element_type3A_502 : bf16 to vector<56x256xbf16>
    %pad3A_504 = tpu.concatenate %slice3A_500, %pad3A_503 in 0 : vector<728x256xbf16>, vector<56x256xbf16> -> vector<784x256xbf16>
    %get3A_505 = arith.constant 6 : index
    %get3A_506 = arith.constant 0 : index
    %get3A_507 = arith.constant 0 : index
    %get3A_508 = vector.load %arg4[%get3A_505, %get3A_506, %get3A_507] : memref<9x256x256xbf16, #tpu.memory_space<vmem>>, vector<1x256x256xbf16>
    %get3A_509 = vector.shape_cast %get3A_508 : vector<1x256x256xbf16> to vector<256x256xbf16>
    %dot_general3A_510 = arith.constant dense<0.000000e+00> : vector<784x256xf32>
    %dot_general3A_511 = tpu.matmul %pad3A_504, %get3A_509, %dot_general3A_510 {dimension_numbers = #tpu.dot_dimension_numbers<[1], [0], [0], [1], [0, 0, 1, 1], [], []>, transpose_lhs_hint = false} : vector<784x256xbf16>, vector<256x256xbf16>, vector<784x256xf32> -> vector<784x256xf32>
    %add3A_512 = arith.addf %add3A_499, %dot_general3A_511 : vector<784x256xf32>
    %slice3A_513 = vector.extract_strided_slice %convert_element_type3A_424 {offsets = [57, 0], sizes = [727, 256], strides = [1, 1]} : vector<784x256xbf16> to vector<727x256xbf16>
    %jit3A_514 = arith.constant 0 : i32
    %convert_element_type3A_515 = arith.sitofp %jit3A_514 : i32 to bf16
    %pad3A_516 = vector.broadcast %convert_element_type3A_515 : bf16 to vector<57x256xbf16>
    %pad3A_517 = tpu.concatenate %slice3A_513, %pad3A_516 in 0 : vector<727x256xbf16>, vector<57x256xbf16> -> vector<784x256xbf16>
    %get3A_518 = arith.constant 7 : index
    %get3A_519 = arith.constant 0 : index
    %get3A_520 = arith.constant 0 : index
    %get3A_521 = vector.load %arg4[%get3A_518, %get3A_519, %get3A_520] : memref<9x256x256xbf16, #tpu.memory_space<vmem>>, vector<1x256x256xbf16>
    %get3A_522 = vector.shape_cast %get3A_521 : vector<1x256x256xbf16> to vector<256x256xbf16>
    %dot_general3A_523 = arith.constant dense<0.000000e+00> : vector<784x256xf32>
    %dot_general3A_524 = tpu.matmul %pad3A_517, %get3A_522, %dot_general3A_523 {dimension_numbers = #tpu.dot_dimension_numbers<[1], [0], [0], [1], [0, 0, 1, 1], [], []>, transpose_lhs_hint = false} : vector<784x256xbf16>, vector<256x256xbf16>, vector<784x256xf32> -> vector<784x256xf32>
    %add3A_525 = arith.addf %add3A_512, %dot_general3A_524 : vector<784x256xf32>
    %slice3A_526 = vector.extract_strided_slice %convert_element_type3A_424 {offsets = [58, 0], sizes = [726, 256], strides = [1, 1]} : vector<784x256xbf16> to vector<726x256xbf16>
    %jit3A_527 = arith.constant 0 : i32
    %convert_element_type3A_528 = arith.sitofp %jit3A_527 : i32 to bf16
    %pad3A_529 = vector.broadcast %convert_element_type3A_528 : bf16 to vector<58x256xbf16>
    %pad3A_530 = tpu.concatenate %slice3A_526, %pad3A_529 in 0 : vector<726x256xbf16>, vector<58x256xbf16> -> vector<784x256xbf16>
    %get3A_531 = arith.constant 8 : index
    %get3A_532 = arith.constant 0 : index
    %get3A_533 = arith.constant 0 : index
    %get3A_534 = vector.load %arg4[%get3A_531, %get3A_532, %get3A_533] : memref<9x256x256xbf16, #tpu.memory_space<vmem>>, vector<1x256x256xbf16>
    %get3A_535 = vector.shape_cast %get3A_534 : vector<1x256x256xbf16> to vector<256x256xbf16>
    %dot_general3A_536 = arith.constant dense<0.000000e+00> : vector<784x256xf32>
    %dot_general3A_537 = tpu.matmul %pad3A_530, %get3A_535, %dot_general3A_536 {dimension_numbers = #tpu.dot_dimension_numbers<[1], [0], [0], [1], [0, 0, 1, 1], [], []>, transpose_lhs_hint = false} : vector<784x256xbf16>, vector<256x256xbf16>, vector<784x256xf32> -> vector<784x256xf32>
    %add3A_538 = arith.addf %add3A_525, %dot_general3A_537 : vector<784x256xf32>
    %get3A_539 = arith.constant 0 : index
    %get3A_540 = arith.constant 0 : index
    %get3A_541 = vector.load %arg7[%get3A_539, %get3A_540] : memref<1x256xf32, #tpu.memory_space<vmem>>, vector<1x256xf32>
    %add3A_542 = vector.broadcast %get3A_541 : vector<1x256xf32> to vector<784x256xf32>
    %add3A_543 = arith.addf %add3A_538, %add3A_542 : vector<784x256xf32>
    %iota3A = tpu.iota {dimensions = array<i32: 0>} : vector<784x256xi32>
    %jit3A_544 = arith.constant 28 : i32
    %div3A = vector.broadcast %jit3A_544 : i32 to vector<784x256xi32>
    %div3A_545 = arith.divsi %iota3A, %div3A : vector<784x256xi32>
    %sign3A = arith.constant 0 : i32
    %sign3A_546 = vector.broadcast %sign3A : i32 to vector<784x256xi32>
    %sign3A_547 = arith.cmpi sgt, %iota3A, %sign3A_546 : vector<784x256xi32>
    %sign3A_548 = arith.extui %sign3A_547 : vector<784x256xi1> to vector<784x256xi32>
    %sign3A_549 = arith.constant 0 : i32
    %sign3A_550 = vector.broadcast %sign3A_549 : i32 to vector<784x256xi32>
    %sign3A_551 = arith.cmpi slt, %iota3A, %sign3A_550 : vector<784x256xi32>
    %sign3A_552 = arith.extui %sign3A_551 : vector<784x256xi1> to vector<784x256xi32>
    %sign3A_553 = arith.subi %sign3A_548, %sign3A_552 : vector<784x256xi32>
    %sign3A_554 = arith.constant 0 : i32
    %sign3A_555 = arith.cmpi sgt, %jit3A_544, %sign3A_554 : i32
    %sign3A_556 = arith.extui %sign3A_555 : i1 to i32
    %sign3A_557 = arith.constant 0 : i32
    %sign3A_558 = arith.cmpi slt, %jit3A_544, %sign3A_557 : i32
    %sign3A_559 = arith.extui %sign3A_558 : i1 to i32
    %sign3A_560 = arith.subi %sign3A_556, %sign3A_559 : i32
    %ne3A = vector.broadcast %sign3A_560 : i32 to vector<784x256xi32>
    %ne3A_561 = arith.cmpi ne, %sign3A_553, %ne3A : vector<784x256xi32>
    %rem3A = vector.broadcast %jit3A_544 : i32 to vector<784x256xi32>
    %rem3A_562 = arith.remsi %iota3A, %rem3A : vector<784x256xi32>
    %ne3A_563 = arith.constant 0 : i32
    %ne3A_564 = vector.broadcast %ne3A_563 : i32 to vector<784x256xi32>
    %ne3A_565 = arith.cmpi ne, %rem3A_562, %ne3A_564 : vector<784x256xi32>
    %and3A = arith.andi %ne3A_561, %ne3A_565 : vector<784x256xi1>
    %sub3A = arith.constant 1 : i32
    %sub3A_566 = vector.broadcast %sub3A : i32 to vector<784x256xi32>
    %sub3A_567 = arith.subi %div3A_545, %sub3A_566 : vector<784x256xi32>
    %select_n3A = arith.select %and3A, %sub3A_567, %div3A_545 : vector<784x256xi1>, vector<784x256xi32>
    %lt3A = arith.constant 24 : i32
    %lt3A_568 = vector.broadcast %lt3A : i32 to vector<784x256xi32>
    %lt3A_569 = arith.cmpi slt, %select_n3A, %lt3A_568 : vector<784x256xi32>
    %jit3A_570 = arith.constant 28 : i32
    %eq3A = arith.constant 0 : i32
    %eq3A_571 = arith.cmpi eq, %jit3A_570, %eq3A : i32
    %jit3A_572 = arith.constant 1 : i32
    %select_n3A_573 = arith.select %eq3A_571, %jit3A_572, %jit3A_570 : i32
    %rem3A_574 = vector.broadcast %select_n3A_573 : i32 to vector<784x256xi32>
    %rem3A_575 = arith.remsi %iota3A, %rem3A_574 : vector<784x256xi32>
    %ne3A_576 = arith.constant 0 : i32
    %ne3A_577 = vector.broadcast %ne3A_576 : i32 to vector<784x256xi32>
    %ne3A_578 = arith.cmpi ne, %rem3A_575, %ne3A_577 : vector<784x256xi32>
    %lt3A_579 = arith.constant 0 : i32
    %lt3A_580 = vector.broadcast %lt3A_579 : i32 to vector<784x256xi32>
    %lt3A_581 = arith.cmpi slt, %rem3A_575, %lt3A_580 : vector<784x256xi32>
    %lt3A_582 = arith.constant 0 : i32
    %lt3A_583 = arith.cmpi slt, %select_n3A_573, %lt3A_582 : i32
    %ne3A_584 = vector.broadcast %lt3A_583 : i1 to vector<784x256xi1>
    %ne3A_585 = vector.broadcast %ne3A_584 : vector<784x256xi1> to vector<784x256xi1>
    %ne3A_586 = arith.xori %lt3A_581, %ne3A_585 : vector<784x256xi1>
    %and3A_587 = arith.andi %ne3A_586, %ne3A_578 : vector<784x256xi1>
    %add3A_588 = vector.broadcast %select_n3A_573 : i32 to vector<784x256xi32>
    %add3A_589 = arith.addi %rem3A_575, %add3A_588 : vector<784x256xi32>
    %select_n3A_590 = arith.select %and3A_587, %add3A_589, %rem3A_575 : vector<784x256xi1>, vector<784x256xi32>
    %lt3A_591 = arith.constant 24 : i32
    %lt3A_592 = vector.broadcast %lt3A_591 : i32 to vector<784x256xi32>
    %lt3A_593 = arith.cmpi slt, %select_n3A_590, %lt3A_592 : vector<784x256xi32>
    %and3A_594 = arith.andi %lt3A_569, %lt3A_593 : vector<784x256xi1>
    %jit3A_595 = arith.constant 0.000000e+00 : f32
    %broadcast_in_dim3A_596 = vector.broadcast %jit3A_595 : f32 to vector<784x256xf32>
    %select_n3A_597 = arith.select %and3A_594, %add3A_543, %broadcast_in_dim3A_596 : vector<784x256xi1>, vector<784x256xf32>
    %reduce_sum3A = arith.constant dense<0.000000e+00> : vector<256xf32>
    %reduce_sum3A_598 = vector.multi_reduction <add>, %select_n3A_597, %reduce_sum3A [0] : vector<784x256xf32> to vector<256xf32>
    %div3A_599 = arith.constant 5.760000e+02 : f32
    %div3A_600 = vector.broadcast %div3A_599 : f32 to vector<256xf32>
    %div3A_601 = arith.divf %reduce_sum3A_598, %div3A_600 : vector<256xf32>
    %swap3A = arith.constant 0 : index
    %swap3A_602 = arith.constant 0 : index
    %swap3A_603 = arith.constant 0 : index
    %swap3A_604 = vector.load %arg8[%swap3A, %swap3A_602, %swap3A_603] : memref<1x1x256xf32, #tpu.memory_space<vmem>>, vector<1x1x256xf32>
    %swap3A_605 = vector.shape_cast %swap3A_604 : vector<1x1x256xf32> to vector<256xf32>
    %swap3A_606 = vector.shape_cast %div3A_601 : vector<256xf32> to vector<1x1x256xf32>
    tpu.vector_store %arg8[%swap3A, %swap3A_602, %swap3A_603], %swap3A_606 {strides = array<i32>} : memref<1x1x256xf32, #tpu.memory_space<vmem>>, vector<1x1x256xf32>,
    return
  }
  func.func @transform_0(%arg0: i32) -> (i32, i32, i32, i32) {
    %c0_i32 = arith.constant 0 : i32
    %c0_i32_0 = arith.constant 0 : i32
    %c0_i32_1 = arith.constant 0 : i32
    %c0_i32_2 = arith.constant 0 : i32
    return %arg0, %c0_i32, %c0_i32_0, %c0_i32_1 : i32, i32, i32, i32
  }
  func.func @transform_1(%arg0: i32) -> (i32, i32, i32) {
    %c0_i32 = arith.constant 0 : i32
    %c0_i32_0 = arith.constant 0 : i32
    %c0_i32_1 = arith.constant 0 : i32
    %c0_i32_2 = arith.constant 0 : i32
    return %c0_i32, %c0_i32_0, %c0_i32_1 : i32, i32, i32
  }
  func.func @transform_2(%arg0: i32) -> (i32, i32, i32) {
    %c0_i32 = arith.constant 0 : i32
    %c0_i32_0 = arith.constant 0 : i32
    %c0_i32_1 = arith.constant 0 : i32
    %c0_i32_2 = arith.constant 0 : i32
    return %c0_i32, %c0_i32_0, %c0_i32_1 : i32, i32, i32
  }
  func.func @transform_3(%arg0: i32) -> (i32, i32, i32) {
    %c0_i32 = arith.constant 0 : i32
    %c0_i32_0 = arith.constant 0 : i32
    %c0_i32_1 = arith.constant 0 : i32
    %c0_i32_2 = arith.constant 0 : i32
    return %c0_i32, %c0_i32_0, %c0_i32_1 : i32, i32, i32
  }
  func.func @transform_4(%arg0: i32) -> (i32, i32) {
    %c0_i32 = arith.constant 0 : i32
    %c0_i32_0 = arith.constant 0 : i32
    %c0_i32_1 = arith.constant 0 : i32
    return %c0_i32, %c0_i32_0 : i32, i32
  }
  func.func @transform_5(%arg0: i32) -> (i32, i32) {
    %c0_i32 = arith.constant 0 : i32
    %c0_i32_0 = arith.constant 0 : i32
    %c0_i32_1 = arith.constant 0 : i32
    return %c0_i32, %c0_i32_0 : i32, i32
  }
  func.func @transform_6(%arg0: i32) -> (i32, i32) {
    %c0_i32 = arith.constant 0 : i32
    %c0_i32_0 = arith.constant 0 : i32
    %c0_i32_1 = arith.constant 0 : i32
    return %c0_i32, %c0_i32_0 : i32, i32
  }
  func.func @transform_7(%arg0: i32) -> (i32, i32, i32) {
    %c0_i32 = arith.constant 0 : i32
    %c0_i32_0 = arith.constant 0 : i32
    %c0_i32_1 = arith.constant 0 : i32
    return %arg0, %c0_i32, %c0_i32_0 : i32, i32, i32
  }
}

module attributes {stable_mosaic.version = 14 : i64} {
  func.func @_head2_body(%arg0: memref<32x256xf32, #tpu.memory_space<vmem>>, %arg1: memref<32x16xf32, #tpu.memory_space<vmem>>, %arg2: memref<32x8xf32, #tpu.memory_space<vmem>>, %arg3: memref<64x400xf32, #tpu.memory_space<vmem>>, %arg4: memref<1x400xf32, #tpu.memory_space<vmem>>, %arg5: memref<400x300xf32, #tpu.memory_space<vmem>>, %arg6: memref<1x300xf32, #tpu.memory_space<vmem>>, %arg7: memref<300x64xf32, #tpu.memory_space<vmem>>, %arg8: memref<1x64xf32, #tpu.memory_space<vmem>>, %arg9: memref<64x64xf32, #tpu.memory_space<vmem>>, %arg10: memref<1x64xf32, #tpu.memory_space<vmem>>, %arg11: memref<64x64xf32, #tpu.memory_space<vmem>>, %arg12: memref<1x64xf32, #tpu.memory_space<vmem>>, %arg13: memref<64x14xf32, #tpu.memory_space<vmem>>, %arg14: memref<1x14xf32, #tpu.memory_space<vmem>>, %arg15: memref<64x400xf32, #tpu.memory_space<vmem>>, %arg16: memref<1x400xf32, #tpu.memory_space<vmem>>, %arg17: memref<400x300xf32, #tpu.memory_space<vmem>>, %arg18: memref<1x300xf32, #tpu.memory_space<vmem>>, %arg19: memref<300x64xf32, #tpu.memory_space<vmem>>, %arg20: memref<1x64xf32, #tpu.memory_space<vmem>>, %arg21: memref<64x64xf32, #tpu.memory_space<vmem>>, %arg22: memref<1x64xf32, #tpu.memory_space<vmem>>, %arg23: memref<64x64xf32, #tpu.memory_space<vmem>>, %arg24: memref<1x64xf32, #tpu.memory_space<vmem>>, %arg25: memref<64x14xf32, #tpu.memory_space<vmem>>, %arg26: memref<1x14xf32, #tpu.memory_space<vmem>>, %arg27: memref<64x400xf32, #tpu.memory_space<vmem>>, %arg28: memref<1x400xf32, #tpu.memory_space<vmem>>, %arg29: memref<400x300xf32, #tpu.memory_space<vmem>>, %arg30: memref<1x300xf32, #tpu.memory_space<vmem>>, %arg31: memref<300x64xf32, #tpu.memory_space<vmem>>, %arg32: memref<1x64xf32, #tpu.memory_space<vmem>>, %arg33: memref<64x64xf32, #tpu.memory_space<vmem>>, %arg34: memref<1x64xf32, #tpu.memory_space<vmem>>, %arg35: memref<64x64xf32, #tpu.memory_space<vmem>>, %arg36: memref<1x64xf32, #tpu.memory_space<vmem>>, %arg37: memref<64x14xf32, #tpu.memory_space<vmem>>, %arg38: memref<1x14xf32, #tpu.memory_space<vmem>>, %arg39: memref<64x400xf32, #tpu.memory_space<vmem>>, %arg40: memref<1x400xf32, #tpu.memory_space<vmem>>, %arg41: memref<400x300xf32, #tpu.memory_space<vmem>>, %arg42: memref<1x300xf32, #tpu.memory_space<vmem>>, %arg43: memref<300x64xf32, #tpu.memory_space<vmem>>, %arg44: memref<1x64xf32, #tpu.memory_space<vmem>>, %arg45: memref<64x64xf32, #tpu.memory_space<vmem>>, %arg46: memref<1x64xf32, #tpu.memory_space<vmem>>, %arg47: memref<64x64xf32, #tpu.memory_space<vmem>>, %arg48: memref<1x64xf32, #tpu.memory_space<vmem>>, %arg49: memref<64x14xf32, #tpu.memory_space<vmem>>, %arg50: memref<1x14xf32, #tpu.memory_space<vmem>>, %arg51: memref<32x128xf32, #tpu.memory_space<vmem>>) attributes {dimension_semantics = [], scalar_prefetch = 0 : i64, scratch_operands = 0 : i64, tpu.core_type = #tpu.core_type<tc>} {
    %get3A = arith.constant 0 : index
    %get3A_0 = arith.constant 0 : index
    %get3A_1 = vector.load %arg3[%get3A, %get3A_0] : memref<64x400xf32, #tpu.memory_space<vmem>>, vector<64x400xf32>
    %get3A_2 = arith.constant 0 : index
    %get3A_3 = arith.constant 0 : index
    %get3A_4 = vector.load %arg4[%get3A_2, %get3A_3] : memref<1x400xf32, #tpu.memory_space<vmem>>, vector<1x400xf32>
    %get3A_5 = arith.constant 0 : index
    %get3A_6 = arith.constant 0 : index
    %get3A_7 = vector.load %arg5[%get3A_5, %get3A_6] : memref<400x300xf32, #tpu.memory_space<vmem>>, vector<400x300xf32>
    %get3A_8 = arith.constant 0 : index
    %get3A_9 = arith.constant 0 : index
    %get3A_10 = vector.load %arg6[%get3A_8, %get3A_9] : memref<1x300xf32, #tpu.memory_space<vmem>>, vector<1x300xf32>
    %get3A_11 = arith.constant 0 : index
    %get3A_12 = arith.constant 0 : index
    %get3A_13 = vector.load %arg7[%get3A_11, %get3A_12] : memref<300x64xf32, #tpu.memory_space<vmem>>, vector<300x64xf32>
    %get3A_14 = arith.constant 0 : index
    %get3A_15 = arith.constant 0 : index
    %get3A_16 = vector.load %arg8[%get3A_14, %get3A_15] : memref<1x64xf32, #tpu.memory_space<vmem>>, vector<1x64xf32>
    %get3A_17 = arith.constant 0 : index
    %get3A_18 = arith.constant 0 : index
    %get3A_19 = vector.load %arg9[%get3A_17, %get3A_18] : memref<64x64xf32, #tpu.memory_space<vmem>>, vector<64x64xf32>
    %get3A_20 = arith.constant 0 : index
    %get3A_21 = arith.constant 0 : index
    %get3A_22 = vector.load %arg10[%get3A_20, %get3A_21] : memref<1x64xf32, #tpu.memory_space<vmem>>, vector<1x64xf32>
    %get3A_23 = arith.constant 0 : index
    %get3A_24 = arith.constant 0 : index
    %get3A_25 = vector.load %arg11[%get3A_23, %get3A_24] : memref<64x64xf32, #tpu.memory_space<vmem>>, vector<64x64xf32>
    %get3A_26 = arith.constant 0 : index
    %get3A_27 = arith.constant 0 : index
    %get3A_28 = vector.load %arg12[%get3A_26, %get3A_27] : memref<1x64xf32, #tpu.memory_space<vmem>>, vector<1x64xf32>
    %get3A_29 = arith.constant 0 : index
    %get3A_30 = arith.constant 0 : index
    %get3A_31 = vector.load %arg13[%get3A_29, %get3A_30] : memref<64x14xf32, #tpu.memory_space<vmem>>, vector<64x14xf32>
    %get3A_32 = arith.constant 0 : index
    %get3A_33 = arith.constant 0 : index
    %get3A_34 = vector.load %arg14[%get3A_32, %get3A_33] : memref<1x14xf32, #tpu.memory_space<vmem>>, vector<1x14xf32>
    %get3A_35 = arith.constant 0 : index
    %get3A_36 = arith.constant 0 : index
    %get3A_37 = vector.load %arg15[%get3A_35, %get3A_36] : memref<64x400xf32, #tpu.memory_space<vmem>>, vector<64x400xf32>
    %get3A_38 = arith.constant 0 : index
    %get3A_39 = arith.constant 0 : index
    %get3A_40 = vector.load %arg16[%get3A_38, %get3A_39] : memref<1x400xf32, #tpu.memory_space<vmem>>, vector<1x400xf32>
    %get3A_41 = arith.constant 0 : index
    %get3A_42 = arith.constant 0 : index
    %get3A_43 = vector.load %arg17[%get3A_41, %get3A_42] : memref<400x300xf32, #tpu.memory_space<vmem>>, vector<400x300xf32>
    %get3A_44 = arith.constant 0 : index
    %get3A_45 = arith.constant 0 : index
    %get3A_46 = vector.load %arg18[%get3A_44, %get3A_45] : memref<1x300xf32, #tpu.memory_space<vmem>>, vector<1x300xf32>
    %get3A_47 = arith.constant 0 : index
    %get3A_48 = arith.constant 0 : index
    %get3A_49 = vector.load %arg19[%get3A_47, %get3A_48] : memref<300x64xf32, #tpu.memory_space<vmem>>, vector<300x64xf32>
    %get3A_50 = arith.constant 0 : index
    %get3A_51 = arith.constant 0 : index
    %get3A_52 = vector.load %arg20[%get3A_50, %get3A_51] : memref<1x64xf32, #tpu.memory_space<vmem>>, vector<1x64xf32>
    %get3A_53 = arith.constant 0 : index
    %get3A_54 = arith.constant 0 : index
    %get3A_55 = vector.load %arg21[%get3A_53, %get3A_54] : memref<64x64xf32, #tpu.memory_space<vmem>>, vector<64x64xf32>
    %get3A_56 = arith.constant 0 : index
    %get3A_57 = arith.constant 0 : index
    %get3A_58 = vector.load %arg22[%get3A_56, %get3A_57] : memref<1x64xf32, #tpu.memory_space<vmem>>, vector<1x64xf32>
    %get3A_59 = arith.constant 0 : index
    %get3A_60 = arith.constant 0 : index
    %get3A_61 = vector.load %arg23[%get3A_59, %get3A_60] : memref<64x64xf32, #tpu.memory_space<vmem>>, vector<64x64xf32>
    %get3A_62 = arith.constant 0 : index
    %get3A_63 = arith.constant 0 : index
    %get3A_64 = vector.load %arg24[%get3A_62, %get3A_63] : memref<1x64xf32, #tpu.memory_space<vmem>>, vector<1x64xf32>
    %get3A_65 = arith.constant 0 : index
    %get3A_66 = arith.constant 0 : index
    %get3A_67 = vector.load %arg25[%get3A_65, %get3A_66] : memref<64x14xf32, #tpu.memory_space<vmem>>, vector<64x14xf32>
    %get3A_68 = arith.constant 0 : index
    %get3A_69 = arith.constant 0 : index
    %get3A_70 = vector.load %arg26[%get3A_68, %get3A_69] : memref<1x14xf32, #tpu.memory_space<vmem>>, vector<1x14xf32>
    %get3A_71 = arith.constant 0 : index
    %get3A_72 = arith.constant 0 : index
    %get3A_73 = vector.load %arg27[%get3A_71, %get3A_72] : memref<64x400xf32, #tpu.memory_space<vmem>>, vector<64x400xf32>
    %get3A_74 = arith.constant 0 : index
    %get3A_75 = arith.constant 0 : index
    %get3A_76 = vector.load %arg28[%get3A_74, %get3A_75] : memref<1x400xf32, #tpu.memory_space<vmem>>, vector<1x400xf32>
    %get3A_77 = arith.constant 0 : index
    %get3A_78 = arith.constant 0 : index
    %get3A_79 = vector.load %arg29[%get3A_77, %get3A_78] : memref<400x300xf32, #tpu.memory_space<vmem>>, vector<400x300xf32>
    %get3A_80 = arith.constant 0 : index
    %get3A_81 = arith.constant 0 : index
    %get3A_82 = vector.load %arg30[%get3A_80, %get3A_81] : memref<1x300xf32, #tpu.memory_space<vmem>>, vector<1x300xf32>
    %get3A_83 = arith.constant 0 : index
    %get3A_84 = arith.constant 0 : index
    %get3A_85 = vector.load %arg31[%get3A_83, %get3A_84] : memref<300x64xf32, #tpu.memory_space<vmem>>, vector<300x64xf32>
    %get3A_86 = arith.constant 0 : index
    %get3A_87 = arith.constant 0 : index
    %get3A_88 = vector.load %arg32[%get3A_86, %get3A_87] : memref<1x64xf32, #tpu.memory_space<vmem>>, vector<1x64xf32>
    %get3A_89 = arith.constant 0 : index
    %get3A_90 = arith.constant 0 : index
    %get3A_91 = vector.load %arg33[%get3A_89, %get3A_90] : memref<64x64xf32, #tpu.memory_space<vmem>>, vector<64x64xf32>
    %get3A_92 = arith.constant 0 : index
    %get3A_93 = arith.constant 0 : index
    %get3A_94 = vector.load %arg34[%get3A_92, %get3A_93] : memref<1x64xf32, #tpu.memory_space<vmem>>, vector<1x64xf32>
    %get3A_95 = arith.constant 0 : index
    %get3A_96 = arith.constant 0 : index
    %get3A_97 = vector.load %arg35[%get3A_95, %get3A_96] : memref<64x64xf32, #tpu.memory_space<vmem>>, vector<64x64xf32>
    %get3A_98 = arith.constant 0 : index
    %get3A_99 = arith.constant 0 : index
    %get3A_100 = vector.load %arg36[%get3A_98, %get3A_99] : memref<1x64xf32, #tpu.memory_space<vmem>>, vector<1x64xf32>
    %get3A_101 = arith.constant 0 : index
    %get3A_102 = arith.constant 0 : index
    %get3A_103 = vector.load %arg37[%get3A_101, %get3A_102] : memref<64x14xf32, #tpu.memory_space<vmem>>, vector<64x14xf32>
    %get3A_104 = arith.constant 0 : index
    %get3A_105 = arith.constant 0 : index
    %get3A_106 = vector.load %arg38[%get3A_104, %get3A_105] : memref<1x14xf32, #tpu.memory_space<vmem>>, vector<1x14xf32>
    %get3A_107 = arith.constant 0 : index
    %get3A_108 = arith.constant 0 : index
    %get3A_109 = vector.load %arg39[%get3A_107, %get3A_108] : memref<64x400xf32, #tpu.memory_space<vmem>>, vector<64x400xf32>
    %get3A_110 = arith.constant 0 : index
    %get3A_111 = arith.constant 0 : index
    %get3A_112 = vector.load %arg40[%get3A_110, %get3A_111] : memref<1x400xf32, #tpu.memory_space<vmem>>, vector<1x400xf32>
    %get3A_113 = arith.constant 0 : index
    %get3A_114 = arith.constant 0 : index
    %get3A_115 = vector.load %arg41[%get3A_113, %get3A_114] : memref<400x300xf32, #tpu.memory_space<vmem>>, vector<400x300xf32>
    %get3A_116 = arith.constant 0 : index
    %get3A_117 = arith.constant 0 : index
    %get3A_118 = vector.load %arg42[%get3A_116, %get3A_117] : memref<1x300xf32, #tpu.memory_space<vmem>>, vector<1x300xf32>
    %get3A_119 = arith.constant 0 : index
    %get3A_120 = arith.constant 0 : index
    %get3A_121 = vector.load %arg43[%get3A_119, %get3A_120] : memref<300x64xf32, #tpu.memory_space<vmem>>, vector<300x64xf32>
    %get3A_122 = arith.constant 0 : index
    %get3A_123 = arith.constant 0 : index
    %get3A_124 = vector.load %arg44[%get3A_122, %get3A_123] : memref<1x64xf32, #tpu.memory_space<vmem>>, vector<1x64xf32>
    %get3A_125 = arith.constant 0 : index
    %get3A_126 = arith.constant 0 : index
    %get3A_127 = vector.load %arg45[%get3A_125, %get3A_126] : memref<64x64xf32, #tpu.memory_space<vmem>>, vector<64x64xf32>
    %get3A_128 = arith.constant 0 : index
    %get3A_129 = arith.constant 0 : index
    %get3A_130 = vector.load %arg46[%get3A_128, %get3A_129] : memref<1x64xf32, #tpu.memory_space<vmem>>, vector<1x64xf32>
    %get3A_131 = arith.constant 0 : index
    %get3A_132 = arith.constant 0 : index
    %get3A_133 = vector.load %arg47[%get3A_131, %get3A_132] : memref<64x64xf32, #tpu.memory_space<vmem>>, vector<64x64xf32>
    %get3A_134 = arith.constant 0 : index
    %get3A_135 = arith.constant 0 : index
    %get3A_136 = vector.load %arg48[%get3A_134, %get3A_135] : memref<1x64xf32, #tpu.memory_space<vmem>>, vector<1x64xf32>
    %get3A_137 = arith.constant 0 : index
    %get3A_138 = arith.constant 0 : index
    %get3A_139 = vector.load %arg49[%get3A_137, %get3A_138] : memref<64x14xf32, #tpu.memory_space<vmem>>, vector<64x14xf32>
    %get3A_140 = arith.constant 0 : index
    %get3A_141 = arith.constant 0 : index
    %get3A_142 = vector.load %arg50[%get3A_140, %get3A_141] : memref<1x14xf32, #tpu.memory_space<vmem>>, vector<1x14xf32>
    %get3A_143 = arith.constant 0 : index
    %get3A_144 = arith.constant 0 : index
    %get3A_145 = vector.load %arg1[%get3A_143, %get3A_144] : memref<32x16xf32, #tpu.memory_space<vmem>>, vector<32x16xf32>
    %slice3A = vector.extract_strided_slice %get3A_145 {offsets = [0, 0], sizes = [32, 4], strides = [1, 1]} : vector<32x16xf32> to vector<32x4xf32>
    %get3A_146 = arith.constant 0 : index
    %get3A_147 = arith.constant 0 : index
    %get3A_148 = vector.load %arg0[%get3A_146, %get3A_147] : memref<32x256xf32, #tpu.memory_space<vmem>>, vector<32x256xf32>
    %get3A_149 = arith.constant 0 : index
    %get3A_150 = arith.constant 0 : index
    %get3A_151 = vector.load %arg2[%get3A_149, %get3A_150] : memref<32x8xf32, #tpu.memory_space<vmem>>, vector<32x8xf32>
    %broadcast_in_dim3A = arith.constant 0.000000e+00 : f32
    %broadcast_in_dim3A_152 = vector.broadcast %broadcast_in_dim3A : f32 to vector<32x7xf32>
    %broadcast_in_dim3A_153 = arith.constant 0.000000e+00 : f32
    %broadcast_in_dim3A_154 = vector.broadcast %broadcast_in_dim3A_153 : f32 to vector<32x7xf32>
    %slice3A_155 = vector.extract_strided_slice %get3A_148 {offsets = [0, 0], sizes = [32, 64], strides = [1, 1]} : vector<32x256xf32> to vector<32x64xf32>
    %dot_general3A = arith.constant dense<0.000000e+00> : vector<32x400xf32>
    %dot_general3A_156 = tpu.matmul %slice3A_155, %get3A_1, %dot_general3A {dimension_numbers = #tpu.dot_dimension_numbers<[1], [0], [0], [1], [0, 0, 1, 1], [], []>, transpose_lhs_hint = false} : vector<32x64xf32>, vector<64x400xf32>, vector<32x400xf32> -> vector<32x400xf32>
    %add3A = vector.broadcast %get3A_4 : vector<1x400xf32> to vector<32x400xf32>
    %add3A_157 = arith.addf %dot_general3A_156, %add3A : vector<32x400xf32>
    %max3A = arith.constant 0.000000e+00 : f32
    %max3A_158 = vector.broadcast %max3A : f32 to vector<32x400xf32>
    %max3A_159 = arith.maximumf %add3A_157, %max3A_158 : vector<32x400xf32>
    %dot_general3A_160 = arith.constant dense<0.000000e+00> : vector<32x300xf32>
    %dot_general3A_161 = tpu.matmul %max3A_159, %get3A_7, %dot_general3A_160 {dimension_numbers = #tpu.dot_dimension_numbers<[1], [0], [0], [1], [0, 0, 1, 1], [], []>, transpose_lhs_hint = false} : vector<32x400xf32>, vector<400x300xf32>, vector<32x300xf32> -> vector<32x300xf32>
    %add3A_162 = vector.broadcast %get3A_10 : vector<1x300xf32> to vector<32x300xf32>
    %add3A_163 = arith.addf %dot_general3A_161, %add3A_162 : vector<32x300xf32>
    %max3A_164 = arith.constant 0.000000e+00 : f32
    %max3A_165 = vector.broadcast %max3A_164 : f32 to vector<32x300xf32>
    %max3A_166 = arith.maximumf %add3A_163, %max3A_165 : vector<32x300xf32>
    %dot_general3A_167 = arith.constant dense<0.000000e+00> : vector<32x64xf32>
    %dot_general3A_168 = tpu.matmul %max3A_166, %get3A_13, %dot_general3A_167 {dimension_numbers = #tpu.dot_dimension_numbers<[1], [0], [0], [1], [0, 0, 1, 1], [], []>, transpose_lhs_hint = false} : vector<32x300xf32>, vector<300x64xf32>, vector<32x64xf32> -> vector<32x64xf32>
    %add3A_169 = vector.broadcast %get3A_16 : vector<1x64xf32> to vector<32x64xf32>
    %add3A_170 = arith.addf %dot_general3A_168, %add3A_169 : vector<32x64xf32>
    %max3A_171 = arith.constant 0.000000e+00 : f32
    %max3A_172 = vector.broadcast %max3A_171 : f32 to vector<32x64xf32>
    %max3A_173 = arith.maximumf %add3A_170, %max3A_172 : vector<32x64xf32>
    %dot_general3A_174 = arith.constant dense<0.000000e+00> : vector<32x64xf32>
    %dot_general3A_175 = tpu.matmul %max3A_173, %get3A_19, %dot_general3A_174 {dimension_numbers = #tpu.dot_dimension_numbers<[1], [0], [0], [1], [0, 0, 1, 1], [], []>, transpose_lhs_hint = false} : vector<32x64xf32>, vector<64x64xf32>, vector<32x64xf32> -> vector<32x64xf32>
    %add3A_176 = vector.broadcast %get3A_22 : vector<1x64xf32> to vector<32x64xf32>
    %add3A_177 = arith.addf %dot_general3A_175, %add3A_176 : vector<32x64xf32>
    %max3A_178 = arith.constant 0.000000e+00 : f32
    %max3A_179 = vector.broadcast %max3A_178 : f32 to vector<32x64xf32>
    %max3A_180 = arith.maximumf %add3A_177, %max3A_179 : vector<32x64xf32>
    %dot_general3A_181 = arith.constant dense<0.000000e+00> : vector<32x64xf32>
    %dot_general3A_182 = tpu.matmul %max3A_180, %get3A_25, %dot_general3A_181 {dimension_numbers = #tpu.dot_dimension_numbers<[1], [0], [0], [1], [0, 0, 1, 1], [], []>, transpose_lhs_hint = false} : vector<32x64xf32>, vector<64x64xf32>, vector<32x64xf32> -> vector<32x64xf32>
    %add3A_183 = vector.broadcast %get3A_28 : vector<1x64xf32> to vector<32x64xf32>
    %add3A_184 = arith.addf %dot_general3A_182, %add3A_183 : vector<32x64xf32>
    %max3A_185 = arith.constant 0.000000e+00 : f32
    %max3A_186 = vector.broadcast %max3A_185 : f32 to vector<32x64xf32>
    %max3A_187 = arith.maximumf %add3A_184, %max3A_186 : vector<32x64xf32>
    %dot_general3A_188 = arith.constant dense<0.000000e+00> : vector<32x14xf32>
    %dot_general3A_189 = tpu.matmul %max3A_187, %get3A_31, %dot_general3A_188 {dimension_numbers = #tpu.dot_dimension_numbers<[1], [0], [0], [1], [0, 0, 1, 1], [], []>, transpose_lhs_hint = false} : vector<32x64xf32>, vector<64x14xf32>, vector<32x14xf32> -> vector<32x14xf32>
    %add3A_190 = vector.broadcast %get3A_34 : vector<1x14xf32> to vector<32x14xf32>
    %add3A_191 = arith.addf %dot_general3A_189, %add3A_190 : vector<32x14xf32>
    %slice3A_192 = vector.extract_strided_slice %add3A_191 {offsets = [0, 0], sizes = [32, 7], strides = [1, 1]} : vector<32x14xf32> to vector<32x7xf32>
    %slice3A_193 = vector.extract_strided_slice %add3A_191 {offsets = [0, 7], sizes = [32, 7], strides = [1, 1]} : vector<32x14xf32> to vector<32x7xf32>
    %max3A_194 = arith.constant 0.000000e+00 : f32
    %max3A_195 = vector.broadcast %max3A_194 : f32 to vector<32x7xf32>
    %max3A_196 = arith.maximumf %slice3A_193, %max3A_195 : vector<32x7xf32>
    %abs3A = math.absf %slice3A_193 : vector<32x7xf32>
    %neg3A = arith.constant 0.000000e+00 : f32
    %neg3A_197 = vector.broadcast %neg3A : f32 to vector<32x7xf32>
    %neg3A_198 = arith.subf %neg3A_197, %abs3A : vector<32x7xf32>
    %exp3A = math.exp %neg3A_198 : vector<32x7xf32>
    %log1p3A = math.log1p %exp3A : vector<32x7xf32>
    %add3A_199 = arith.addf %max3A_196, %log1p3A : vector<32x7xf32>
    %add3A_200 = arith.constant 1.000000e-03 : f32
    %add3A_201 = vector.broadcast %add3A_200 : f32 to vector<32x7xf32>
    %add3A_202 = arith.addf %add3A_199, %add3A_201 : vector<32x7xf32>
    %log3A = math.log %add3A_202 : vector<32x7xf32>
    %slice3A_203 = vector.extract_strided_slice %slice3A {offsets = [0, 0], sizes = [32, 1], strides = [1, 1]} : vector<32x4xf32> to vector<32x1xf32>
    %exp3A_204 = math.exp %log3A : vector<32x7xf32>
    %add3A_205 = arith.constant 9.99999997E-7 : f32
    %add3A_206 = vector.broadcast %add3A_205 : f32 to vector<32x7xf32>
    %add3A_207 = arith.addf %exp3A_204, %add3A_206 : vector<32x7xf32>
    %div3A = vector.broadcast %slice3A_203 : vector<32x1xf32> to vector<32x7xf32>
    %div3A_208 = arith.divf %div3A, %add3A_207 : vector<32x7xf32>
    %mul3A = arith.mulf %div3A_208, %slice3A_192 : vector<32x7xf32>
    %add3A_209 = arith.addf %broadcast_in_dim3A_152, %mul3A : vector<32x7xf32>
    %add3A_210 = arith.addf %broadcast_in_dim3A_154, %div3A_208 : vector<32x7xf32>
    %slice3A_211 = vector.extract_strided_slice %get3A_148 {offsets = [0, 64], sizes = [32, 64], strides = [1, 1]} : vector<32x256xf32> to vector<32x64xf32>
    %dot_general3A_212 = arith.constant dense<0.000000e+00> : vector<32x400xf32>
    %dot_general3A_213 = tpu.matmul %slice3A_211, %get3A_37, %dot_general3A_212 {dimension_numbers = #tpu.dot_dimension_numbers<[1], [0], [0], [1], [0, 0, 1, 1], [], []>, transpose_lhs_hint = false} : vector<32x64xf32>, vector<64x400xf32>, vector<32x400xf32> -> vector<32x400xf32>
    %add3A_214 = vector.broadcast %get3A_40 : vector<1x400xf32> to vector<32x400xf32>
    %add3A_215 = arith.addf %dot_general3A_213, %add3A_214 : vector<32x400xf32>
    %max3A_216 = arith.constant 0.000000e+00 : f32
    %max3A_217 = vector.broadcast %max3A_216 : f32 to vector<32x400xf32>
    %max3A_218 = arith.maximumf %add3A_215, %max3A_217 : vector<32x400xf32>
    %dot_general3A_219 = arith.constant dense<0.000000e+00> : vector<32x300xf32>
    %dot_general3A_220 = tpu.matmul %max3A_218, %get3A_43, %dot_general3A_219 {dimension_numbers = #tpu.dot_dimension_numbers<[1], [0], [0], [1], [0, 0, 1, 1], [], []>, transpose_lhs_hint = false} : vector<32x400xf32>, vector<400x300xf32>, vector<32x300xf32> -> vector<32x300xf32>
    %add3A_221 = vector.broadcast %get3A_46 : vector<1x300xf32> to vector<32x300xf32>
    %add3A_222 = arith.addf %dot_general3A_220, %add3A_221 : vector<32x300xf32>
    %max3A_223 = arith.constant 0.000000e+00 : f32
    %max3A_224 = vector.broadcast %max3A_223 : f32 to vector<32x300xf32>
    %max3A_225 = arith.maximumf %add3A_222, %max3A_224 : vector<32x300xf32>
    %dot_general3A_226 = arith.constant dense<0.000000e+00> : vector<32x64xf32>
    %dot_general3A_227 = tpu.matmul %max3A_225, %get3A_49, %dot_general3A_226 {dimension_numbers = #tpu.dot_dimension_numbers<[1], [0], [0], [1], [0, 0, 1, 1], [], []>, transpose_lhs_hint = false} : vector<32x300xf32>, vector<300x64xf32>, vector<32x64xf32> -> vector<32x64xf32>
    %add3A_228 = vector.broadcast %get3A_52 : vector<1x64xf32> to vector<32x64xf32>
    %add3A_229 = arith.addf %dot_general3A_227, %add3A_228 : vector<32x64xf32>
    %max3A_230 = arith.constant 0.000000e+00 : f32
    %max3A_231 = vector.broadcast %max3A_230 : f32 to vector<32x64xf32>
    %max3A_232 = arith.maximumf %add3A_229, %max3A_231 : vector<32x64xf32>
    %dot_general3A_233 = arith.constant dense<0.000000e+00> : vector<32x64xf32>
    %dot_general3A_234 = tpu.matmul %max3A_232, %get3A_55, %dot_general3A_233 {dimension_numbers = #tpu.dot_dimension_numbers<[1], [0], [0], [1], [0, 0, 1, 1], [], []>, transpose_lhs_hint = false} : vector<32x64xf32>, vector<64x64xf32>, vector<32x64xf32> -> vector<32x64xf32>
    %add3A_235 = vector.broadcast %get3A_58 : vector<1x64xf32> to vector<32x64xf32>
    %add3A_236 = arith.addf %dot_general3A_234, %add3A_235 : vector<32x64xf32>
    %max3A_237 = arith.constant 0.000000e+00 : f32
    %max3A_238 = vector.broadcast %max3A_237 : f32 to vector<32x64xf32>
    %max3A_239 = arith.maximumf %add3A_236, %max3A_238 : vector<32x64xf32>
    %dot_general3A_240 = arith.constant dense<0.000000e+00> : vector<32x64xf32>
    %dot_general3A_241 = tpu.matmul %max3A_239, %get3A_61, %dot_general3A_240 {dimension_numbers = #tpu.dot_dimension_numbers<[1], [0], [0], [1], [0, 0, 1, 1], [], []>, transpose_lhs_hint = false} : vector<32x64xf32>, vector<64x64xf32>, vector<32x64xf32> -> vector<32x64xf32>
    %add3A_242 = vector.broadcast %get3A_64 : vector<1x64xf32> to vector<32x64xf32>
    %add3A_243 = arith.addf %dot_general3A_241, %add3A_242 : vector<32x64xf32>
    %max3A_244 = arith.constant 0.000000e+00 : f32
    %max3A_245 = vector.broadcast %max3A_244 : f32 to vector<32x64xf32>
    %max3A_246 = arith.maximumf %add3A_243, %max3A_245 : vector<32x64xf32>
    %dot_general3A_247 = arith.constant dense<0.000000e+00> : vector<32x14xf32>
    %dot_general3A_248 = tpu.matmul %max3A_246, %get3A_67, %dot_general3A_247 {dimension_numbers = #tpu.dot_dimension_numbers<[1], [0], [0], [1], [0, 0, 1, 1], [], []>, transpose_lhs_hint = false} : vector<32x64xf32>, vector<64x14xf32>, vector<32x14xf32> -> vector<32x14xf32>
    %add3A_249 = vector.broadcast %get3A_70 : vector<1x14xf32> to vector<32x14xf32>
    %add3A_250 = arith.addf %dot_general3A_248, %add3A_249 : vector<32x14xf32>
    %slice3A_251 = vector.extract_strided_slice %add3A_250 {offsets = [0, 0], sizes = [32, 7], strides = [1, 1]} : vector<32x14xf32> to vector<32x7xf32>
    %slice3A_252 = vector.extract_strided_slice %add3A_250 {offsets = [0, 7], sizes = [32, 7], strides = [1, 1]} : vector<32x14xf32> to vector<32x7xf32>
    %max3A_253 = arith.constant 0.000000e+00 : f32
    %max3A_254 = vector.broadcast %max3A_253 : f32 to vector<32x7xf32>
    %max3A_255 = arith.maximumf %slice3A_252, %max3A_254 : vector<32x7xf32>
    %abs3A_256 = math.absf %slice3A_252 : vector<32x7xf32>
    %neg3A_257 = arith.constant 0.000000e+00 : f32
    %neg3A_258 = vector.broadcast %neg3A_257 : f32 to vector<32x7xf32>
    %neg3A_259 = arith.subf %neg3A_258, %abs3A_256 : vector<32x7xf32>
    %exp3A_260 = math.exp %neg3A_259 : vector<32x7xf32>
    %log1p3A_261 = math.log1p %exp3A_260 : vector<32x7xf32>
    %add3A_262 = arith.addf %max3A_255, %log1p3A_261 : vector<32x7xf32>
    %add3A_263 = arith.constant 1.000000e-03 : f32
    %add3A_264 = vector.broadcast %add3A_263 : f32 to vector<32x7xf32>
    %add3A_265 = arith.addf %add3A_262, %add3A_264 : vector<32x7xf32>
    %log3A_266 = math.log %add3A_265 : vector<32x7xf32>
    %slice3A_267 = vector.extract_strided_slice %slice3A {offsets = [0, 1], sizes = [32, 1], strides = [1, 1]} : vector<32x4xf32> to vector<32x1xf32>
    %exp3A_268 = math.exp %log3A_266 : vector<32x7xf32>
    %add3A_269 = arith.constant 9.99999997E-7 : f32
    %add3A_270 = vector.broadcast %add3A_269 : f32 to vector<32x7xf32>
    %add3A_271 = arith.addf %exp3A_268, %add3A_270 : vector<32x7xf32>
    %div3A_272 = vector.broadcast %slice3A_267 : vector<32x1xf32> to vector<32x7xf32>
    %div3A_273 = arith.divf %div3A_272, %add3A_271 : vector<32x7xf32>
    %mul3A_274 = arith.mulf %div3A_273, %slice3A_251 : vector<32x7xf32>
    %add3A_275 = arith.addf %add3A_209, %mul3A_274 : vector<32x7xf32>
    %add3A_276 = arith.addf %add3A_210, %div3A_273 : vector<32x7xf32>
    %slice3A_277 = vector.extract_strided_slice %get3A_148 {offsets = [0, 128], sizes = [32, 64], strides = [1, 1]} : vector<32x256xf32> to vector<32x64xf32>
    %dot_general3A_278 = arith.constant dense<0.000000e+00> : vector<32x400xf32>
    %dot_general3A_279 = tpu.matmul %slice3A_277, %get3A_73, %dot_general3A_278 {dimension_numbers = #tpu.dot_dimension_numbers<[1], [0], [0], [1], [0, 0, 1, 1], [], []>, transpose_lhs_hint = false} : vector<32x64xf32>, vector<64x400xf32>, vector<32x400xf32> -> vector<32x400xf32>
    %add3A_280 = vector.broadcast %get3A_76 : vector<1x400xf32> to vector<32x400xf32>
    %add3A_281 = arith.addf %dot_general3A_279, %add3A_280 : vector<32x400xf32>
    %max3A_282 = arith.constant 0.000000e+00 : f32
    %max3A_283 = vector.broadcast %max3A_282 : f32 to vector<32x400xf32>
    %max3A_284 = arith.maximumf %add3A_281, %max3A_283 : vector<32x400xf32>
    %dot_general3A_285 = arith.constant dense<0.000000e+00> : vector<32x300xf32>
    %dot_general3A_286 = tpu.matmul %max3A_284, %get3A_79, %dot_general3A_285 {dimension_numbers = #tpu.dot_dimension_numbers<[1], [0], [0], [1], [0, 0, 1, 1], [], []>, transpose_lhs_hint = false} : vector<32x400xf32>, vector<400x300xf32>, vector<32x300xf32> -> vector<32x300xf32>
    %add3A_287 = vector.broadcast %get3A_82 : vector<1x300xf32> to vector<32x300xf32>
    %add3A_288 = arith.addf %dot_general3A_286, %add3A_287 : vector<32x300xf32>
    %max3A_289 = arith.constant 0.000000e+00 : f32
    %max3A_290 = vector.broadcast %max3A_289 : f32 to vector<32x300xf32>
    %max3A_291 = arith.maximumf %add3A_288, %max3A_290 : vector<32x300xf32>
    %dot_general3A_292 = arith.constant dense<0.000000e+00> : vector<32x64xf32>
    %dot_general3A_293 = tpu.matmul %max3A_291, %get3A_85, %dot_general3A_292 {dimension_numbers = #tpu.dot_dimension_numbers<[1], [0], [0], [1], [0, 0, 1, 1], [], []>, transpose_lhs_hint = false} : vector<32x300xf32>, vector<300x64xf32>, vector<32x64xf32> -> vector<32x64xf32>
    %add3A_294 = vector.broadcast %get3A_88 : vector<1x64xf32> to vector<32x64xf32>
    %add3A_295 = arith.addf %dot_general3A_293, %add3A_294 : vector<32x64xf32>
    %max3A_296 = arith.constant 0.000000e+00 : f32
    %max3A_297 = vector.broadcast %max3A_296 : f32 to vector<32x64xf32>
    %max3A_298 = arith.maximumf %add3A_295, %max3A_297 : vector<32x64xf32>
    %dot_general3A_299 = arith.constant dense<0.000000e+00> : vector<32x64xf32>
    %dot_general3A_300 = tpu.matmul %max3A_298, %get3A_91, %dot_general3A_299 {dimension_numbers = #tpu.dot_dimension_numbers<[1], [0], [0], [1], [0, 0, 1, 1], [], []>, transpose_lhs_hint = false} : vector<32x64xf32>, vector<64x64xf32>, vector<32x64xf32> -> vector<32x64xf32>
    %add3A_301 = vector.broadcast %get3A_94 : vector<1x64xf32> to vector<32x64xf32>
    %add3A_302 = arith.addf %dot_general3A_300, %add3A_301 : vector<32x64xf32>
    %max3A_303 = arith.constant 0.000000e+00 : f32
    %max3A_304 = vector.broadcast %max3A_303 : f32 to vector<32x64xf32>
    %max3A_305 = arith.maximumf %add3A_302, %max3A_304 : vector<32x64xf32>
    %dot_general3A_306 = arith.constant dense<0.000000e+00> : vector<32x64xf32>
    %dot_general3A_307 = tpu.matmul %max3A_305, %get3A_97, %dot_general3A_306 {dimension_numbers = #tpu.dot_dimension_numbers<[1], [0], [0], [1], [0, 0, 1, 1], [], []>, transpose_lhs_hint = false} : vector<32x64xf32>, vector<64x64xf32>, vector<32x64xf32> -> vector<32x64xf32>
    %add3A_308 = vector.broadcast %get3A_100 : vector<1x64xf32> to vector<32x64xf32>
    %add3A_309 = arith.addf %dot_general3A_307, %add3A_308 : vector<32x64xf32>
    %max3A_310 = arith.constant 0.000000e+00 : f32
    %max3A_311 = vector.broadcast %max3A_310 : f32 to vector<32x64xf32>
    %max3A_312 = arith.maximumf %add3A_309, %max3A_311 : vector<32x64xf32>
    %dot_general3A_313 = arith.constant dense<0.000000e+00> : vector<32x14xf32>
    %dot_general3A_314 = tpu.matmul %max3A_312, %get3A_103, %dot_general3A_313 {dimension_numbers = #tpu.dot_dimension_numbers<[1], [0], [0], [1], [0, 0, 1, 1], [], []>, transpose_lhs_hint = false} : vector<32x64xf32>, vector<64x14xf32>, vector<32x14xf32> -> vector<32x14xf32>
    %add3A_315 = vector.broadcast %get3A_106 : vector<1x14xf32> to vector<32x14xf32>
    %add3A_316 = arith.addf %dot_general3A_314, %add3A_315 : vector<32x14xf32>
    %slice3A_317 = vector.extract_strided_slice %add3A_316 {offsets = [0, 0], sizes = [32, 7], strides = [1, 1]} : vector<32x14xf32> to vector<32x7xf32>
    %slice3A_318 = vector.extract_strided_slice %add3A_316 {offsets = [0, 7], sizes = [32, 7], strides = [1, 1]} : vector<32x14xf32> to vector<32x7xf32>
    %max3A_319 = arith.constant 0.000000e+00 : f32
    %max3A_320 = vector.broadcast %max3A_319 : f32 to vector<32x7xf32>
    %max3A_321 = arith.maximumf %slice3A_318, %max3A_320 : vector<32x7xf32>
    %abs3A_322 = math.absf %slice3A_318 : vector<32x7xf32>
    %neg3A_323 = arith.constant 0.000000e+00 : f32
    %neg3A_324 = vector.broadcast %neg3A_323 : f32 to vector<32x7xf32>
    %neg3A_325 = arith.subf %neg3A_324, %abs3A_322 : vector<32x7xf32>
    %exp3A_326 = math.exp %neg3A_325 : vector<32x7xf32>
    %log1p3A_327 = math.log1p %exp3A_326 : vector<32x7xf32>
    %add3A_328 = arith.addf %max3A_321, %log1p3A_327 : vector<32x7xf32>
    %add3A_329 = arith.constant 1.000000e-03 : f32
    %add3A_330 = vector.broadcast %add3A_329 : f32 to vector<32x7xf32>
    %add3A_331 = arith.addf %add3A_328, %add3A_330 : vector<32x7xf32>
    %log3A_332 = math.log %add3A_331 : vector<32x7xf32>
    %slice3A_333 = vector.extract_strided_slice %slice3A {offsets = [0, 2], sizes = [32, 1], strides = [1, 1]} : vector<32x4xf32> to vector<32x1xf32>
    %exp3A_334 = math.exp %log3A_332 : vector<32x7xf32>
    %add3A_335 = arith.constant 9.99999997E-7 : f32
    %add3A_336 = vector.broadcast %add3A_335 : f32 to vector<32x7xf32>
    %add3A_337 = arith.addf %exp3A_334, %add3A_336 : vector<32x7xf32>
    %div3A_338 = vector.broadcast %slice3A_333 : vector<32x1xf32> to vector<32x7xf32>
    %div3A_339 = arith.divf %div3A_338, %add3A_337 : vector<32x7xf32>
    %mul3A_340 = arith.mulf %div3A_339, %slice3A_317 : vector<32x7xf32>
    %add3A_341 = arith.addf %add3A_275, %mul3A_340 : vector<32x7xf32>
    %add3A_342 = arith.addf %add3A_276, %div3A_339 : vector<32x7xf32>
    %slice3A_343 = vector.extract_strided_slice %get3A_148 {offsets = [0, 192], sizes = [32, 64], strides = [1, 1]} : vector<32x256xf32> to vector<32x64xf32>
    %dot_general3A_344 = arith.constant dense<0.000000e+00> : vector<32x400xf32>
    %dot_general3A_345 = tpu.matmul %slice3A_343, %get3A_109, %dot_general3A_344 {dimension_numbers = #tpu.dot_dimension_numbers<[1], [0], [0], [1], [0, 0, 1, 1], [], []>, transpose_lhs_hint = false} : vector<32x64xf32>, vector<64x400xf32>, vector<32x400xf32> -> vector<32x400xf32>
    %add3A_346 = vector.broadcast %get3A_112 : vector<1x400xf32> to vector<32x400xf32>
    %add3A_347 = arith.addf %dot_general3A_345, %add3A_346 : vector<32x400xf32>
    %max3A_348 = arith.constant 0.000000e+00 : f32
    %max3A_349 = vector.broadcast %max3A_348 : f32 to vector<32x400xf32>
    %max3A_350 = arith.maximumf %add3A_347, %max3A_349 : vector<32x400xf32>
    %dot_general3A_351 = arith.constant dense<0.000000e+00> : vector<32x300xf32>
    %dot_general3A_352 = tpu.matmul %max3A_350, %get3A_115, %dot_general3A_351 {dimension_numbers = #tpu.dot_dimension_numbers<[1], [0], [0], [1], [0, 0, 1, 1], [], []>, transpose_lhs_hint = false} : vector<32x400xf32>, vector<400x300xf32>, vector<32x300xf32> -> vector<32x300xf32>
    %add3A_353 = vector.broadcast %get3A_118 : vector<1x300xf32> to vector<32x300xf32>
    %add3A_354 = arith.addf %dot_general3A_352, %add3A_353 : vector<32x300xf32>
    %max3A_355 = arith.constant 0.000000e+00 : f32
    %max3A_356 = vector.broadcast %max3A_355 : f32 to vector<32x300xf32>
    %max3A_357 = arith.maximumf %add3A_354, %max3A_356 : vector<32x300xf32>
    %dot_general3A_358 = arith.constant dense<0.000000e+00> : vector<32x64xf32>
    %dot_general3A_359 = tpu.matmul %max3A_357, %get3A_121, %dot_general3A_358 {dimension_numbers = #tpu.dot_dimension_numbers<[1], [0], [0], [1], [0, 0, 1, 1], [], []>, transpose_lhs_hint = false} : vector<32x300xf32>, vector<300x64xf32>, vector<32x64xf32> -> vector<32x64xf32>
    %add3A_360 = vector.broadcast %get3A_124 : vector<1x64xf32> to vector<32x64xf32>
    %add3A_361 = arith.addf %dot_general3A_359, %add3A_360 : vector<32x64xf32>
    %max3A_362 = arith.constant 0.000000e+00 : f32
    %max3A_363 = vector.broadcast %max3A_362 : f32 to vector<32x64xf32>
    %max3A_364 = arith.maximumf %add3A_361, %max3A_363 : vector<32x64xf32>
    %dot_general3A_365 = arith.constant dense<0.000000e+00> : vector<32x64xf32>
    %dot_general3A_366 = tpu.matmul %max3A_364, %get3A_127, %dot_general3A_365 {dimension_numbers = #tpu.dot_dimension_numbers<[1], [0], [0], [1], [0, 0, 1, 1], [], []>, transpose_lhs_hint = false} : vector<32x64xf32>, vector<64x64xf32>, vector<32x64xf32> -> vector<32x64xf32>
    %add3A_367 = vector.broadcast %get3A_130 : vector<1x64xf32> to vector<32x64xf32>
    %add3A_368 = arith.addf %dot_general3A_366, %add3A_367 : vector<32x64xf32>
    %max3A_369 = arith.constant 0.000000e+00 : f32
    %max3A_370 = vector.broadcast %max3A_369 : f32 to vector<32x64xf32>
    %max3A_371 = arith.maximumf %add3A_368, %max3A_370 : vector<32x64xf32>
    %dot_general3A_372 = arith.constant dense<0.000000e+00> : vector<32x64xf32>
    %dot_general3A_373 = tpu.matmul %max3A_371, %get3A_133, %dot_general3A_372 {dimension_numbers = #tpu.dot_dimension_numbers<[1], [0], [0], [1], [0, 0, 1, 1], [], []>, transpose_lhs_hint = false} : vector<32x64xf32>, vector<64x64xf32>, vector<32x64xf32> -> vector<32x64xf32>
    %add3A_374 = vector.broadcast %get3A_136 : vector<1x64xf32> to vector<32x64xf32>
    %add3A_375 = arith.addf %dot_general3A_373, %add3A_374 : vector<32x64xf32>
    %max3A_376 = arith.constant 0.000000e+00 : f32
    %max3A_377 = vector.broadcast %max3A_376 : f32 to vector<32x64xf32>
    %max3A_378 = arith.maximumf %add3A_375, %max3A_377 : vector<32x64xf32>
    %dot_general3A_379 = arith.constant dense<0.000000e+00> : vector<32x14xf32>
    %dot_general3A_380 = tpu.matmul %max3A_378, %get3A_139, %dot_general3A_379 {dimension_numbers = #tpu.dot_dimension_numbers<[1], [0], [0], [1], [0, 0, 1, 1], [], []>, transpose_lhs_hint = false} : vector<32x64xf32>, vector<64x14xf32>, vector<32x14xf32> -> vector<32x14xf32>
    %add3A_381 = vector.broadcast %get3A_142 : vector<1x14xf32> to vector<32x14xf32>
    %add3A_382 = arith.addf %dot_general3A_380, %add3A_381 : vector<32x14xf32>
    %slice3A_383 = vector.extract_strided_slice %add3A_382 {offsets = [0, 0], sizes = [32, 7], strides = [1, 1]} : vector<32x14xf32> to vector<32x7xf32>
    %slice3A_384 = vector.extract_strided_slice %add3A_382 {offsets = [0, 7], sizes = [32, 7], strides = [1, 1]} : vector<32x14xf32> to vector<32x7xf32>
    %max3A_385 = arith.constant 0.000000e+00 : f32
    %max3A_386 = vector.broadcast %max3A_385 : f32 to vector<32x7xf32>
    %max3A_387 = arith.maximumf %slice3A_384, %max3A_386 : vector<32x7xf32>
    %abs3A_388 = math.absf %slice3A_384 : vector<32x7xf32>
    %neg3A_389 = arith.constant 0.000000e+00 : f32
    %neg3A_390 = vector.broadcast %neg3A_389 : f32 to vector<32x7xf32>
    %neg3A_391 = arith.subf %neg3A_390, %abs3A_388 : vector<32x7xf32>
    %exp3A_392 = math.exp %neg3A_391 : vector<32x7xf32>
    %log1p3A_393 = math.log1p %exp3A_392 : vector<32x7xf32>
    %add3A_394 = arith.addf %max3A_387, %log1p3A_393 : vector<32x7xf32>
    %add3A_395 = arith.constant 1.000000e-03 : f32
    %add3A_396 = vector.broadcast %add3A_395 : f32 to vector<32x7xf32>
    %add3A_397 = arith.addf %add3A_394, %add3A_396 : vector<32x7xf32>
    %log3A_398 = math.log %add3A_397 : vector<32x7xf32>
    %slice3A_399 = vector.extract_strided_slice %slice3A {offsets = [0, 3], sizes = [32, 1], strides = [1, 1]} : vector<32x4xf32> to vector<32x1xf32>
    %exp3A_400 = math.exp %log3A_398 : vector<32x7xf32>
    %add3A_401 = arith.constant 9.99999997E-7 : f32
    %add3A_402 = vector.broadcast %add3A_401 : f32 to vector<32x7xf32>
    %add3A_403 = arith.addf %exp3A_400, %add3A_402 : vector<32x7xf32>
    %div3A_404 = vector.broadcast %slice3A_399 : vector<32x1xf32> to vector<32x7xf32>
    %div3A_405 = arith.divf %div3A_404, %add3A_403 : vector<32x7xf32>
    %mul3A_406 = arith.mulf %div3A_405, %slice3A_383 : vector<32x7xf32>
    %add3A_407 = arith.addf %add3A_341, %mul3A_406 : vector<32x7xf32>
    %add3A_408 = arith.addf %add3A_342, %div3A_405 : vector<32x7xf32>
    %add3A_409 = arith.constant 9.99999997E-7 : f32
    %add3A_410 = vector.broadcast %add3A_409 : f32 to vector<32x7xf32>
    %add3A_411 = arith.addf %add3A_408, %add3A_410 : vector<32x7xf32>
    %div3A_412 = arith.divf %add3A_407, %add3A_411 : vector<32x7xf32>
    %slice3A_413 = vector.extract_strided_slice %get3A_151 {offsets = [0, 0], sizes = [32, 7], strides = [1, 1]} : vector<32x8xf32> to vector<32x7xf32>
    %sub3A = arith.subf %slice3A_413, %div3A_412 : vector<32x7xf32>
    %integer_pow3A = arith.mulf %sub3A, %sub3A : vector<32x7xf32>
    %reduce_sum3A = arith.constant dense<0.000000e+00> : vector<32xf32>
    %reduce_sum3A_414 = vector.multi_reduction <add>, %integer_pow3A, %reduce_sum3A [1] : vector<32x7xf32> to vector<32xf32>
    %broadcast_in_dim3A_415 = vector.shape_cast %reduce_sum3A_414 : vector<32xf32> to vector<32x1xf32>
    %div3A_416 = arith.constant 7.000000e+00 : f32
    %div3A_417 = vector.broadcast %div3A_416 : f32 to vector<32x1xf32>
    %div3A_418 = arith.divf %broadcast_in_dim3A_415, %div3A_417 : vector<32x1xf32>
    %broadcast_in_dim3A_419 = vector.shape_cast %div3A_418 : vector<32x1xf32> to vector<32x1xf32>
    %broadcast_in_dim3A_420 = vector.broadcast %broadcast_in_dim3A_419 : vector<32x1xf32> to vector<32x128xf32>
    %swap3A = arith.constant 0 : index
    %swap3A_421 = arith.constant 0 : index
    %swap3A_422 = vector.load %arg51[%swap3A, %swap3A_421] : memref<32x128xf32, #tpu.memory_space<vmem>>, vector<32x128xf32>
    tpu.vector_store %arg51[%swap3A, %swap3A_421], %broadcast_in_dim3A_420 {strides = array<i32>} : memref<32x128xf32, #tpu.memory_space<vmem>>, vector<32x128xf32>,
    return
  }
}

</mosaic_0001>

<sc_bundles>
// kernel: kernel.8.cloned.1.call-start
scs
__scs_entry_jumppad:
0x0: {  	(pc) =	sbr.rel $0x88, $3  }
0x1: {  	(tag) =	ssettag $0x0;
	lr =	simm.s32 $0x1  }
0x2: {  	[smem:$0x3F37] =	sst lr;
	_ =	strace $0xD0000000  }
0x3: {  	_ = 	snop  }
0x4: {  	_ = 	snop  }
0x5: {  	_ = 	snop  }
0x6: {  	_ = 	snop  }
0x7: {  	_ = 	snop  }
__scs_overlays_trampoline_lowered:
0x8: {  	[smem:$0x3F46] =	sst s0  }
0x9: {  	[smem:$0x3F47] =	sst s1  }
0xa: {  	[smem:$0x3F48] =	sst s2  }
0xb: {  	[smem:$0x3F49] =	sst s3  }
0xc: {  	[smem:$0x3F4A] =	sst s4  }
0xd: {  	[smem:$0x3F4B] =	sst s5  }
0xe: {  	[smem:$0x3F4C] =	sst s6  }
0xf: {  	[smem:$0x3F4D] =	sst s7  }
0x10: {  	[smem:$0x3F4E] =	sst s8  }
0x11: {  	[smem:$0x3F4F] =	sst s9;
	s0 =	simm.s32 @!p0 $0x0  }
0x12: {  	s1 =	sld [smem:$0x3F35];
	s0 =	simm.s32 @p0 $0x1  }
0x13: {  	[smem:$0x3F50] =	sst s0;
	s0 =	simm.s32 @!p1 $0x0  }
0x14: {  	s2 =	sld [smem:$0x3F34];
	s0 =	simm.s32 @p1 $0x1  }
0x15: {  	[smem:$0x3F51] =	sst s0;
	s0 =	simm.s32 @!p2 $0x0  }
0x16: {  	s3 =	sld [smem:$0x3FDB];
	s0 =	simm.s32 @p2 $0x1  }
0x17: {  	s4 =	simm.s32 $0x1BF5;
	[smem:$0x3F53] =	sst s0  }
0x18: {  	s0 =	sld [smem:$0x3F36];
	_ =	swait.ge [sflag:s4], $0x0  }
0x19: {  	s7 =	sld [smem:$0x3F37]  }
0x1a: {  	s8 =	sadd.s32 $0xFFFFE003, lr  }
0x1b: {  	s9 =	sadd.s32 $0xFFFFFEF7, lr;
	s5 =	simm.s32 $0xFFFFFFFF;
	p2 =	slt.u32 s8, $0xFFFFF086  }
0x1c: {  	p1 =	slt.u32 s9, $0xF7A;
	s5 =	simm.s32 @!p2 $0x0  }
0x1d: {  	s5 =	simm.s32 @p1 $0x1;
	p0 =	seq.s32 s7, s2  }
0x1e: {  	s7 =	smul.u32 @!p0 $0xF7A, s2;
	p2 =	seq.s32 @!p0 s5, $0x0  }
0x1f: {  	s9 =	smul.u32 $0xF7A, s1;
	s8 =	simm.s32 @!p0 $0x1BF5;
	p2 =	por !p2, p0  }
0x20: {  	[sflag:s8] =	ssyncset.s32 @!p0 $0xFFFFF086;
	s6 =	sadd.s32 @!p0 s3, s7;
	s7 =	simm.s32 @!p0 $0x108  }
0x21: {  	s3 =	sadd.s32 s3, s9;
	s6 =	sadd.s32 @!p0 $0x88, s6;
	s7 =	simm.s32 @p2 $0x1082  }
0x22: {  	[simem:s7], [sflag:s8] =	dma.local @!p0 [hbm:s6], $0xF7A  }
0x23: {  	s9 =	sor.u32 $0xD0000000, s2;
	s6 =	simm.s32 $0x108;
	_ =	swait.ge @!p0 [sflag:s8], $0x0  }
0x24: {  	s3 =	sadd.s32 $0x88, s3;
	s6 =	simm.s32 @!p1 $0x1082;
	[sflag:s4] =	ssyncset.s32 $0xFFFFF086  }
0x25: {  	[simem:s6], [sflag:s4] =	dma.local [hbm:s3], $0xF7A  }
0x26: {  	[smem:$0x3F37] =	sst s1;
	(tag) =	ssettag s2;
	_ =	strace s9  }
0x27: {  	s1 =	sld [smem:$0x3F47]  }
0x28: {  	s2 =	sld [smem:$0x3F48]  }
0x29: {  	s4 =	sld [smem:$0x3F4A]  }
0x2a: {  	p0 =	seq.s32 s5, $0x0;
	s5 =	sld [smem:$0x3F4B]  }
0x2b: {  	s6 =	sld [smem:$0x3F4C]  }
0x2c: {  	s7 =	sld [smem:$0x3F4D]  }
0x2d: {  	s3 =	simm.s32 $0x108;
	s8 =	sld [smem:$0x3F4E]  }
0x2e: {  	s3 =	simm.s32 @!p0 $0x1082;
	s9 =	sld [smem:$0x3F4F]  }
0x2f: {  	lr =	sadd.s32 s0, s3;
	s0 =	sld [smem:$0x3F46]  }
0x30: {  	s3 =	sld [smem:$0x3F49]  }
0x31: {  	[smem:$0x3F52] =	sst s10  }
0x32: {  	s10 =	sld [smem:$0x3F50];
	_ =	sdelay $0x3  }
0x33: {  	p0 =	seq.s32 s10, $0x1;
	s10 =	sld [smem:$0x3F52];
	_ =	sdelay $0x3  }
0x34: {  	[smem:$0x3F52] =	sst s10  }
0x35: {  	s10 =	sld [smem:$0x3F51];
	_ =	sdelay $0x3  }
0x36: {  	p1 =	seq.s32 s10, $0x1;
	s10 =	sld [smem:$0x3F52];
	_ =	sdelay $0x3  }
0x37: {  	[smem:$0x3F52] =	sst s10  }
0x38: {  	s10 =	sld [smem:$0x3F53]  }
0x39: {  	_ = 	snop;
	(pc) =	sbr.ind lr, $3  }
0x3a: {  	_ = 	snop  }
0x3b: {  	_ = 	snop  }
0x3c: {  	p2 =	seq.s32 s10, $0x1;
	s10 =	sld [smem:$0x3F52]  }
0x3d: {  	_ =	shalt  }
0x3e: {  	_ =	shalt  }
0x3f: {  	_ =	shalt  }
0x40: {  	_ =	shalt  }
0x41: {  	_ =	shalt  }
0x42: {  	_ =	shalt  }
0x43: {  	_ =	shalt  }
0x44: {  	_ =	shalt  }
0x45: {  	_ =	shalt  }
0x46: {  	_ =	shalt  }
0x47: {  	_ =	shalt  }
0x48: {  	_ =	shalt  }
0x49: {  	_ =	shalt  }
0x4a: {  	_ =	shalt  }
0x4b: {  	_ =	shalt  }
0x4c: {  	_ =	shalt  }
0x4d: {  	_ =	shalt  }
0x4e: {  	_ =	shalt  }
0x4f: {  	_ =	shalt  }
0x50: {  	_ =	shalt  }
0x51: {  	_ =	shalt  }
0x52: {  	_ =	shalt  }
0x53: {  	_ =	shalt  }
0x54: {  	_ =	shalt  }
0x55: {  	_ =	shalt  }
0x56: {  	_ =	shalt  }
0x57: {  	_ =	shalt  }
0x58: {  	_ =	shalt  }
0x59: {  	_ =	shalt  }
0x5a: {  	_ =	shalt  }
0x5b: {  	_ =	shalt  }
0x5c: {  	_ =	shalt  }
0x5d: {  	_ =	shalt  }
0x5e: {  	_ =	shalt  }
0x5f: {  	_ =	shalt  }
0x60: {  	_ =	shalt  }
0x61: {  	_ =	shalt  }
0x62: {  	_ =	shalt  }
0x63: {  	_ =	shalt  }
0x64: {  	_ =	shalt  }
0x65: {  	_ =	shalt  }
0x66: {  	_ =	shalt  }
0x67: {  	_ =	shalt  }
0x68: {  	_ =	shalt  }
0x69: {  	_ =	shalt  }
0x6a: {  	_ =	shalt  }
0x6b: {  	_ =	shalt  }
0x6c: {  	_ =	shalt  }
0x6d: {  	_ =	shalt  }
0x6e: {  	_ =	shalt  }
0x6f: {  	_ =	shalt  }
0x70: {  	_ =	shalt  }
0x71: {  	_ =	shalt  }
0x72: {  	_ =	shalt  }
0x73: {  	_ =	shalt  }
0x74: {  	_ =	shalt  }
0x75: {  	_ =	shalt  }
0x76: {  	_ =	shalt  }
0x77: {  	_ =	shalt  }
0x78: {  	_ =	shalt  }
0x79: {  	_ =	shalt  }
0x7a: {  	_ =	shalt  }
0x7b: {  	_ =	shalt  }
0x7c: {  	_ =	shalt  }
0x7d: {  	_ =	shalt  }
0x7e: {  	_ =	shalt  }
0x7f: {  	_ =	shalt  }
0x80: {  	_ =	shalt  }
0x81: {  	_ =	shalt  }
0x82: {  	_ =	shalt  }
0x83: {  	_ =	shalt  }
0x84: {  	_ =	shalt  }
0x85: {  	_ =	shalt  }
0x86: {  	_ =	shalt  }
0x87: {  	_ =	shalt  }
.Lfunc_end0:
.L_simem_size_0:
called_computation_lowered:
.L_overlay_start_0:
0x88: {  	s2 =	sld [smem:$0x3FD9]  }
0x89: {  	s3 =	sld [smem:$0x3FFE];
	_ =	sdelay $0x1  }
0x8a: {  	s1 =	srdreg.scid  }
0x8b: {  	s0 =	sand.u32 $0x1, s1  }
0x8c: {  	s16 =	sshll.u32 s0, $0xA;
	s2 =	sadd.s32 s3, s2  }
0x8d: {  	s2 =	sadd.s32 s2, s16  }
0x8e: {  	[smem:$0x3F5E] =	sst s2  }
0x8f: {  	_ = 	snop  }
0x90: {  	(tm) =	ssettm $0x1  }
0x91: {  	s17 =	sld [smem:$0x3FFB];
	_ =	sdelay $0x3  }
0x92: {  	_ =	strace s17  }
0x93: {  	s2 =	sld [smem:$0x3FFC];
	_ =	sdelay $0x3  }
0x94: {  	_ =	strace s2  }
0x95: {  	s2 =	sld [smem:$0x3FFD];
	_ =	sdelay $0x3  }
0x96: {  	_ =	strace s2  }
0x97: {  	_ =	strace $0x8FFFFFFF  }
0x98: {  	s18 =	sld [smem:$0x3FDB];
	_ =	sdelay $0x1  }
0x99: {  	s19 =	simm.s32 $_scs_section_size  }
0x9a: {  	s4 =	simm.s32 $_size__tile_overlayer_lowered;
	s5 =	simm.s32 $_tile_overlayer_lowered  }
0x9b: {  	s22 =	simm.s32 $0x1BFF;
	s21 =	sshll.u32 s5, $0x1;
	s2 =	sadd.s32 s19, s18  }
0x9c: {  	s6 =	simm.s32 $0x0;
	s20 =	sshll.u32 s4, $0x1;
	s4 =	sadd.s32 s21, s2  }
0x9d: {  	[timem:s6], [sflag:s22] =	dma.local [hbm:s4], s20  }
0x9e: {  	_ =	swait.ge [sflag:s22], s20  }
0x9f: {  	s3 =	ssub.s32 $0x0, s20;
	[sflag:s22] =	ssyncset.done $0x0  }
0xa0: {  	[sflag:s22] =	ssyncadd.s32 s3;
	_ =	sdelay $0x1  }
0xa1: {  	s23 =	simm.s32 $0x1B8B  }
0xa2: {  	_ =	swait.ge [sflag:s23], $0x1  }
0xa3: {  	[sflag:s23] =	ssyncset.done $0x0  }
0xa4: {  	s25 =	simm.s32 $0x1B8E;
	s24 =	sld [smem:$0x3FFE];
	[sflag:s23] =	ssyncadd.s32 $0xFFFFFFFF  }
0xa5: {  	s26 =	simm.s32 $execute0_lowered;
	[smem:$0x3FD2] =	sst s25  }
0xa6: {  	s4 =	sshll.u32 s26, $0x1;
	_ =	strace $0x80000046;
	[dreg:$0x1] =	wrdreg $0xFFFFFFFF  }
0xa7: {  	s28 =	simm.s32 $_size_execute0_lowered;
	s2 =	sadd.s32 s2, s4;
	[dreg:$0x0] =	wrdreg $0x0  }
0xa8: {  	s4 =	sshll.u32 s28, $0x1;
	[dreg:$0x2] =	wrdreg s2  }
0xa9: {  	[dreg:$0x3] =	wrdreg s4  }
0xaa: {  	[dreg:$0x4] =	wrdreg $0xC0  }
0xab: {  	_ =	task [dreg:s6], $0x5FFFF  }
0xac: {  	[dreg:$0x1] =	wrdreg $0xFFFFFFFF  }
0xad: {  	[dreg:$0x0] =	wrdreg $0x60  }
0xae: {  	[dreg:$0x2] =	wrdreg s24  }
0xaf: {  	[dreg:$0x3] =	wrdreg $0x9  }
0xb0: {  	_ =	task.clear_ibuf [dreg:s6], $0x4FFFF;
	_ =	strace $0x90000046  }
0xb1: {  	s29 =	simm.s32 $0x9;
	_ =	strace $0x80000048  }
0xb2: {  	_ =	swait.ge [sflag:s29], $0x1  }
0xb3: {  	[sflag:s29] =	ssyncadd.s32 $0xFFFFFFFF  }
0xb4: {  	_ =	strace $0x90000048  }
0xb5: {  	_ =	sfence  }
0xb6: {  	s30 =	sld [smem:$0x0];
	_ =	sdelay $0x2  }
0xb7: {  	s31 =	sshll.u32 s1, $0xD;
	s1 =	sshrl.u32 s1, $0x2  }
0xb8: {  	s3 =	sand.u32 $0x4000, s31;
	s1 =	sadd.s32 s1, s30  }
0xb9: {  	s0 =	sor.u32 s3, s0;
	s1 =	sshll.u32 s1, $0x11  }
0xba: {  	s0 =	sor.u32 s1, s0  }
0xbb: {  	s0 =	sadd.s32 $0x8F2B, s0  }
0xbc: {  	[sflag:s0] =	ssyncadd.remote.s32 $0x1  }
0xbd: {  	_ =	sfence.sel $0xFFFF  }
0xbe: {  	[dreg:$0x0] =	wrdreg $0xFFFFFFFF;
	(pc) =	sbr.abs _section_cstart, $3  }
0xbf: {  	[dreg:$0x1] =	wrdreg $0xFFFFFFFF  }
0xc0: {  	_ =	task.clear_ibuf [dreg:s6], $0x2FFFF;
	_ =	strace $0x9FFFFFFF  }
0xc1: {  	(tm) =	ssettm $0x7FFFFFFF  }
tec
execute0_lowered:
.L_overlay_start_1:
0x0: {  	(tag) =	ssettag $0x1  }
0x1: {  	s0 =	srdreg.scid  }
0x2: {  	s7 =	sand.u32 $0x1, s0  }
0x3: {  	s0 =	stileid.u32;
	s1 =	sshll.u32 s7, $0x4  }
0x4: {  	s1 =	sor.u32 s0, s1  }
0x5: {  	s28 =	sshll.u32 s0, $0x7;
	s9 =	sshrl.u32 s1, $0x3  }
0x6: {  	s10 =	sand.u32 $0x380, s28;
	s2 =	sshll.u32 s9, $0xC  }
0x7: {  	s8 =	rddreg [dreg:$0x0];
	s5 =	simm.s32 $0x80;
	s3 =	sor.u32 s10, s2  }
0x8: {  	s6 =	simm.s32 $0x400;
	s2 =	simm.s32 $0x0;
	s3 =	sshrl.u32 s3, $0x3  }
0x9: {  	s4 =	simm.s32 $0x1;
	[smem:$0x7FF] =	sst s2;
	s3 =	sadd.s32 s3, s8  }
0xa: {  	s1 =	rddreg [dreg:$0x1];
	_ =	strace $0x80000047;
	s3 =	sadd.s32 $0xFA00, s3  }
0xb: {  	[tilespmem:s2], [sflag:$0x1] =	stream.strided.gather [hbm4b:s3+s5], $0x200, s6, s5, $0x38;
	[tilespmem:$0x200] =	vst v63  }
0xc: {  	_ =	swait.ge [sflag:s4], $0x200  }
0xd: {  	[sflag:s4] =	ssyncset.done $0x0  }
0xe: {  	[sflag:s4] =	ssyncadd.s32 $0xFFFFFE00  }
0xf: {  	v0 =	vld [tilespmem:$0x10]  }
0x10: {  	v1 =	vld [tilespmem:$0x0];
	_ =	sdelay $0x1  }
0x11: {  	v2 =	vld [tilespmem:$0x20];
	_ =	sdelay $0x1  }
0x12: {  	v3 =	vld [tilespmem:$0x30]  }
0x13: {  	vm0 =	vlt.f32 v0, v1  }
0x14: {  	v4 =	vld [tilespmem:$0x40];
	v0 =	vsel vm0, v0, v1  }
0x15: {  	vm2 =	vlt.f32 v2, v0  }
0x16: {  	v1 =	vld [tilespmem:$0x50];
	v0 =	vsel vm2, v2, v0  }
0x17: {  	vm1 =	vlt.f32 v3, v0  }
0x18: {  	v2 =	vld [tilespmem:$0x60];
	v0 =	vsel vm1, v3, v0  }
0x19: {  	vm4 =	vlt.f32 v4, v0  }
0x1a: {  	v3 =	vld [tilespmem:$0x70];
	v0 =	vsel vm4, v4, v0  }
0x1b: {  	vm3 =	vlt.f32 v1, v0  }
0x1c: {  	v4 =	vld [tilespmem:$0x80];
	v0 =	vsel vm3, v1, v0  }
0x1d: {  	vm14 =	vlt.f32 v2, v0  }
0x1e: {  	v1 =	vld [tilespmem:$0x90];
	v0 =	vsel vm14, v2, v0  }
0x1f: {  	vm15 =	vlt.f32 v3, v0  }
0x20: {  	v2 =	vld [tilespmem:$0xA0];
	v0 =	vsel vm15, v3, v0  }
0x21: {  	vm12 =	vlt.f32 v4, v0  }
0x22: {  	v3 =	vld [tilespmem:$0xB0];
	v0 =	vsel vm12, v4, v0  }
0x23: {  	vm13 =	vlt.f32 v1, v0  }
0x24: {  	v4 =	vld [tilespmem:$0xC0];
	v0 =	vsel vm13, v1, v0  }
0x25: {  	vm8 =	vlt.f32 v2, v0  }
0x26: {  	v1 =	vld [tilespmem:$0xD0];
	v0 =	vsel vm8, v2, v0  }
0x27: {  	vm10 =	vlt.f32 v3, v0  }
0x28: {  	v2 =	vld [tilespmem:$0xE0];
	v0 =	vsel vm10, v3, v0  }
0x29: {  	vm6 =	vlt.f32 v4, v0  }
0x2a: {  	v0 =	vsel vm6, v4, v0  }
0x2b: {  	v3 =	vld [tilespmem:$0xF0];
	vm9 =	vlt.f32 v1, v0  }
0x2c: {  	v0 =	vsel vm9, v1, v0  }
0x2d: {  	v4 =	vld [tilespmem:$0x100];
	v1 =	vimm.s32 $0x0;
	vm5 =	vlt.f32 v2, v0  }
0x2e: {  	v1 =	vsel vm5, $0xFFFFFFFF, v1  }
0x2f: {  	v0 =	vsel vm5, v2, v0;
	[tilespmem:$0x1FFB0] =	vst v1;
	v1 =	vld [tilespmem:$0x110]  }
0x30: {  	vm7 =	vlt.f32 v3, v0  }
0x31: {  	v0 =	vsel vm7, v3, v0  }
0x32: {  	v2 =	vld [tilespmem:$0x120];
	v3 =	vimm.s32 $0x0;
	vm11 =	vlt.f32 v4, v0  }
0x33: {  	v3 =	vsel vm11, $0xFFFFFFFF, v3;
	v0 =	vsel vm11, v4, v0  }
0x34: {  	v4 =	vimm.s32 $0x0;
	[tilespmem:$0x1FFC0] =	vst v3;
	v3 =	vld [tilespmem:$0x130];
	vm5 =	vlt.f32 v1, v0  }
0x35: {  	v4 =	vsel vm5, $0xFFFFFFFF, v4  }
0x36: {  	v0 =	vsel vm5, v1, v0;
	[tilespmem:$0x1FFD0] =	vst v4;
	v4 =	vld [tilespmem:$0x140]  }
0x37: {  	vm5 =	vlt.f32 v2, v0  }
0x38: {  	v5 =	vld [tilespmem:$0x150];
	v1 =	vimm.s32 $0x0;
	v0 =	vsel vm5, v2, v0  }
0x39: {  	v1 =	vsel vm5, $0xFFFFFFFF, v1;
	vm5 =	vlt.f32 v3, v0  }
0x3a: {  	v6 =	vld [tilespmem:$0x160];
	v0 =	vsel vm5, v3, v0  }
0x3b: {  	[tilespmem:$0x1FFE0] =	vst v1;
	v1 =	vimm.s32 $0x0;
	vm11 =	vlt.f32 v4, v0  }
0x3c: {  	v31 =	vlaneseq.u32;
	v7 =	vld [tilespmem:$0x170];
	v1 =	vsel vm11, $0xFFFFFFFF, v1;
	v3 =	vsel vm11, v4, v0  }
0x3d: {  	v0 =	vor.u32 $0x80000000, v31;
	[tilespmem:$0x1FFF0] =	vst v1;
	v1 =	vor.u32 $0x80000010, v31;
	vm11 =	vlt.f32 v5, v3  }
0x3e: {  	v9 =	vld [tilespmem:$0x180];
	v2 =	vor.u32 $0x80000020, v31;
	v4 =	vsel vm0, v1, v0;
	v5 =	vsel vm11, v5, v3  }
0x3f: {  	v3 =	vor.u32 $0x80000030, v31;
	v4 =	vsel vm2, v2, v4;
	vm0 =	vlt.f32 v6, v5  }
0x40: {  	v11 =	vld [tilespmem:$0x190];
	v8 =	vsel vm1, v3, v4;
	v4 =	vor.u32 $0x80000040, v31;
	v10 =	vsel vm0, v6, v5  }
0x41: {  	v5 =	vor.u32 $0x80000050, v31;
	v6 =	vsel vm4, v4, v8;
	vm1 =	vlt.f32 v7, v10  }
0x42: {  	v13 =	vld [tilespmem:$0x1A0];
	v8 =	vsel vm3, v5, v6;
	v6 =	vor.u32 $0x80000060, v31;
	v10 =	vsel vm1, v7, v10  }
0x43: {  	v7 =	vor.u32 $0x80000070, v31;
	v8 =	vsel vm14, v6, v8;
	vm2 =	vlt.f32 v9, v10  }
0x44: {  	v15 =	vld [tilespmem:$0x1B0];
	v12 =	vsel vm15, v7, v8;
	v8 =	vor.u32 $0x80000080, v31;
	v14 =	vsel vm2, v9, v10  }
0x45: {  	v9 =	vor.u32 $0x80000090, v31;
	v10 =	vsel vm12, v8, v12;
	vm3 =	vlt.f32 v11, v14  }
0x46: {  	v17 =	vld [tilespmem:$0x1C0];
	v12 =	vsel vm13, v9, v10;
	v10 =	vor.u32 $0x800000A0, v31;
	v14 =	vsel vm3, v11, v14  }
0x47: {  	v11 =	vor.u32 $0x800000B0, v31;
	v12 =	vsel vm8, v10, v12;
	vm4 =	vlt.f32 v13, v14  }
0x48: {  	v16 =	vsel vm10, v11, v12;
	v12 =	vor.u32 $0x800000C0, v31;
	v18 =	vsel vm4, v13, v14  }
0x49: {  	v14 =	vsel vm6, v12, v16;
	vm6 =	vlt.f32 v15, v18  }
0x4a: {  	v20 =	vld [tilespmem:$0x1FFB0];
	v18 =	vsel vm6, v15, v18  }
0x4b: {  	vm8 =	vlt.f32 v17, v18  }
0x4c: {  	v22 =	vsel vm8, v17, v18;
	v18 =	vld [tilespmem:$0x1FFC0]  }
0x4d: {  	v19 =	vld [tilespmem:$0x1D0]  }
0x4e: {  	v13 =	vor.u32 $0x800000D0, v31  }
0x4f: {  	v21 =	vld [tilespmem:$0x1E0];
	vm12 =	vnez.u8 v20;
	v16 =	vsel vm9, v13, v14;
	v14 =	vor.u32 $0x800000E0, v31  }
0x50: {  	v15 =	vor.u32 $0x800000F0, v31;
	v16 =	vsel vm12, v14, v16  }
0x51: {  	v20 =	vsel vm7, v15, v16;
	v16 =	vor.u32 $0x80000100, v31;
	vm13 =	vnez.u8 v18  }
0x52: {  	vm7 =	vlt.f32 v19, v22;
	v18 =	vsel vm13, v16, v20;
	v20 =	vld [tilespmem:$0x1FFD0]  }
0x53: {  	v24 =	vld [tilespmem:$0x1FFE0];
	v22 =	vsel vm7, v19, v22  }
0x54: {  	vm12 =	vlt.f32 v21, v22  }
0x55: {  	v25 =	vsel vm12, v21, v22;
	v22 =	vld [tilespmem:$0x1FFF0]  }
0x56: {  	v23 =	vld [tilespmem:$0x1F0]  }
0x57: {  	v17 =	vor.u32 $0x80000110, v31;
	vm14 =	vnez.u8 v20  }
0x58: {  	vm15 =	vnez.u8 v24;
	v20 =	vsel vm14, v17, v18;
	v18 =	vor.u32 $0x80000120, v31  }
0x59: {  	v19 =	vor.u32 $0x80000130, v31;
	v20 =	vsel vm15, v18, v20  }
0x5a: {  	vm13 =	vnez.u8 v22;
	v24 =	vsel vm5, v19, v20;
	v20 =	vor.u32 $0x80000140, v31  }
0x5b: {  	v21 =	vor.u32 $0x80000150, v31;
	vm14 =	vlt.f32 v23, v25;
	v22 =	vsel vm13, v20, v24  }
0x5c: {  	v32 =	vsel vm14, v23, v25;
	v24 =	vsel vm11, v21, v22;
	v22 =	vor.u32 $0x80000160, v31  }
0x5d: {  	v23 =	vor.u32 $0x80000170, v31;
	(xrf0) =	vmin.scan.msk.f32 $0xffff, v32;
	v24 =	vsel vm0, v22, v24  }
0x5e: {  	v25 =	vsel vm1, v23, v24;
	v24 =	vor.u32 $0x80000180, v31  }
0x5f: {  	v26 =	vsel vm2, v24, v25;
	v25 =	vor.u32 $0x80000190, v31  }
0x60: {  	v27 =	vsel vm3, v25, v26;
	v26 =	vor.u32 $0x800001A0, v31  }
0x61: {  	v28 =	vsel vm4, v26, v27;
	v27 =	vor.u32 $0x800001B0, v31  }
0x62: {  	v29 =	vsel vm6, v27, v28;
	v28 =	vor.u32 $0x800001C0, v31  }
0x63: {  	v33, _, _ =	vpop (xrf0);
	v30 =	vsel vm8, v28, v29;
	v29 =	vor.u32 $0x800001D0, v31  }
0x64: {  	v33 =	vbroadcast v33, $0xF;
	v34 =	vsel vm7, v29, v30;
	v30 =	vor.u32 $0x800001E0, v31  }
0x65: {  	v31 =	vor.u32 $0x800001F0, v31;
	v34 =	vsel vm12, v30, v34  }
0x66: {  	vm15 =	veq.f32 v32, v33;
	v34 =	vsel vm14, v31, v34  }
0x67: {  	v32 =	vnsel vm15, $0xC0000000, v34  }
0x68: {  	(xrf0) =	vmin.scan.msk.u32 $0xffff, v32;
	_ =	sdelay $0x5  }
0x69: {  	v32, _, _ =	vpop (xrf0)  }
0x6a: {  	(v2sf) =	vpush v32, $0xF;
	_ =	sdelay $0xa  }
0x6b: {  	s29 =	ssub.s32 $0x2, s7  }
0x6c: {  	s11 =	sshrl.u32 s29, $0x1;
	s9 =	sshll.u32 s9, $0xA  }
0x6d: {  	s9 =	sor.u32 s10, s9;
	s10 =	ssub.s32 s29, s11  }
0x6e: {  	s10 =	smax.u32 s10, $0x1  }
0x6f: {  	s7 =	sadd.s32 $0xDA00, s8;
	p0 =	sne.s32 s10, $0x1;
	s12 =	spop (v2sf)  }
.Ltmp0:
0x70: {  	s9 =	sshrl.u32 s9, $0x3;
	s30 =	sshll.u32 s12, $0x4;
	(pc) =	sbr.rel @!p0 .LBB2_2-.Ltmp0, $4  }
0x71: {  	s31 =	sshll.u32 s0, $0x6;
	s9 =	sadd.s32 s9, s8;
	s11 =	sand.u32 $0x1FFFFFF0, s30  }
0x72: {  	s8 =	sadd.s32 $0x10200, s9;
	s9 =	sor.u32 $0x1C01, s31;
	s11 =	sadd.s32 s7, s11  }
0x73: {  	[hbm:s8], [sflag:s9] =	dma.local [hbm:s11], $0x10  }
0x74: {  	s10 =	sadd.s32 $0xFFFFFFFF, s10;
	_ =	swait.ge [sflag:s4], $0x10  }
.LBB2_1:
0x75: {  	[sflag:s4] =	ssyncset.done $0x0  }
0x76: {  	[sflag:s4] =	ssyncadd.s32 $0xFFFFFFF0  }
0x77: {  	[tilespmem:s2], [sflag:$0x1] =	stream.strided.gather [hbm4b:s3+s5], $0x200, s6, s5, $0x38;
	[tilespmem:$0x200] =	vst v63  }
0x78: {  	_ =	swait.ge [sflag:s4], $0x200  }
0x79: {  	[sflag:s4] =	ssyncset.done $0x0  }
0x7a: {  	[sflag:s4] =	ssyncadd.s32 $0xFFFFFE00  }
0x7b: {  	v32 =	vld [tilespmem:$0x10]  }
0x7c: {  	v33 =	vld [tilespmem:$0x0];
	_ =	sdelay $0x1  }
0x7d: {  	v34 =	vld [tilespmem:$0x20];
	_ =	sdelay $0x1  }
0x7e: {  	v35 =	vld [tilespmem:$0x30]  }
0x7f: {  	vm0 =	vlt.f32 v32, v33  }
0x80: {  	v36 =	vld [tilespmem:$0x40];
	v32 =	vsel vm0, v32, v33  }
0x81: {  	vm1 =	vlt.f32 v34, v32  }
0x82: {  	v46 =	vld [tilespmem:$0x50];
	v32 =	vsel vm1, v34, v32  }
0x83: {  	vm2 =	vlt.f32 v35, v32  }
0x84: {  	v47 =	vld [tilespmem:$0x60];
	v32 =	vsel vm2, v35, v32  }
0x85: {  	vm3 =	vlt.f32 v36, v32  }
0x86: {  	v37 =	vimm.s32 $0x0;
	v48 =	vld [tilespmem:$0x70];
	v32 =	vsel vm3, v36, v32  }
0x87: {  	v37 =	vsel vm3, $0xFFFFFFFF, v37;
	vm3 =	vlt.f32 v46, v32  }
0x88: {  	v50 =	vimm.s32 $0x0;
	v49 =	vld [tilespmem:$0x80];
	v32 =	vsel vm3, v46, v32  }
0x89: {  	[tilespmem:$0x1FF40] =	vst v37;
	v37 =	vsel vm3, $0xFFFFFFFF, v50;
	vm3 =	vlt.f32 v47, v32  }
0x8a: {  	v52 =	vimm.s32 $0x0;
	v51 =	vld [tilespmem:$0x90];
	v32 =	vsel vm3, v47, v32  }
0x8b: {  	[tilespmem:$0x1FF50] =	vst v37;
	v37 =	vsel vm3, $0xFFFFFFFF, v52;
	vm3 =	vlt.f32 v48, v32  }
0x8c: {  	v54 =	vimm.s32 $0x0;
	v53 =	vld [tilespmem:$0xA0];
	v32 =	vsel vm3, v48, v32  }
0x8d: {  	[tilespmem:$0x1FF60] =	vst v37;
	v37 =	vsel vm3, $0xFFFFFFFF, v54;
	vm3 =	vlt.f32 v49, v32  }
0x8e: {  	v56 =	vimm.s32 $0x0;
	v55 =	vld [tilespmem:$0xB0];
	v32 =	vsel vm3, v49, v32  }
0x8f: {  	[tilespmem:$0x1FF70] =	vst v37;
	v37 =	vsel vm3, $0xFFFFFFFF, v56;
	vm3 =	vlt.f32 v51, v32  }
0x90: {  	v58 =	vimm.s32 $0x0;
	v57 =	vld [tilespmem:$0xC0];
	v32 =	vsel vm3, v51, v32  }
0x91: {  	[tilespmem:$0x1FF80] =	vst v37;
	v37 =	vsel vm3, $0xFFFFFFFF, v58;
	vm3 =	vlt.f32 v53, v32  }
0x92: {  	v59 =	vld [tilespmem:$0xD0];
	v32 =	vsel vm3, v53, v32  }
0x93: {  	vm10 =	vlt.f32 v55, v32  }
0x94: {  	v61 =	vld [tilespmem:$0xE0];
	v32 =	vsel vm10, v55, v32  }
0x95: {  	vm11 =	vlt.f32 v57, v32  }
0x96: {  	v62 =	vld [tilespmem:$0xF0];
	v32 =	vsel vm11, v57, v32  }
0x97: {  	vm12 =	vlt.f32 v59, v32  }
0x98: {  	v63 =	vld [tilespmem:$0x100];
	v32 =	vsel vm12, v59, v32  }
0x99: {  	vm13 =	vlt.f32 v61, v32  }
0x9a: {  	v40 =	vld [tilespmem:$0x110];
	v32 =	vsel vm13, v61, v32  }
0x9b: {  	vm14 =	vlt.f32 v62, v32  }
0x9c: {  	v41 =	vld [tilespmem:$0x120];
	v32 =	vsel vm14, v62, v32  }
0x9d: {  	vm15 =	vlt.f32 v63, v32  }
0x9e: {  	v42 =	vld [tilespmem:$0x130];
	v32 =	vsel vm15, v63, v32  }
0x9f: {  	v43 =	vld [tilespmem:$0x140];
	vm8 =	vlt.f32 v40, v32  }
0xa0: {  	v44 =	vld [tilespmem:$0x150];
	v32 =	vsel vm8, v40, v32  }
0xa1: {  	v45 =	vld [tilespmem:$0x160];
	vm7 =	vlt.f32 v41, v32  }
0xa2: {  	v46 =	vld [tilespmem:$0x170];
	v32 =	vsel vm7, v41, v32  }
0xa3: {  	v50 =	vld [tilespmem:$0x190];
	vm6 =	vlt.f32 v42, v32  }
0xa4: {  	v47 =	vld [tilespmem:$0x180];
	v32 =	vsel vm6, v42, v32  }
0xa5: {  	v51 =	vld [tilespmem:$0x1FF40];
	vm5 =	vlt.f32 v43, v32  }
0xa6: {  	v38 =	vld [tilespmem:$0x1FF50];
	v32 =	vsel vm5, v43, v32  }
0xa7: {  	v53 =	vld [tilespmem:$0x1FF60];
	vm4 =	vlt.f32 v44, v32  }
0xa8: {  	v60 =	vimm.s32 $0x0;
	v48 =	vsel vm0, v1, v0;
	v55 =	vld [tilespmem:$0x1FF70];
	v32 =	vsel vm4, v44, v32  }
0xa9: {  	v49 =	vsel vm1, v2, v48;
	v56 =	vld [tilespmem:$0x1FF80];
	[tilespmem:$0x1FF90] =	vst v37;
	v37 =	vsel vm3, $0xFFFFFFFF, v60;
	vm3 =	vlt.f32 v45, v32  }
0xaa: {  	v33 =	vsel vm2, v3, v49;
	v58 =	vld [tilespmem:$0x1FF90];
	[tilespmem:$0x1FFA0] =	vst v37;
	vm9 =	vnez.u8 v51;
	v32 =	vsel vm3, v45, v32  }
0xab: {  	v33 =	vsel vm9, v4, v33;
	vm9 =	vnez.u8 v38;
	v59 =	vld [tilespmem:$0x1FFA0];
	vm2 =	vlt.f32 v46, v32  }
0xac: {  	v52 =	vld [tilespmem:$0x1A0];
	v33 =	vsel vm9, v5, v33;
	vm9 =	vnez.u8 v53;
	v32 =	vsel vm2, v46, v32  }
0xad: {  	v33 =	vsel vm9, v6, v33;
	vm9 =	vnez.u8 v55;
	vm1 =	vlt.f32 v47, v32  }
0xae: {  	v54 =	vld [tilespmem:$0x1B0];
	v33 =	vsel vm9, v7, v33;
	vm9 =	vnez.u8 v56;
	v32 =	vsel vm1, v47, v32  }
0xaf: {  	v33 =	vsel vm9, v8, v33;
	vm9 =	vnez.u8 v58;
	vm0 =	vlt.f32 v50, v32  }
0xb0: {  	v57 =	vld [tilespmem:$0x1C0];
	v33 =	vsel vm9, v9, v33;
	vm9 =	vnez.u8 v59;
	v32 =	vsel vm0, v50, v32  }
0xb1: {  	v33 =	vsel vm9, v10, v33;
	vm9 =	vlt.f32 v52, v32  }
0xb2: {  	v60 =	vld [tilespmem:$0x1D0];
	v33 =	vsel vm10, v11, v33;
	v32 =	vsel vm9, v52, v32  }
0xb3: {  	v33 =	vsel vm11, v12, v33;
	vm10 =	vlt.f32 v54, v32  }
0xb4: {  	v61 =	vld [tilespmem:$0x1E0];
	v33 =	vsel vm12, v13, v33;
	v32 =	vsel vm10, v54, v32  }
0xb5: {  	v33 =	vsel vm13, v14, v33;
	vm11 =	vlt.f32 v57, v32  }
0xb6: {  	v62 =	vld [tilespmem:$0x1F0];
	v33 =	vsel vm14, v15, v33;
	v32 =	vsel vm11, v57, v32  }
0xb7: {  	v33 =	vsel vm15, v16, v33;
	vm12 =	vlt.f32 v60, v32  }
0xb8: {  	v33 =	vsel vm8, v17, v33;
	v32 =	vsel vm12, v60, v32  }
0xb9: {  	v33 =	vsel vm7, v18, v33;
	vm13 =	vlt.f32 v61, v32  }
0xba: {  	v33 =	vsel vm6, v19, v33;
	v32 =	vsel vm13, v61, v32  }
0xbb: {  	v33 =	vsel vm5, v20, v33;
	vm14 =	vlt.f32 v62, v32  }
0xbc: {  	v33 =	vsel vm4, v21, v33;
	v32 =	vsel vm14, v62, v32  }
0xbd: {  	v33 =	vsel vm3, v22, v33;
	(xrf0) =	vmin.scan.msk.f32 $0xffff, v32  }
0xbe: {  	v33 =	vsel vm2, v23, v33  }
0xbf: {  	v33 =	vsel vm1, v24, v33  }
0xc0: {  	v33 =	vsel vm0, v25, v33  }
0xc1: {  	v33 =	vsel vm9, v26, v33  }
0xc2: {  	v33 =	vsel vm10, v27, v33  }
0xc3: {  	v33 =	vsel vm11, v28, v33;
	v63, _, _ =	vpop (xrf0)  }
0xc4: {  	v33 =	vsel vm12, v29, v33;
	v34 =	vbroadcast v63, $0xF  }
0xc5: {  	v33 =	vsel vm13, v30, v33  }
0xc6: {  	v33 =	vsel vm14, v31, v33;
	vm15 =	veq.f32 v32, v34  }
0xc7: {  	v32 =	vnsel vm15, $0xC0000000, v33  }
0xc8: {  	(xrf0) =	vmin.scan.msk.u32 $0xffff, v32;
	_ =	sdelay $0x5  }
0xc9: {  	v32, _, _ =	vpop (xrf0)  }
0xca: {  	(v2sf) =	vpush v32, $0xF;
	_ =	sdelay $0xe  }
0xcb: {  	p0 =	sne.s32 s10, $0x1;
	s11 =	spop (v2sf)  }
.Ltmp1:
0xcc: {  	s11 =	sshll.u32 s11, $0x4;
	(pc) =	sbr.rel @p0 .LBB2_1-.Ltmp1, $4  }
0xcd: {  	s11 =	sand.u32 $0x1FFFFFF0, s11  }
0xce: {  	s11 =	sadd.s32 s7, s11  }
0xcf: {  	[hbm:s8], [sflag:s9] =	dma.local [hbm:s11], $0x10  }
0xd0: {  	s10 =	sadd.s32 $0xFFFFFFFF, s10;
	_ =	swait.ge [sflag:s4], $0x10  }
.LBB2_2:
0xd1: {  	[sflag:s4] =	ssyncset.done $0x0  }
0xd2: {  	[sflag:s4] =	ssyncadd.s32 $0xFFFFFFF0  }
0xd3: {  	_ =	sfence.sel $0x180000  }
0xd4: {  	[bflag:$0x0] =	sbarrier.arrive $0xFFFF  }
0xd5: {  	p0 =	sne.s32 s0, $0x0;
	_ =	strace $0x90000047  }
0xd6: {  	s0 =	sadd.s32 @!p0 $0x100000, s1;
	[bflag:$0x2] =	sbarrier.arrive $0xFFFF  }
0xd7: {  	[sflag:s0] =	ssyncadd.tile.s32 @!p0 $0x1;
	_ =	shalt  }
.Lfunc_end2:
_tile_overlayer_lowered:
.L_overlay_start_2:
0xd8: {  	(tag) =	ssettag $0x2  }
0xd9: {  	s0 =	rddreg [dreg:$0x0];
	s2 =	stileid.u32  }
0xda: {  	s1 =	rddreg [dreg:$0x1];
	p0 =	sne.s32 s2, $0x0  }
0xdb: {  	s3 =	rddreg [dreg:$0x2];
	[bflag:$0x3] =	sbarrier.arrive $0xFFFF;
	s2 =	simm.s32 @!p0 $0x1C02  }
0xdc: {  	[timem:s3], [sflag:s2] =	dma.local @!p0 [hbm:s0], s1  }
0xdd: {  	s0 =	simm.s32 @!p0 $0x2  }
0xde: {  	_ =	swait.ge @!p0 [sflag:s0], s1  }
0xdf: {  	s1 =	ssub.s32 @!p0 $0x0, s1;
	[sflag:s0] =	ssyncset.done @!p0 $0x0  }
0xe0: {  	[sflag:s0] =	ssyncadd.s32 @!p0 s1  }
0xe1: {  	[bflag:$0x3] =	sbarrier.arrive $0xFFFF  }
0xe2: {  	_ =	shalt  }

</sc_bundles>
